<compile_context>
chip_gen: v7x
topology: tpu7x:2x2x1
jax: 0.10.2.dev20260603
libtpu: 0.0.44.dev20260713+nightly
codegen_flags: <defaults>
</compile_context>

<pallas_src>
import functools
import numpy as np
import jax
import jax.numpy as jnp
from jax import lax
from jax.experimental import pallas as pl
from jax.experimental.pallas import tpu as pltpu
from jax.experimental.pallas import tpu_sc as plsc

IMAGE_W = 1024
IMAGE_H = 1024
STRIDES = (8, 16, 32, 64, 128)
TOP_N = 1000
MIN_SCORE = 0.05
NMS_TH = 0.6
MAX_DET = 100
NUM_CLASSES = 80
BATCH = 8

PS = tuple((IMAGE_H // s) ** 2 for s in STRIDES)
NTOT = sum(PS)
CH = 512
NSTEP = 43
NPAD = NSTEP * CH
NBLK = NPAD // 128
NBPAD = 176
BOUNDS = tuple(int(x) for x in np.cumsum((0,) + PS))
CAPS = tuple(min(TOP_N, p) for p in PS)
TOTAL_CAND = sum(CAPS)
OUTP = 112


def _decode_chunk(cls, reg, ctr, stride, f, ch, local_i):
    sub = min(ch, 128)
    ms_parts, argm_parts = [], []
    for k in range(ch // sub):
        sig = jax.nn.sigmoid(cls[:, k * sub:(k + 1) * sub, :])
        ms_parts.append(jnp.max(sig, axis=2))
        argm_parts.append(jnp.argmax(sig, axis=2).astype(jnp.int32))
    ms = jnp.concatenate(ms_parts, axis=1) if len(ms_parts) > 1 else ms_parts[0]
    argm = (jnp.concatenate(argm_parts, axis=1)
            if len(argm_parts) > 1 else argm_parts[0])
    score = jnp.sqrt(ms * jax.nn.sigmoid(ctr))
    regs = jnp.exp(reg)
    p = lax.broadcasted_iota(jnp.int32, (BATCH, ch), 1) + local_i * ch
    a = p // f
    b = p - a * f
    px = (b.astype(jnp.float32) + 0.5) * stride
    py = (a.astype(jnp.float32) + 0.5) * stride
    x1 = jnp.floor(jnp.maximum(px - regs[:, :, 0], 0.0)).astype(jnp.int32)
    y1 = jnp.floor(jnp.maximum(py - regs[:, :, 1], 0.0)).astype(jnp.int32)
    x2 = jnp.minimum(jnp.floor(px + regs[:, :, 2]), IMAGE_W - 1.0).astype(jnp.int32)
    y2 = jnp.minimum(jnp.floor(py + regs[:, :, 3]), IMAGE_H - 1.0).astype(jnp.int32)
    pa = x1 | (y1 << 10) | (argm << 20)
    pb = x2 | (y2 << 10)
    return score, pa, pb


def _store_tiles(sco_ref, pa_ref, pb_ref, s_, a_, b_):
    for c in range(CH // 128):
        sco_ref[pl.ds(c * 8, 8), :] = s_[:, c * 128:(c + 1) * 128]
        pa_ref[pl.ds(c * 8, 8), :] = a_[:, c * 128:(c + 1) * 128]
        pb_ref[pl.ds(c * 8, 8), :] = b_[:, c * 128:(c + 1) * 128]


def _dense_body(cls0, reg0, ctr0, cls1, reg1, ctr1, cls2, reg2, ctr2,
                cls3, reg3, ctr3, cls4, reg4, ctr4, sco_ref, pa_ref, pb_ref):
    i = pl.program_id(0)

    def emit(cls_ref, reg_ref, ctr_ref, li, local_i):
        stride = float(STRIDES[li])
        f = IMAGE_H // STRIDES[li]
        s_, a_, b_ = _decode_chunk(cls_ref[...], reg_ref[...], ctr_ref[...],
                                   stride, f, CH, local_i)
        _store_tiles(sco_ref, pa_ref, pb_ref, s_, a_, b_)

    @pl.when(i < 32)
    def _():
        emit(cls0, reg0, ctr0, 0, i)

    @pl.when((i >= 32) & (i < 40))
    def _():
        emit(cls1, reg1, ctr1, 1, i - 32)

    @pl.when((i >= 40) & (i < 42))
    def _():
        emit(cls2, reg2, ctr2, 2, i - 40)

    @pl.when(i == 42)
    def _():
        s3, a3, b3 = _decode_chunk(cls3[...], reg3[...], ctr3[...],
                                   float(STRIDES[3]), IMAGE_H // STRIDES[3],
                                   PS[3], 0)
        s4, a4, b4 = _decode_chunk(cls4[...], reg4[...], ctr4[...],
                                   float(STRIDES[4]), IMAGE_H // STRIDES[4],
                                   PS[4], 0)
        padw = CH - PS[3] - PS[4]
        s_ = jnp.concatenate(
            [s3, s4, jnp.full((BATCH, padw), -jnp.inf, jnp.float32)], axis=1)
        a_ = jnp.concatenate(
            [a3, a4, jnp.zeros((BATCH, padw), jnp.int32)], axis=1)
        b_ = jnp.concatenate(
            [b3, b4, jnp.zeros((BATCH, padw), jnp.int32)], axis=1)
        _store_tiles(sco_ref, pa_ref, pb_ref, s_, a_, b_)


def _dense_call():
    def cspec(P, C, off, hi):
        nch = max(P // CH, 1)
        if C is None:
            return pl.BlockSpec((BATCH, min(P, CH)),
                                lambda i, off=off, hi=hi: (0, jnp.clip(i - off, 0, hi)))
        return pl.BlockSpec((BATCH, min(P, CH), C),
                            lambda i, off=off, hi=hi: (0, jnp.clip(i - off, 0, hi), 0))

    in_specs = []
    offs = (0, 32, 40, 42, 42)
    for li in range(5):
        P = PS[li]
        hi = max(P // CH - 1, 0)
        in_specs.append(cspec(P, NUM_CLASSES, offs[li], hi))
        in_specs.append(cspec(P, 4, offs[li], hi))
        in_specs.append(cspec(P, None, offs[li], hi))

    return pl.pallas_call(
        _dense_body,
        grid=(NSTEP,),
        in_specs=in_specs,
        out_specs=[
            pl.BlockSpec((4 * BATCH, 128), lambda i: (i, 0)),
            pl.BlockSpec((4 * BATCH, 128), lambda i: (i, 0)),
            pl.BlockSpec((4 * BATCH, 128), lambda i: (i, 0)),
        ],
        out_shape=[
            jax.ShapeDtypeStruct((NBLK * BATCH, 128), jnp.float32),
            jax.ShapeDtypeStruct((NBLK * BATCH, 128), jnp.int32),
            jax.ShapeDtypeStruct((NBLK * BATCH, 128), jnp.int32),
        ],
    )


def _sc_decode(scores, pa, pb):
    mesh = plsc.VectorSubcoreMesh(core_axis_name="c", subcore_axis_name="s")

    @functools.partial(
        pl.kernel,
        mesh=mesh,
        compiler_params=pltpu.CompilerParams(needs_layout_passes=False, use_tc_tiling_on_sc=True),
        out_type=[
            jax.ShapeDtypeStruct((BATCH, OUTP), jnp.float32),
            jax.ShapeDtypeStruct((BATCH, OUTP), jnp.float32),
            jax.ShapeDtypeStruct((BATCH, 4 * OUTP), jnp.float32),
        ],
        scratch_types=[
            pltpu.VMEM((NBLK, 128), jnp.float32),
            pltpu.VMEM((NBLK, 128), jnp.int32),
            pltpu.VMEM((NBLK, 128), jnp.int32),
            pltpu.VMEM((NBPAD,), jnp.int32),
            pltpu.SemaphoreType.DMA,
            pltpu.VMEM((NBPAD,), jnp.float32),
            pltpu.VMEM((OUTP,), jnp.float32),
            pltpu.VMEM((OUTP,), jnp.float32),
            pltpu.VMEM((OUTP,), jnp.float32),
            pltpu.VMEM((OUTP,), jnp.float32),
            pltpu.VMEM((OUTP,), jnp.float32),
            pltpu.VMEM((OUTP,), jnp.float32),
            pltpu.VMEM((OUTP,), jnp.float32),
            pltpu.VMEM((4 * OUTP,), jnp.float32),
        ],
    )
    def k(sco_hbm, pa_hbm, pb_hbm, outs_hbm, outc_hbm, outb_hbm,
          sco_v, pa_v, pb_v, idx_v, dsem, bm_v, kx1_v, ky1_v, kx2_v, ky2_v,
          kar_v, outs_v, outc_v, outb_v):
        wid = lax.axis_index("s") * 2 + lax.axis_index("c")

        @pl.when(wid < BATCH)
        def _():
            img = wid
            iota = lax.iota(jnp.int32, 16)
            neg = jnp.full((16,), -jnp.inf, jnp.float32)
            lane0 = iota == 0
            for j in range(NBPAD // 16):
                idx_v[pl.ds(j * 16, 16)] = (iota + j * 16) * BATCH + img
            cps = []
            for src, dst in ((sco_hbm, sco_v), (pa_hbm, pa_v), (pb_hbm, pb_v)):
                cps.append(pltpu.async_copy(
                    src.at[idx_v.at[pl.ds(0, 128)]], dst.at[pl.ds(0, 128)],
                    dsem))
                cps.append(pltpu.async_copy(
                    src.at[idx_v.at[pl.ds(128, NBLK - 128)]],
                    dst.at[pl.ds(128, NBLK - 128)], dsem))
            for cp in cps:
                cp.wait()

            def bm_body(blk, carry):
                m = sco_v[blk, pl.ds(0, 16)]
                for j in range(1, 8):
                    m = jnp.maximum(m, sco_v[blk, pl.ds(j * 16, 16)])
                plsc.store_scatter(bm_v, [jnp.full((16,), blk, jnp.int32)],
                                   jnp.full((16,), jnp.max(m)), mask=lane0)
                return carry

            lax.fori_loop(0, NBLK, bm_body, 0)
            tail = bm_v[pl.ds(NBPAD - 16, 16)]
            bm_v[pl.ds(NBPAD - 16, 16)] = jnp.where(
                iota + (NBPAD - 16) < NBLK, tail, neg)

            mone = jnp.full((16,), -1.0, jnp.float32)
            for j in range(OUTP // 16):
                outs_v[pl.ds(j * 16, 16)] = mone
                outc_v[pl.ds(j * 16, 16)] = mone
            for j in range(4 * OUTP // 16):
                outb_v[pl.ds(j * 16, 16)] = mone

            def cond(carry):
                go, kept, seen = carry[0], carry[1], carry[2]
                return (go > 0) & (kept < MAX_DET) & (seen < TOTAL_CAND)

            def body(carry):
                go, kept, seen, c0, c1, c2, c3, c4 = carry
                m = neg
                bi = jnp.zeros((16,), jnp.int32)
                for j in range(NBPAD // 16):
                    v = bm_v[pl.ds(j * 16, 16)]
                    upd = v > m
                    m = jnp.where(upd, v, m)
                    bi = jnp.where(upd, iota + j * 16, bi)
                M1 = jnp.max(m)
                blk = jnp.min(jnp.where(m == jnp.full((16,), M1), bi, NBPAD))
                m2 = neg
                pi = jnp.zeros((16,), jnp.int32)
                for j in range(8):
                    v = sco_v[blk, pl.ds(j * 16, 16)]
                    upd = v > m2
                    m2 = jnp.where(upd, v, m2)
                    pi = jnp.where(upd, iota + j * 16, pi)
                M = jnp.max(m2)
                Mv = jnp.full((16,), M)
                pos_in = jnp.min(jnp.where(m2 == Mv, pi, 128))
                pos = blk * 128 + pos_in
                go2 = jnp.sum((m2 > MIN_SCORE).astype(jnp.int32)) > 0

                lvl = ((pos >= BOUNDS[1]).astype(jnp.int32)
                       + (pos >= BOUNDS[2]).astype(jnp.int32)
                       + (pos >= BOUNDS[3]).astype(jnp.int32)
                       + (pos >= BOUNDS[4]).astype(jnp.int32))
                cnt = jnp.where(lvl == 0, c0,
                      jnp.where(lvl == 1, c1,
                      jnp.where(lvl == 2, c2,
                      jnp.where(lvl == 3, c3, c4))))
                cap = jnp.where(lvl == 0, CAPS[0],
                      jnp.where(lvl == 1, CAPS[1],
                      jnp.where(lvl == 2, CAPS[2],
                      jnp.where(lvl == 3, CAPS[3], CAPS[4]))))
                is_cand = (cnt < cap) & go2

                rowv = jnp.full((16,), blk, jnp.int32)
                colv = jnp.full((16,), pos_in, jnp.int32)
                pav = plsc.load_gather(pa_v, [rowv, colv])
                pbv = plsc.load_gather(pb_v, [rowv, colv])
                cx1 = (pav & 1023).astype(jnp.float32)
                cy1 = ((pav >> 10) & 1023).astype(jnp.float32)
                ccls = ((pav >> 20) & 127).astype(jnp.float32)
                cx2 = (pbv & 1023).astype(jnp.float32)
                cy2 = ((pbv >> 10) & 1023).astype(jnp.float32)
                car = (cx2 - cx1) * (cy2 - cy1)

                sup = jnp.zeros((16,), jnp.bool_)
                keptv = jnp.full((16,), kept)
                for j in range(OUTP // 16):
                    valid = (iota + j * 16) < keptv
                    qx1 = kx1_v[pl.ds(j * 16, 16)]
                    qy1 = ky1_v[pl.ds(j * 16, 16)]
                    qx2 = kx2_v[pl.ds(j * 16, 16)]
                    qy2 = ky2_v[pl.ds(j * 16, 16)]
                    qar = kar_v[pl.ds(j * 16, 16)]
                    xx1 = jnp.maximum(qx1, cx1)
                    yy1 = jnp.maximum(qy1, cy1)
                    xx2 = jnp.minimum(qx2, cx2)
                    yy2 = jnp.minimum(qy2, cy2)
                    inter = (jnp.maximum(xx2 - xx1, 0.0)
                             * jnp.maximum(yy2 - yy1, 0.0))
                    union = qar + car - inter
                    iou = jnp.where(union > 0.0,
                                    inter / jnp.maximum(union, 1e-12), 0.0)
                    sup = sup | (valid & (iou > NMS_TH))
                keep = is_cand & jnp.logical_not(jnp.any(sup))

                @pl.when(go2)
                def _():
                    plsc.store_scatter(sco_v, [rowv, colv], neg, mask=lane0)
                    mm = neg
                    for j in range(8):
                        mm = jnp.maximum(mm, sco_v[blk, pl.ds(j * 16, 16)])
                    plsc.store_scatter(bm_v, [rowv],
                                       jnp.full((16,), jnp.max(mm)), mask=lane0)

                @pl.when(keep)
                def _():
                    kidx = jnp.full((16,), kept, jnp.int32)
                    plsc.store_scatter(kx1_v, [kidx], cx1, mask=lane0)
                    plsc.store_scatter(ky1_v, [kidx], cy1, mask=lane0)
                    plsc.store_scatter(kx2_v, [kidx], cx2, mask=lane0)
                    plsc.store_scatter(ky2_v, [kidx], cy2, mask=lane0)
                    plsc.store_scatter(kar_v, [kidx], car, mask=lane0)
                    plsc.store_scatter(outs_v, [kidx], Mv, mask=lane0)
                    plsc.store_scatter(outc_v, [kidx], ccls, mask=lane0)
                    bidx = kidx * 4 + jnp.minimum(iota, 3)
                    bvals = jnp.where(iota == 0, cx1,
                            jnp.where(iota == 1, cy1,
                            jnp.where(iota == 2, cx2, cy2)))
                    plsc.store_scatter(outb_v, [bidx], bvals, mask=iota < 4)

                inc = is_cand.astype(jnp.int32)
                return (go2.astype(jnp.int32),
                        kept + keep.astype(jnp.int32),
                        seen + inc,
                        c0 + jnp.where(lvl == 0, inc, 0),
                        c1 + jnp.where(lvl == 1, inc, 0),
                        c2 + jnp.where(lvl == 2, inc, 0),
                        c3 + jnp.where(lvl == 3, inc, 0),
                        c4 + jnp.where(lvl == 4, inc, 0))

            z = jnp.int32(0)
            lax.while_loop(cond, body, (jnp.int32(1), z, z, z, z, z, z, z))

            pltpu.sync_copy(outs_v, outs_hbm.at[img])
            pltpu.sync_copy(outc_v, outc_hbm.at[img])
            pltpu.sync_copy(outb_v, outb_hbm.at[img])

    return k(scores, pa, pb)


def kernel(cls_head_0, reg_head_0, center_head_0,
           cls_head_1, reg_head_1, center_head_1,
           cls_head_2, reg_head_2, center_head_2,
           cls_head_3, reg_head_3, center_head_3,
           cls_head_4, reg_head_4, center_head_4):
    cls_heads = [cls_head_0, cls_head_1, cls_head_2, cls_head_3, cls_head_4]
    reg_heads = [reg_head_0, reg_head_1, reg_head_2, reg_head_3, reg_head_4]
    ctr_heads = [center_head_0, center_head_1, center_head_2, center_head_3,
                 center_head_4]
    args = []
    for li in range(5):
        P = PS[li]
        args.append(cls_heads[li].reshape(BATCH, P, NUM_CLASSES))
        args.append(reg_heads[li].reshape(BATCH, P, 4))
        args.append(ctr_heads[li].reshape(BATCH, P))
    S, PA, PB = _dense_call()(*args)
    outs, outc, outb = _sc_decode(S, PA, PB)
    return (outs[:, :MAX_DET], outc[:, :MAX_DET],
            outb.reshape(BATCH, OUTP, 4)[:, :MAX_DET])

# --- scband reference (transcript-rebuilt; emitter-appended) ---
"""Pipeline reference for scband-fcosdecoder-19645180412512 (READ-ONLY COPY).

The authoritative reference and input builder live on the scoring server;
editing this copy changes nothing except your own understanding.
"""

import jax, jax.numpy as jnp
import numpy as np

IMAGE_W = 1024
IMAGE_H = 1024
STRIDES = [8, 16, 32, 64, 128]
TOP_N = 1000
MIN_SCORE = 0.05
NMS_TH = 0.6
MAX_DET = 100
NUM_CLASSES = 80
BATCH = 8


def _level_positions(stride):
    fh = IMAGE_H // stride
    fw = IMAGE_W // stride
    sx = (np.arange(fh) + 0.5) * stride
    sy = (np.arange(fw) + 0.5) * stride
    pos = np.stack([np.broadcast_to(sx[:, None], (fh, fw)),
                    np.broadcast_to(sy[None, :], (fh, fw))], axis=-1)
    pos = np.transpose(pos, (1, 0, 2)).reshape(-1, 2)
    return pos.astype(np.float32)


def setup_inputs(seed: int = 0):
    key = jax.random.key(seed)
    inp = {}
    for li, s in enumerate(STRIDES):
        f = IMAGE_H // s
        inp['cls_head_%d' % li] = jax.random.normal(jax.random.fold_in(key, 3 * li), (BATCH, f, f, NUM_CLASSES), jnp.float32)
        inp['reg_head_%d' % li] = jax.random.normal(jax.random.fold_in(key, 3 * li + 1), (BATCH, f, f, 4), jnp.float32)
        inp['center_head_%d' % li] = jax.random.normal(jax.random.fold_in(key, 3 * li + 2), (BATCH, f, f, 1), jnp.float32)
    return inp


def _nms(boxes, suppressed_init, thresh):
    n = boxes.shape[0]
    x1, y1, x2, y2 = boxes[:, 0], boxes[:, 1], boxes[:, 2], boxes[:, 3]
    areas = (x2 - x1) * (y2 - y1)
    idxs = jnp.arange(n)

    def body(i, suppressed):
        active = jnp.logical_not(suppressed[i])
        xx1 = jnp.maximum(x1[i], x1)
        yy1 = jnp.maximum(y1[i], y1)
        xx2 = jnp.minimum(x2[i], x2)
        yy2 = jnp.minimum(y2[i], y2)
        inter = jnp.maximum(0.0, xx2 - xx1) * jnp.maximum(0.0, yy2 - yy1)
        union = areas[i] + areas - inter
        iou = jnp.where(union > 0, inter / jnp.maximum(union, 1e-12), 0.0)
        sup = (iou > thresh) & (idxs > i) & active
        return suppressed | sup

    suppressed = jax.lax.fori_loop(0, n, body, suppressed_init)
    return jnp.logical_not(suppressed)


def reference(cls_head_0, reg_head_0, center_head_0,
              cls_head_1, reg_head_1, center_head_1,
              cls_head_2, reg_head_2, center_head_2,
              cls_head_3, reg_head_3, center_head_3,
              cls_head_4, reg_head_4, center_head_4):
    cls_heads = [cls_head_0, cls_head_1, cls_head_2, cls_head_3, cls_head_4]
    reg_heads = [reg_head_0, reg_head_1, reg_head_2, reg_head_3, reg_head_4]
    center_heads = [center_head_0, center_head_1, center_head_2, center_head_3, center_head_4]
    B = cls_heads[0].shape[0]
    f_scores, f_classes, f_regs, f_pos = [], [], [], []
    for li, stride in enumerate(STRIDES):
        cls = jax.nn.sigmoid(cls_heads[li]).reshape(B, -1, NUM_CLASSES)
        reg = jnp.exp(reg_heads[li]).reshape(B, -1, 4)
        ctr = jax.nn.sigmoid(center_heads[li]).reshape(B, -1, 1)
        P = cls.shape[1]
        pos = jnp.asarray(_level_positions(stride))
        pos_b = jnp.broadcast_to(pos[None, :, :], (B, P, 2))
        scores = jnp.max(cls, axis=2)
        score_classes = jnp.argmax(cls, axis=2)
        scores = jnp.sqrt(scores * ctr[:, :, 0])
        if P >= TOP_N:
            scores, idx = jax.lax.top_k(scores, TOP_N)
            score_classes = jnp.take_along_axis(score_classes, idx, axis=1)
            reg = jnp.take_along_axis(reg, idx[:, :, None], axis=1)
            pos_b = jnp.take_along_axis(pos_b, idx[:, :, None], axis=1)
        f_scores.append(scores)
        f_classes.append(score_classes)
        f_regs.append(reg)
        f_pos.append(pos_b)
    all_scores = jnp.concatenate(f_scores, axis=1)
    all_classes = jnp.concatenate(f_classes, axis=1)
    all_regs = jnp.concatenate(f_regs, axis=1)
    all_pos = jnp.concatenate(f_pos, axis=1)
    N = all_scores.shape[1]
    rows_s, rows_c, rows_b = [], [], []
    for b in range(B):
        s = all_scores[b]
        c = all_classes[b]
        r = all_regs[b]
        p = all_pos[b]
        bb = jnp.concatenate([p - r[:, 0:2], p + r[:, 2:4]], axis=1).astype(jnp.int32)
        bb = jnp.stack([jnp.maximum(bb[:, 0], 0),
                        jnp.maximum(bb[:, 1], 0),
                        jnp.minimum(bb[:, 2], IMAGE_W - 1),
                        jnp.minimum(bb[:, 3], IMAGE_H - 1)], axis=1)
        mask = s > MIN_SCORE
        s_masked = jnp.where(mask, s, -jnp.inf)
        order = jnp.argsort(-s_masked, stable=True)
        sf = s[order]
        cf = c[order].astype(jnp.float32)
        bf = bb[order].astype(jnp.float32)
        valid = mask[order]
        keep_mask = _nms(bf, jnp.logical_not(valid), NMS_TH)
        kept_pos = jnp.sort(jnp.where(keep_mask, jnp.arange(N), N))[:MAX_DET]
        slot_valid = kept_pos < N
        safe = jnp.minimum(kept_pos, N - 1)
        rows_s.append(jnp.where(slot_valid, sf[safe], -1.0).astype(jnp.float32))
        rows_c.append(jnp.where(slot_valid, cf[safe], -1.0).astype(jnp.float32))
        rows_b.append(jnp.where(slot_valid[:, None], bf[safe], -1.0).astype(jnp.float32))
    out_s = jnp.stack(rows_s, axis=0)
    out_c = jnp.stack(rows_c, axis=0)
    out_b = jnp.stack(rows_b, axis=0)
    return (out_s, out_c, out_b)

if __name__ == "__main__":
    import jax
    _d = setup_inputs()
    print(jax.jit(kernel)(*tuple(_d.values())))

</pallas_src>

<mosaic_0001>
#map = affine_map<(d0, d1) -> (0, 0)>
module attributes {stable_mosaic.version = 14 : i64} {
  func.func @k(%arg0: i32, %arg1: i32, %arg2: memref<1376x128xf32, #tpu.memory_space<hbm>>, %arg3: memref<1376x128xi32, #tpu.memory_space<hbm>>, %arg4: memref<1376x128xi32, #tpu.memory_space<hbm>>, %arg5: memref<8x112xf32, #tpu.memory_space<hbm>>, %arg6: memref<8x112xf32, #tpu.memory_space<hbm>>, %arg7: memref<8x448xf32, #tpu.memory_space<hbm>>, %arg8: memref<172x128xf32, #tpu.memory_space<vmem>>, %arg9: memref<172x128xi32, #tpu.memory_space<vmem>>, %arg10: memref<172x128xi32, #tpu.memory_space<vmem>>, %arg11: memref<176xi32, #tpu.memory_space<vmem>>, %arg12: memref<!tpu.dma_semaphore, #tpu.memory_space<semaphore_mem>>, %arg13: memref<176xf32, #tpu.memory_space<vmem>>, %arg14: memref<112xf32, #tpu.memory_space<vmem>>, %arg15: memref<112xf32, #tpu.memory_space<vmem>>, %arg16: memref<112xf32, #tpu.memory_space<vmem>>, %arg17: memref<112xf32, #tpu.memory_space<vmem>>, %arg18: memref<112xf32, #tpu.memory_space<vmem>>, %arg19: memref<112xf32, #tpu.memory_space<vmem>>, %arg20: memref<112xf32, #tpu.memory_space<vmem>>, %arg21: memref<448xf32, #tpu.memory_space<vmem>>) attributes {dimension_semantics = [#tpu.dimension_semantics<core_parallel>, #tpu.dimension_semantics<subcore_parallel>], iteration_bounds = array<i64: 2, 16>, scalar_prefetch = 0 : i64, scratch_operands = 14 : i64, tpu.core_type = #tpu.core_type<sc_vector_subcore>, window_params = [{transform_indices = #map}, {transform_indices = #map}, {transform_indices = #map}, {transform_indices = #map}, {transform_indices = #map}, {transform_indices = #map}]} {
    %mul3A = arith.constant 2 : i32
    %mul3A_0 = arith.muli %arg1, %mul3A : i32
    %add3A = arith.addi %mul3A_0, %arg0 : i32
    %lt3A = arith.constant 8 : i32
    %lt3A_1 = arith.cmpi slt, %add3A, %lt3A : i32
    %convert_element_type3A = arith.extui %lt3A_1 : i1 to i32
    %cond3A = arith.constant 0 : i32
    %cond3A_2 = arith.cmpi ne, %convert_element_type3A, %cond3A : i32
    scf.if %cond3A_2 {
      %iota3A = tpu.iota {dimensions = array<i32: 0>} : vector<16xi32>
      %broadcast_in_dim3A = arith.constant 0xFF800000 : f32
      %broadcast_in_dim3A_3 = vector.broadcast %broadcast_in_dim3A : f32 to vector<16xf32>
      %eq3A = arith.constant 0 : i32
      %eq3A_4 = vector.broadcast %eq3A : i32 to vector<16xi32>
      %eq3A_5 = arith.cmpi eq, %iota3A, %eq3A_4 : vector<16xi32>
      %add3A_6 = arith.constant 0 : i32
      %add3A_7 = vector.broadcast %add3A_6 : i32 to vector<16xi32>
      %add3A_8 = arith.addi %iota3A, %add3A_7 : vector<16xi32>
      %mul3A_9 = arith.constant 8 : i32
      %mul3A_10 = vector.broadcast %mul3A_9 : i32 to vector<16xi32>
      %mul3A_11 = arith.muli %add3A_8, %mul3A_10 : vector<16xi32>
      %add3A_12 = vector.broadcast %add3A : i32 to vector<16xi32>
      %add3A_13 = arith.addi %mul3A_11, %add3A_12 : vector<16xi32>
      %swap3A = arith.constant 0 : index
      %swap3A_14 = tpu.vector_load %arg11[%swap3A] {strides = array<i32>} : memref<176xi32, #tpu.memory_space<vmem>>, vector<16xi32>,
      tpu.vector_store %arg11[%swap3A], %add3A_13 {strides = array<i32>} : memref<176xi32, #tpu.memory_space<vmem>>, vector<16xi32>,
      %add3A_15 = arith.constant 16 : i32
      %add3A_16 = vector.broadcast %add3A_15 : i32 to vector<16xi32>
      %add3A_17 = arith.addi %iota3A, %add3A_16 : vector<16xi32>
      %mul3A_18 = arith.constant 8 : i32
      %mul3A_19 = vector.broadcast %mul3A_18 : i32 to vector<16xi32>
      %mul3A_20 = arith.muli %add3A_17, %mul3A_19 : vector<16xi32>
      %add3A_21 = vector.broadcast %add3A : i32 to vector<16xi32>
      %add3A_22 = arith.addi %mul3A_20, %add3A_21 : vector<16xi32>
      %swap3A_23 = arith.constant 16 : index
      %swap3A_24 = tpu.vector_load %arg11[%swap3A_23] {strides = array<i32>} : memref<176xi32, #tpu.memory_space<vmem>>, vector<16xi32>,
      tpu.vector_store %arg11[%swap3A_23], %add3A_22 {strides = array<i32>} : memref<176xi32, #tpu.memory_space<vmem>>, vector<16xi32>,
      %add3A_25 = arith.constant 32 : i32
      %add3A_26 = vector.broadcast %add3A_25 : i32 to vector<16xi32>
      %add3A_27 = arith.addi %iota3A, %add3A_26 : vector<16xi32>
      %mul3A_28 = arith.constant 8 : i32
      %mul3A_29 = vector.broadcast %mul3A_28 : i32 to vector<16xi32>
      %mul3A_30 = arith.muli %add3A_27, %mul3A_29 : vector<16xi32>
      %add3A_31 = vector.broadcast %add3A : i32 to vector<16xi32>
      %add3A_32 = arith.addi %mul3A_30, %add3A_31 : vector<16xi32>
      %swap3A_33 = arith.constant 32 : index
      %swap3A_34 = tpu.vector_load %arg11[%swap3A_33] {strides = array<i32>} : memref<176xi32, #tpu.memory_space<vmem>>, vector<16xi32>,
      tpu.vector_store %arg11[%swap3A_33], %add3A_32 {strides = array<i32>} : memref<176xi32, #tpu.memory_space<vmem>>, vector<16xi32>,
      %add3A_35 = arith.constant 48 : i32
      %add3A_36 = vector.broadcast %add3A_35 : i32 to vector<16xi32>
      %add3A_37 = arith.addi %iota3A, %add3A_36 : vector<16xi32>
      %mul3A_38 = arith.constant 8 : i32
      %mul3A_39 = vector.broadcast %mul3A_38 : i32 to vector<16xi32>
      %mul3A_40 = arith.muli %add3A_37, %mul3A_39 : vector<16xi32>
      %add3A_41 = vector.broadcast %add3A : i32 to vector<16xi32>
      %add3A_42 = arith.addi %mul3A_40, %add3A_41 : vector<16xi32>
      %swap3A_43 = arith.constant 48 : index
      %swap3A_44 = tpu.vector_load %arg11[%swap3A_43] {strides = array<i32>} : memref<176xi32, #tpu.memory_space<vmem>>, vector<16xi32>,
      tpu.vector_store %arg11[%swap3A_43], %add3A_42 {strides = array<i32>} : memref<176xi32, #tpu.memory_space<vmem>>, vector<16xi32>,
      %add3A_45 = arith.constant 64 : i32
      %add3A_46 = vector.broadcast %add3A_45 : i32 to vector<16xi32>
      %add3A_47 = arith.addi %iota3A, %add3A_46 : vector<16xi32>
      %mul3A_48 = arith.constant 8 : i32
      %mul3A_49 = vector.broadcast %mul3A_48 : i32 to vector<16xi32>
      %mul3A_50 = arith.muli %add3A_47, %mul3A_49 : vector<16xi32>
      %add3A_51 = vector.broadcast %add3A : i32 to vector<16xi32>
      %add3A_52 = arith.addi %mul3A_50, %add3A_51 : vector<16xi32>
      %swap3A_53 = arith.constant 64 : index
      %swap3A_54 = tpu.vector_load %arg11[%swap3A_53] {strides = array<i32>} : memref<176xi32, #tpu.memory_space<vmem>>, vector<16xi32>,
      tpu.vector_store %arg11[%swap3A_53], %add3A_52 {strides = array<i32>} : memref<176xi32, #tpu.memory_space<vmem>>, vector<16xi32>,
      %add3A_55 = arith.constant 80 : i32
      %add3A_56 = vector.broadcast %add3A_55 : i32 to vector<16xi32>
      %add3A_57 = arith.addi %iota3A, %add3A_56 : vector<16xi32>
      %mul3A_58 = arith.constant 8 : i32
      %mul3A_59 = vector.broadcast %mul3A_58 : i32 to vector<16xi32>
      %mul3A_60 = arith.muli %add3A_57, %mul3A_59 : vector<16xi32>
      %add3A_61 = vector.broadcast %add3A : i32 to vector<16xi32>
      %add3A_62 = arith.addi %mul3A_60, %add3A_61 : vector<16xi32>
      %swap3A_63 = arith.constant 80 : index
      %swap3A_64 = tpu.vector_load %arg11[%swap3A_63] {strides = array<i32>} : memref<176xi32, #tpu.memory_space<vmem>>, vector<16xi32>,
      tpu.vector_store %arg11[%swap3A_63], %add3A_62 {strides = array<i32>} : memref<176xi32, #tpu.memory_space<vmem>>, vector<16xi32>,
      %add3A_65 = arith.constant 96 : i32
      %add3A_66 = vector.broadcast %add3A_65 : i32 to vector<16xi32>
      %add3A_67 = arith.addi %iota3A, %add3A_66 : vector<16xi32>
      %mul3A_68 = arith.constant 8 : i32
      %mul3A_69 = vector.broadcast %mul3A_68 : i32 to vector<16xi32>
      %mul3A_70 = arith.muli %add3A_67, %mul3A_69 : vector<16xi32>
      %add3A_71 = vector.broadcast %add3A : i32 to vector<16xi32>
      %add3A_72 = arith.addi %mul3A_70, %add3A_71 : vector<16xi32>
      %swap3A_73 = arith.constant 96 : index
      %swap3A_74 = tpu.vector_load %arg11[%swap3A_73] {strides = array<i32>} : memref<176xi32, #tpu.memory_space<vmem>>, vector<16xi32>,
      tpu.vector_store %arg11[%swap3A_73], %add3A_72 {strides = array<i32>} : memref<176xi32, #tpu.memory_space<vmem>>, vector<16xi32>,
      %add3A_75 = arith.constant 112 : i32
      %add3A_76 = vector.broadcast %add3A_75 : i32 to vector<16xi32>
      %add3A_77 = arith.addi %iota3A, %add3A_76 : vector<16xi32>
      %mul3A_78 = arith.constant 8 : i32
      %mul3A_79 = vector.broadcast %mul3A_78 : i32 to vector<16xi32>
      %mul3A_80 = arith.muli %add3A_77, %mul3A_79 : vector<16xi32>
      %add3A_81 = vector.broadcast %add3A : i32 to vector<16xi32>
      %add3A_82 = arith.addi %mul3A_80, %add3A_81 : vector<16xi32>
      %swap3A_83 = arith.constant 112 : index
      %swap3A_84 = tpu.vector_load %arg11[%swap3A_83] {strides = array<i32>} : memref<176xi32, #tpu.memory_space<vmem>>, vector<16xi32>,
      tpu.vector_store %arg11[%swap3A_83], %add3A_82 {strides = array<i32>} : memref<176xi32, #tpu.memory_space<vmem>>, vector<16xi32>,
      %add3A_85 = arith.constant 128 : i32
      %add3A_86 = vector.broadcast %add3A_85 : i32 to vector<16xi32>
      %add3A_87 = arith.addi %iota3A, %add3A_86 : vector<16xi32>
      %mul3A_88 = arith.constant 8 : i32
      %mul3A_89 = vector.broadcast %mul3A_88 : i32 to vector<16xi32>
      %mul3A_90 = arith.muli %add3A_87, %mul3A_89 : vector<16xi32>
      %add3A_91 = vector.broadcast %add3A : i32 to vector<16xi32>
      %add3A_92 = arith.addi %mul3A_90, %add3A_91 : vector<16xi32>
      %swap3A_93 = arith.constant 128 : index
      %swap3A_94 = tpu.vector_load %arg11[%swap3A_93] {strides = array<i32>} : memref<176xi32, #tpu.memory_space<vmem>>, vector<16xi32>,
      tpu.vector_store %arg11[%swap3A_93], %add3A_92 {strides = array<i32>} : memref<176xi32, #tpu.memory_space<vmem>>, vector<16xi32>,
      %add3A_95 = arith.constant 144 : i32
      %add3A_96 = vector.broadcast %add3A_95 : i32 to vector<16xi32>
      %add3A_97 = arith.addi %iota3A, %add3A_96 : vector<16xi32>
      %mul3A_98 = arith.constant 8 : i32
      %mul3A_99 = vector.broadcast %mul3A_98 : i32 to vector<16xi32>
      %mul3A_100 = arith.muli %add3A_97, %mul3A_99 : vector<16xi32>
      %add3A_101 = vector.broadcast %add3A : i32 to vector<16xi32>
      %add3A_102 = arith.addi %mul3A_100, %add3A_101 : vector<16xi32>
      %swap3A_103 = arith.constant 144 : index
      %swap3A_104 = tpu.vector_load %arg11[%swap3A_103] {strides = array<i32>} : memref<176xi32, #tpu.memory_space<vmem>>, vector<16xi32>,
      tpu.vector_store %arg11[%swap3A_103], %add3A_102 {strides = array<i32>} : memref<176xi32, #tpu.memory_space<vmem>>, vector<16xi32>,
      %add3A_105 = arith.constant 160 : i32
      %add3A_106 = vector.broadcast %add3A_105 : i32 to vector<16xi32>
      %add3A_107 = arith.addi %iota3A, %add3A_106 : vector<16xi32>
      %mul3A_108 = arith.constant 8 : i32
      %mul3A_109 = vector.broadcast %mul3A_108 : i32 to vector<16xi32>
      %mul3A_110 = arith.muli %add3A_107, %mul3A_109 : vector<16xi32>
      %add3A_111 = vector.broadcast %add3A : i32 to vector<16xi32>
      %add3A_112 = arith.addi %mul3A_110, %add3A_111 : vector<16xi32>
      %swap3A_113 = arith.constant 160 : index
      %swap3A_114 = tpu.vector_load %arg11[%swap3A_113] {strides = array<i32>} : memref<176xi32, #tpu.memory_space<vmem>>, vector<16xi32>,
      tpu.vector_store %arg11[%swap3A_113], %add3A_112 {strides = array<i32>} : memref<176xi32, #tpu.memory_space<vmem>>, vector<16xi32>,
      %dma_start3A = arith.constant 0 : i32
      %dma_start3A_115 = arith.constant 0 : i32
      %dma_start3A_116 = tpu.memref_slice %arg8[%dma_start3A, %dma_start3A_115] : memref<172x128xf32, #tpu.memory_space<vmem>> -> memref<128x128xf32, #tpu.memory_space<vmem>>
      %dma_start3A_117 = arith.constant 0 : i32
      %dma_start3A_118 = tpu.memref_slice %arg11[%dma_start3A_117] : memref<176xi32, #tpu.memory_space<vmem>> -> memref<128xi32, #tpu.memory_space<vmem>>
      %dma_start3A_119 = arith.constant 0 : i32
      %dma_start3A_120 = arith.constant 0 : i32
      %dma_start3A_121 = tpu.memref_slice %arg2[%dma_start3A_119, %dma_start3A_120] : memref<1376x128xf32, #tpu.memory_space<hbm>> -> memref<1376x128xf32, #tpu.memory_space<hbm>>
      tpu.enqueue_indirect_dma source(%dma_start3A_121 : memref<1376x128xf32, #tpu.memory_space<hbm>>) target(%dma_start3A_116 : memref<128x128xf32, #tpu.memory_space<vmem>>) offsets(%dma_start3A_118 : memref<128xi32, #tpu.memory_space<vmem>>) semaphore(%arg12 : memref<!tpu.dma_semaphore, #tpu.memory_space<semaphore_mem>>)
      %dma_start3A_122 = arith.constant 128 : i32
      %dma_start3A_123 = arith.constant 0 : i32
      %dma_start3A_124 = tpu.memref_slice %arg8[%dma_start3A_122, %dma_start3A_123] : memref<172x128xf32, #tpu.memory_space<vmem>> -> memref<44x128xf32, #tpu.memory_space<vmem>>
      %dma_start3A_125 = arith.constant 128 : i32
      %dma_start3A_126 = tpu.memref_slice %arg11[%dma_start3A_125] : memref<176xi32, #tpu.memory_space<vmem>> -> memref<44xi32, #tpu.memory_space<vmem>>
      %dma_start3A_127 = arith.constant 0 : i32
      %dma_start3A_128 = arith.constant 0 : i32
      %dma_start3A_129 = tpu.memref_slice %arg2[%dma_start3A_127, %dma_start3A_128] : memref<1376x128xf32, #tpu.memory_space<hbm>> -> memref<1376x128xf32, #tpu.memory_space<hbm>>
      tpu.enqueue_indirect_dma source(%dma_start3A_129 : memref<1376x128xf32, #tpu.memory_space<hbm>>) target(%dma_start3A_124 : memref<44x128xf32, #tpu.memory_space<vmem>>) offsets(%dma_start3A_126 : memref<44xi32, #tpu.memory_space<vmem>>) semaphore(%arg12 : memref<!tpu.dma_semaphore, #tpu.memory_space<semaphore_mem>>)
      %dma_start3A_130 = arith.constant 0 : i32
      %dma_start3A_131 = arith.constant 0 : i32
      %dma_start3A_132 = tpu.memref_slice %arg9[%dma_start3A_130, %dma_start3A_131] : memref<172x128xi32, #tpu.memory_space<vmem>> -> memref<128x128xi32, #tpu.memory_space<vmem>>
      %dma_start3A_133 = arith.constant 0 : i32
      %dma_start3A_134 = tpu.memref_slice %arg11[%dma_start3A_133] : memref<176xi32, #tpu.memory_space<vmem>> -> memref<128xi32, #tpu.memory_space<vmem>>
      %dma_start3A_135 = arith.constant 0 : i32
      %dma_start3A_136 = arith.constant 0 : i32
      %dma_start3A_137 = tpu.memref_slice %arg3[%dma_start3A_135, %dma_start3A_136] : memref<1376x128xi32, #tpu.memory_space<hbm>> -> memref<1376x128xi32, #tpu.memory_space<hbm>>
      tpu.enqueue_indirect_dma source(%dma_start3A_137 : memref<1376x128xi32, #tpu.memory_space<hbm>>) target(%dma_start3A_132 : memref<128x128xi32, #tpu.memory_space<vmem>>) offsets(%dma_start3A_134 : memref<128xi32, #tpu.memory_space<vmem>>) semaphore(%arg12 : memref<!tpu.dma_semaphore, #tpu.memory_space<semaphore_mem>>)
      %dma_start3A_138 = arith.constant 128 : i32
      %dma_start3A_139 = arith.constant 0 : i32
      %dma_start3A_140 = tpu.memref_slice %arg9[%dma_start3A_138, %dma_start3A_139] : memref<172x128xi32, #tpu.memory_space<vmem>> -> memref<44x128xi32, #tpu.memory_space<vmem>>
      %dma_start3A_141 = arith.constant 128 : i32
      %dma_start3A_142 = tpu.memref_slice %arg11[%dma_start3A_141] : memref<176xi32, #tpu.memory_space<vmem>> -> memref<44xi32, #tpu.memory_space<vmem>>
      %dma_start3A_143 = arith.constant 0 : i32
      %dma_start3A_144 = arith.constant 0 : i32
      %dma_start3A_145 = tpu.memref_slice %arg3[%dma_start3A_143, %dma_start3A_144] : memref<1376x128xi32, #tpu.memory_space<hbm>> -> memref<1376x128xi32, #tpu.memory_space<hbm>>
      tpu.enqueue_indirect_dma source(%dma_start3A_145 : memref<1376x128xi32, #tpu.memory_space<hbm>>) target(%dma_start3A_140 : memref<44x128xi32, #tpu.memory_space<vmem>>) offsets(%dma_start3A_142 : memref<44xi32, #tpu.memory_space<vmem>>) semaphore(%arg12 : memref<!tpu.dma_semaphore, #tpu.memory_space<semaphore_mem>>)
      %dma_start3A_146 = arith.constant 0 : i32
      %dma_start3A_147 = arith.constant 0 : i32
      %dma_start3A_148 = tpu.memref_slice %arg10[%dma_start3A_146, %dma_start3A_147] : memref<172x128xi32, #tpu.memory_space<vmem>> -> memref<128x128xi32, #tpu.memory_space<vmem>>
      %dma_start3A_149 = arith.constant 0 : i32
      %dma_start3A_150 = tpu.memref_slice %arg11[%dma_start3A_149] : memref<176xi32, #tpu.memory_space<vmem>> -> memref<128xi32, #tpu.memory_space<vmem>>
      %dma_start3A_151 = arith.constant 0 : i32
      %dma_start3A_152 = arith.constant 0 : i32
      %dma_start3A_153 = tpu.memref_slice %arg4[%dma_start3A_151, %dma_start3A_152] : memref<1376x128xi32, #tpu.memory_space<hbm>> -> memref<1376x128xi32, #tpu.memory_space<hbm>>
      tpu.enqueue_indirect_dma source(%dma_start3A_153 : memref<1376x128xi32, #tpu.memory_space<hbm>>) target(%dma_start3A_148 : memref<128x128xi32, #tpu.memory_space<vmem>>) offsets(%dma_start3A_150 : memref<128xi32, #tpu.memory_space<vmem>>) semaphore(%arg12 : memref<!tpu.dma_semaphore, #tpu.memory_space<semaphore_mem>>)
      %dma_start3A_154 = arith.constant 128 : i32
      %dma_start3A_155 = arith.constant 0 : i32
      %dma_start3A_156 = tpu.memref_slice %arg10[%dma_start3A_154, %dma_start3A_155] : memref<172x128xi32, #tpu.memory_space<vmem>> -> memref<44x128xi32, #tpu.memory_space<vmem>>
      %dma_start3A_157 = arith.constant 128 : i32
      %dma_start3A_158 = tpu.memref_slice %arg11[%dma_start3A_157] : memref<176xi32, #tpu.memory_space<vmem>> -> memref<44xi32, #tpu.memory_space<vmem>>
      %dma_start3A_159 = arith.constant 0 : i32
      %dma_start3A_160 = arith.constant 0 : i32
      %dma_start3A_161 = tpu.memref_slice %arg4[%dma_start3A_159, %dma_start3A_160] : memref<1376x128xi32, #tpu.memory_space<hbm>> -> memref<1376x128xi32, #tpu.memory_space<hbm>>
      tpu.enqueue_indirect_dma source(%dma_start3A_161 : memref<1376x128xi32, #tpu.memory_space<hbm>>) target(%dma_start3A_156 : memref<44x128xi32, #tpu.memory_space<vmem>>) offsets(%dma_start3A_158 : memref<44xi32, #tpu.memory_space<vmem>>) semaphore(%arg12 : memref<!tpu.dma_semaphore, #tpu.memory_space<semaphore_mem>>)
      %dma_wait3A = arith.constant 0 : i32
      %dma_wait3A_162 = arith.constant 0 : i32
      %dma_wait3A_163 = tpu.memref_slice %arg8[%dma_wait3A, %dma_wait3A_162] : memref<172x128xf32, #tpu.memory_space<vmem>> -> memref<128x128xf32, #tpu.memory_space<vmem>>
      %dma_wait3A_164 = arith.constant 0 : i32
      %dma_wait3A_165 = tpu.memref_slice %arg11[%dma_wait3A_164] : memref<176xi32, #tpu.memory_space<vmem>> -> memref<128xi32, #tpu.memory_space<vmem>>
      %dma_wait3A_166 = arith.constant 0 : i32
      %dma_wait3A_167 = arith.constant 0 : i32
      %dma_wait3A_168 = tpu.memref_slice %arg2[%dma_wait3A_166, %dma_wait3A_167] : memref<1376x128xf32, #tpu.memory_space<hbm>> -> memref<1376x128xf32, #tpu.memory_space<hbm>>
      tpu.wait_indirect_dma semaphore(%arg12 : memref<!tpu.dma_semaphore, #tpu.memory_space<semaphore_mem>>) src(%dma_wait3A_168 : memref<1376x128xf32, #tpu.memory_space<hbm>>) dst(%dma_wait3A_163 : memref<128x128xf32, #tpu.memory_space<vmem>>)
      %dma_wait3A_169 = arith.constant 128 : i32
      %dma_wait3A_170 = arith.constant 0 : i32
      %dma_wait3A_171 = tpu.memref_slice %arg8[%dma_wait3A_169, %dma_wait3A_170] : memref<172x128xf32, #tpu.memory_space<vmem>> -> memref<44x128xf32, #tpu.memory_space<vmem>>
      %dma_wait3A_172 = arith.constant 128 : i32
      %dma_wait3A_173 = tpu.memref_slice %arg11[%dma_wait3A_172] : memref<176xi32, #tpu.memory_space<vmem>> -> memref<44xi32, #tpu.memory_space<vmem>>
      %dma_wait3A_174 = arith.constant 0 : i32
      %dma_wait3A_175 = arith.constant 0 : i32
      %dma_wait3A_176 = tpu.memref_slice %arg2[%dma_wait3A_174, %dma_wait3A_175] : memref<1376x128xf32, #tpu.memory_space<hbm>> -> memref<1376x128xf32, #tpu.memory_space<hbm>>
      tpu.wait_indirect_dma semaphore(%arg12 : memref<!tpu.dma_semaphore, #tpu.memory_space<semaphore_mem>>) src(%dma_wait3A_176 : memref<1376x128xf32, #tpu.memory_space<hbm>>) dst(%dma_wait3A_171 : memref<44x128xf32, #tpu.memory_space<vmem>>)
      %dma_wait3A_177 = arith.constant 0 : i32
      %dma_wait3A_178 = arith.constant 0 : i32
      %dma_wait3A_179 = tpu.memref_slice %arg9[%dma_wait3A_177, %dma_wait3A_178] : memref<172x128xi32, #tpu.memory_space<vmem>> -> memref<128x128xi32, #tpu.memory_space<vmem>>
      %dma_wait3A_180 = arith.constant 0 : i32
      %dma_wait3A_181 = tpu.memref_slice %arg11[%dma_wait3A_180] : memref<176xi32, #tpu.memory_space<vmem>> -> memref<128xi32, #tpu.memory_space<vmem>>
      %dma_wait3A_182 = arith.constant 0 : i32
      %dma_wait3A_183 = arith.constant 0 : i32
      %dma_wait3A_184 = tpu.memref_slice %arg3[%dma_wait3A_182, %dma_wait3A_183] : memref<1376x128xi32, #tpu.memory_space<hbm>> -> memref<1376x128xi32, #tpu.memory_space<hbm>>
      tpu.wait_indirect_dma semaphore(%arg12 : memref<!tpu.dma_semaphore, #tpu.memory_space<semaphore_mem>>) src(%dma_wait3A_184 : memref<1376x128xi32, #tpu.memory_space<hbm>>) dst(%dma_wait3A_179 : memref<128x128xi32, #tpu.memory_space<vmem>>)
      %dma_wait3A_185 = arith.constant 128 : i32
      %dma_wait3A_186 = arith.constant 0 : i32
      %dma_wait3A_187 = tpu.memref_slice %arg9[%dma_wait3A_185, %dma_wait3A_186] : memref<172x128xi32, #tpu.memory_space<vmem>> -> memref<44x128xi32, #tpu.memory_space<vmem>>
      %dma_wait3A_188 = arith.constant 128 : i32
      %dma_wait3A_189 = tpu.memref_slice %arg11[%dma_wait3A_188] : memref<176xi32, #tpu.memory_space<vmem>> -> memref<44xi32, #tpu.memory_space<vmem>>
      %dma_wait3A_190 = arith.constant 0 : i32
      %dma_wait3A_191 = arith.constant 0 : i32
      %dma_wait3A_192 = tpu.memref_slice %arg3[%dma_wait3A_190, %dma_wait3A_191] : memref<1376x128xi32, #tpu.memory_space<hbm>> -> memref<1376x128xi32, #tpu.memory_space<hbm>>
      tpu.wait_indirect_dma semaphore(%arg12 : memref<!tpu.dma_semaphore, #tpu.memory_space<semaphore_mem>>) src(%dma_wait3A_192 : memref<1376x128xi32, #tpu.memory_space<hbm>>) dst(%dma_wait3A_187 : memref<44x128xi32, #tpu.memory_space<vmem>>)
      %dma_wait3A_193 = arith.constant 0 : i32
      %dma_wait3A_194 = arith.constant 0 : i32
      %dma_wait3A_195 = tpu.memref_slice %arg10[%dma_wait3A_193, %dma_wait3A_194] : memref<172x128xi32, #tpu.memory_space<vmem>> -> memref<128x128xi32, #tpu.memory_space<vmem>>
      %dma_wait3A_196 = arith.constant 0 : i32
      %dma_wait3A_197 = tpu.memref_slice %arg11[%dma_wait3A_196] : memref<176xi32, #tpu.memory_space<vmem>> -> memref<128xi32, #tpu.memory_space<vmem>>
      %dma_wait3A_198 = arith.constant 0 : i32
      %dma_wait3A_199 = arith.constant 0 : i32
      %dma_wait3A_200 = tpu.memref_slice %arg4[%dma_wait3A_198, %dma_wait3A_199] : memref<1376x128xi32, #tpu.memory_space<hbm>> -> memref<1376x128xi32, #tpu.memory_space<hbm>>
      tpu.wait_indirect_dma semaphore(%arg12 : memref<!tpu.dma_semaphore, #tpu.memory_space<semaphore_mem>>) src(%dma_wait3A_200 : memref<1376x128xi32, #tpu.memory_space<hbm>>) dst(%dma_wait3A_195 : memref<128x128xi32, #tpu.memory_space<vmem>>)
      %dma_wait3A_201 = arith.constant 128 : i32
      %dma_wait3A_202 = arith.constant 0 : i32
      %dma_wait3A_203 = tpu.memref_slice %arg10[%dma_wait3A_201, %dma_wait3A_202] : memref<172x128xi32, #tpu.memory_space<vmem>> -> memref<44x128xi32, #tpu.memory_space<vmem>>
      %dma_wait3A_204 = arith.constant 128 : i32
      %dma_wait3A_205 = tpu.memref_slice %arg11[%dma_wait3A_204] : memref<176xi32, #tpu.memory_space<vmem>> -> memref<44xi32, #tpu.memory_space<vmem>>
      %dma_wait3A_206 = arith.constant 0 : i32
      %dma_wait3A_207 = arith.constant 0 : i32
      %dma_wait3A_208 = tpu.memref_slice %arg4[%dma_wait3A_206, %dma_wait3A_207] : memref<1376x128xi32, #tpu.memory_space<hbm>> -> memref<1376x128xi32, #tpu.memory_space<hbm>>
      tpu.wait_indirect_dma semaphore(%arg12 : memref<!tpu.dma_semaphore, #tpu.memory_space<semaphore_mem>>) src(%dma_wait3A_208 : memref<1376x128xi32, #tpu.memory_space<hbm>>) dst(%dma_wait3A_203 : memref<44x128xi32, #tpu.memory_space<vmem>>)
      %scan3A = arith.constant 0 : i32
      %scan3A_209 = arith.constant 0 : i32
      %scan3A_210 = arith.constant 172 : i32
      %scan3A_211 = arith.addi %scan3A_209, %scan3A_210 : i32
      %scan3A_212 = arith.constant 1 : i32
      scf.for %scan3A_317 = %scan3A_209 to %scan3A_211 step %scan3A_212  : i32 {
        %get3A_318 = arith.index_cast %scan3A_317 : i32 to index
        %get3A_319 = arith.constant 0 : index
        %get3A_320 = tpu.vector_load %arg8[%get3A_318, %get3A_319] {strides = array<i32>} : memref<172x128xf32, #tpu.memory_space<vmem>>, vector<16xf32>,
        %get3A_321 = arith.index_cast %scan3A_317 : i32 to index
        %get3A_322 = arith.constant 16 : index
        %get3A_323 = tpu.vector_load %arg8[%get3A_321, %get3A_322] {strides = array<i32>} : memref<172x128xf32, #tpu.memory_space<vmem>>, vector<16xf32>,
        %max3A = arith.maximumf %get3A_320, %get3A_323 : vector<16xf32>
        %get3A_324 = arith.index_cast %scan3A_317 : i32 to index
        %get3A_325 = arith.constant 32 : index
        %get3A_326 = tpu.vector_load %arg8[%get3A_324, %get3A_325] {strides = array<i32>} : memref<172x128xf32, #tpu.memory_space<vmem>>, vector<16xf32>,
        %max3A_327 = arith.maximumf %max3A, %get3A_326 : vector<16xf32>
        %get3A_328 = arith.index_cast %scan3A_317 : i32 to index
        %get3A_329 = arith.constant 48 : index
        %get3A_330 = tpu.vector_load %arg8[%get3A_328, %get3A_329] {strides = array<i32>} : memref<172x128xf32, #tpu.memory_space<vmem>>, vector<16xf32>,
        %max3A_331 = arith.maximumf %max3A_327, %get3A_330 : vector<16xf32>
        %get3A_332 = arith.index_cast %scan3A_317 : i32 to index
        %get3A_333 = arith.constant 64 : index
        %get3A_334 = tpu.vector_load %arg8[%get3A_332, %get3A_333] {strides = array<i32>} : memref<172x128xf32, #tpu.memory_space<vmem>>, vector<16xf32>,
        %max3A_335 = arith.maximumf %max3A_331, %get3A_334 : vector<16xf32>
        %get3A_336 = arith.index_cast %scan3A_317 : i32 to index
        %get3A_337 = arith.constant 80 : index
        %get3A_338 = tpu.vector_load %arg8[%get3A_336, %get3A_337] {strides = array<i32>} : memref<172x128xf32, #tpu.memory_space<vmem>>, vector<16xf32>,
        %max3A_339 = arith.maximumf %max3A_335, %get3A_338 : vector<16xf32>
        %get3A_340 = arith.index_cast %scan3A_317 : i32 to index
        %get3A_341 = arith.constant 96 : index
        %get3A_342 = tpu.vector_load %arg8[%get3A_340, %get3A_341] {strides = array<i32>} : memref<172x128xf32, #tpu.memory_space<vmem>>, vector<16xf32>,
        %max3A_343 = arith.maximumf %max3A_339, %get3A_342 : vector<16xf32>
        %get3A_344 = arith.index_cast %scan3A_317 : i32 to index
        %get3A_345 = arith.constant 112 : index
        %get3A_346 = tpu.vector_load %arg8[%get3A_344, %get3A_345] {strides = array<i32>} : memref<172x128xf32, #tpu.memory_space<vmem>>, vector<16xf32>,
        %max3A_347 = arith.maximumf %max3A_343, %get3A_346 : vector<16xf32>
        %broadcast_in_dim3A_348 = vector.broadcast %scan3A_317 : i32 to vector<16xi32>
        %reduce_max3A = arith.constant true
        %reduce_max3A_349 = vector.broadcast %reduce_max3A : i1 to vector<16xi1>
        %reduce_max3A_350 = tpu.scan <max>, %max3A_347 masked %reduce_max3A_349 : vector<16xf32>, vector<16xi1> -> vector<16xf32>
        %reduce_max3A_351 = vector.extract %reduce_max3A_350[15] : f32 from vector<16xf32>
        %broadcast_in_dim3A_352 = vector.broadcast %reduce_max3A_351 : f32 to vector<16xf32>
        tpu.vector_store_idx %arg13[%broadcast_in_dim3A_348], %broadcast_in_dim3A_352 masked %eq3A_5 : memref<176xf32, #tpu.memory_space<vmem>>[vector<16xi32>], vector<16xf32>, vector<16xi1>
      }
      %scan3A_213 = arith.constant 172 : i32
      %get3A = arith.constant 160 : index
      %get3A_214 = tpu.vector_load %arg13[%get3A] {strides = array<i32>} : memref<176xf32, #tpu.memory_space<vmem>>, vector<16xf32>,
      %add3A_215 = arith.constant 160 : i32
      %add3A_216 = vector.broadcast %add3A_215 : i32 to vector<16xi32>
      %add3A_217 = arith.addi %iota3A, %add3A_216 : vector<16xi32>
      %lt3A_218 = arith.constant 172 : i32
      %lt3A_219 = vector.broadcast %lt3A_218 : i32 to vector<16xi32>
      %lt3A_220 = arith.cmpi slt, %add3A_217, %lt3A_219 : vector<16xi32>
      %select_n3A = arith.select %lt3A_220, %get3A_214, %broadcast_in_dim3A_3 : vector<16xi1>, vector<16xf32>
      %swap3A_221 = arith.constant 160 : index
      %swap3A_222 = tpu.vector_load %arg13[%swap3A_221] {strides = array<i32>} : memref<176xf32, #tpu.memory_space<vmem>>, vector<16xf32>,
      tpu.vector_store %arg13[%swap3A_221], %select_n3A {strides = array<i32>} : memref<176xf32, #tpu.memory_space<vmem>>, vector<16xf32>,
      %broadcast_in_dim3A_223 = arith.constant -1.000000e+00 : f32
      %broadcast_in_dim3A_224 = vector.broadcast %broadcast_in_dim3A_223 : f32 to vector<16xf32>
      %swap3A_225 = arith.constant 0 : index
      %swap3A_226 = tpu.vector_load %arg19[%swap3A_225] {strides = array<i32>} : memref<112xf32, #tpu.memory_space<vmem>>, vector<16xf32>,
      tpu.vector_store %arg19[%swap3A_225], %broadcast_in_dim3A_224 {strides = array<i32>} : memref<112xf32, #tpu.memory_space<vmem>>, vector<16xf32>,
      %swap3A_227 = arith.constant 0 : index
      %swap3A_228 = tpu.vector_load %arg20[%swap3A_227] {strides = array<i32>} : memref<112xf32, #tpu.memory_space<vmem>>, vector<16xf32>,
      tpu.vector_store %arg20[%swap3A_227], %broadcast_in_dim3A_224 {strides = array<i32>} : memref<112xf32, #tpu.memory_space<vmem>>, vector<16xf32>,
      %swap3A_229 = arith.constant 16 : index
      %swap3A_230 = tpu.vector_load %arg19[%swap3A_229] {strides = array<i32>} : memref<112xf32, #tpu.memory_space<vmem>>, vector<16xf32>,
      tpu.vector_store %arg19[%swap3A_229], %broadcast_in_dim3A_224 {strides = array<i32>} : memref<112xf32, #tpu.memory_space<vmem>>, vector<16xf32>,
      %swap3A_231 = arith.constant 16 : index
      %swap3A_232 = tpu.vector_load %arg20[%swap3A_231] {strides = array<i32>} : memref<112xf32, #tpu.memory_space<vmem>>, vector<16xf32>,
      tpu.vector_store %arg20[%swap3A_231], %broadcast_in_dim3A_224 {strides = array<i32>} : memref<112xf32, #tpu.memory_space<vmem>>, vector<16xf32>,
      %swap3A_233 = arith.constant 32 : index
      %swap3A_234 = tpu.vector_load %arg19[%swap3A_233] {strides = array<i32>} : memref<112xf32, #tpu.memory_space<vmem>>, vector<16xf32>,
      tpu.vector_store %arg19[%swap3A_233], %broadcast_in_dim3A_224 {strides = array<i32>} : memref<112xf32, #tpu.memory_space<vmem>>, vector<16xf32>,
      %swap3A_235 = arith.constant 32 : index
      %swap3A_236 = tpu.vector_load %arg20[%swap3A_235] {strides = array<i32>} : memref<112xf32, #tpu.memory_space<vmem>>, vector<16xf32>,
      tpu.vector_store %arg20[%swap3A_235], %broadcast_in_dim3A_224 {strides = array<i32>} : memref<112xf32, #tpu.memory_space<vmem>>, vector<16xf32>,
      %swap3A_237 = arith.constant 48 : index
      %swap3A_238 = tpu.vector_load %arg19[%swap3A_237] {strides = array<i32>} : memref<112xf32, #tpu.memory_space<vmem>>, vector<16xf32>,
      tpu.vector_store %arg19[%swap3A_237], %broadcast_in_dim3A_224 {strides = array<i32>} : memref<112xf32, #tpu.memory_space<vmem>>, vector<16xf32>,
      %swap3A_239 = arith.constant 48 : index
      %swap3A_240 = tpu.vector_load %arg20[%swap3A_239] {strides = array<i32>} : memref<112xf32, #tpu.memory_space<vmem>>, vector<16xf32>,
      tpu.vector_store %arg20[%swap3A_239], %broadcast_in_dim3A_224 {strides = array<i32>} : memref<112xf32, #tpu.memory_space<vmem>>, vector<16xf32>,
      %swap3A_241 = arith.constant 64 : index
      %swap3A_242 = tpu.vector_load %arg19[%swap3A_241] {strides = array<i32>} : memref<112xf32, #tpu.memory_space<vmem>>, vector<16xf32>,
      tpu.vector_store %arg19[%swap3A_241], %broadcast_in_dim3A_224 {strides = array<i32>} : memref<112xf32, #tpu.memory_space<vmem>>, vector<16xf32>,
      %swap3A_243 = arith.constant 64 : index
      %swap3A_244 = tpu.vector_load %arg20[%swap3A_243] {strides = array<i32>} : memref<112xf32, #tpu.memory_space<vmem>>, vector<16xf32>,
      tpu.vector_store %arg20[%swap3A_243], %broadcast_in_dim3A_224 {strides = array<i32>} : memref<112xf32, #tpu.memory_space<vmem>>, vector<16xf32>,
      %swap3A_245 = arith.constant 80 : index
      %swap3A_246 = tpu.vector_load %arg19[%swap3A_245] {strides = array<i32>} : memref<112xf32, #tpu.memory_space<vmem>>, vector<16xf32>,
      tpu.vector_store %arg19[%swap3A_245], %broadcast_in_dim3A_224 {strides = array<i32>} : memref<112xf32, #tpu.memory_space<vmem>>, vector<16xf32>,
      %swap3A_247 = arith.constant 80 : index
      %swap3A_248 = tpu.vector_load %arg20[%swap3A_247] {strides = array<i32>} : memref<112xf32, #tpu.memory_space<vmem>>, vector<16xf32>,
      tpu.vector_store %arg20[%swap3A_247], %broadcast_in_dim3A_224 {strides = array<i32>} : memref<112xf32, #tpu.memory_space<vmem>>, vector<16xf32>,
      %swap3A_249 = arith.constant 96 : index
      %swap3A_250 = tpu.vector_load %arg19[%swap3A_249] {strides = array<i32>} : memref<112xf32, #tpu.memory_space<vmem>>, vector<16xf32>,
      tpu.vector_store %arg19[%swap3A_249], %broadcast_in_dim3A_224 {strides = array<i32>} : memref<112xf32, #tpu.memory_space<vmem>>, vector<16xf32>,
      %swap3A_251 = arith.constant 96 : index
      %swap3A_252 = tpu.vector_load %arg20[%swap3A_251] {strides = array<i32>} : memref<112xf32, #tpu.memory_space<vmem>>, vector<16xf32>,
      tpu.vector_store %arg20[%swap3A_251], %broadcast_in_dim3A_224 {strides = array<i32>} : memref<112xf32, #tpu.memory_space<vmem>>, vector<16xf32>,
      %swap3A_253 = arith.constant 0 : index
      %swap3A_254 = tpu.vector_load %arg21[%swap3A_253] {strides = array<i32>} : memref<448xf32, #tpu.memory_space<vmem>>, vector<16xf32>,
      tpu.vector_store %arg21[%swap3A_253], %broadcast_in_dim3A_224 {strides = array<i32>} : memref<448xf32, #tpu.memory_space<vmem>>, vector<16xf32>,
      %swap3A_255 = arith.constant 16 : index
      %swap3A_256 = tpu.vector_load %arg21[%swap3A_255] {strides = array<i32>} : memref<448xf32, #tpu.memory_space<vmem>>, vector<16xf32>,
      tpu.vector_store %arg21[%swap3A_255], %broadcast_in_dim3A_224 {strides = array<i32>} : memref<448xf32, #tpu.memory_space<vmem>>, vector<16xf32>,
      %swap3A_257 = arith.constant 32 : index
      %swap3A_258 = tpu.vector_load %arg21[%swap3A_257] {strides = array<i32>} : memref<448xf32, #tpu.memory_space<vmem>>, vector<16xf32>,
      tpu.vector_store %arg21[%swap3A_257], %broadcast_in_dim3A_224 {strides = array<i32>} : memref<448xf32, #tpu.memory_space<vmem>>, vector<16xf32>,
      %swap3A_259 = arith.constant 48 : index
      %swap3A_260 = tpu.vector_load %arg21[%swap3A_259] {strides = array<i32>} : memref<448xf32, #tpu.memory_space<vmem>>, vector<16xf32>,
      tpu.vector_store %arg21[%swap3A_259], %broadcast_in_dim3A_224 {strides = array<i32>} : memref<448xf32, #tpu.memory_space<vmem>>, vector<16xf32>,
      %swap3A_261 = arith.constant 64 : index
      %swap3A_262 = tpu.vector_load %arg21[%swap3A_261] {strides = array<i32>} : memref<448xf32, #tpu.memory_space<vmem>>, vector<16xf32>,
      tpu.vector_store %arg21[%swap3A_261], %broadcast_in_dim3A_224 {strides = array<i32>} : memref<448xf32, #tpu.memory_space<vmem>>, vector<16xf32>,
      %swap3A_263 = arith.constant 80 : index
      %swap3A_264 = tpu.vector_load %arg21[%swap3A_263] {strides = array<i32>} : memref<448xf32, #tpu.memory_space<vmem>>, vector<16xf32>,
      tpu.vector_store %arg21[%swap3A_263], %broadcast_in_dim3A_224 {strides = array<i32>} : memref<448xf32, #tpu.memory_space<vmem>>, vector<16xf32>,
      %swap3A_265 = arith.constant 96 : index
      %swap3A_266 = tpu.vector_load %arg21[%swap3A_265] {strides = array<i32>} : memref<448xf32, #tpu.memory_space<vmem>>, vector<16xf32>,
      tpu.vector_store %arg21[%swap3A_265], %broadcast_in_dim3A_224 {strides = array<i32>} : memref<448xf32, #tpu.memory_space<vmem>>, vector<16xf32>,
      %swap3A_267 = arith.constant 112 : index
      %swap3A_268 = tpu.vector_load %arg21[%swap3A_267] {strides = array<i32>} : memref<448xf32, #tpu.memory_space<vmem>>, vector<16xf32>,
      tpu.vector_store %arg21[%swap3A_267], %broadcast_in_dim3A_224 {strides = array<i32>} : memref<448xf32, #tpu.memory_space<vmem>>, vector<16xf32>,
      %swap3A_269 = arith.constant 128 : index
      %swap3A_270 = tpu.vector_load %arg21[%swap3A_269] {strides = array<i32>} : memref<448xf32, #tpu.memory_space<vmem>>, vector<16xf32>,
      tpu.vector_store %arg21[%swap3A_269], %broadcast_in_dim3A_224 {strides = array<i32>} : memref<448xf32, #tpu.memory_space<vmem>>, vector<16xf32>,
      %swap3A_271 = arith.constant 144 : index
      %swap3A_272 = tpu.vector_load %arg21[%swap3A_271] {strides = array<i32>} : memref<448xf32, #tpu.memory_space<vmem>>, vector<16xf32>,
      tpu.vector_store %arg21[%swap3A_271], %broadcast_in_dim3A_224 {strides = array<i32>} : memref<448xf32, #tpu.memory_space<vmem>>, vector<16xf32>,
      %swap3A_273 = arith.constant 160 : index
      %swap3A_274 = tpu.vector_load %arg21[%swap3A_273] {strides = array<i32>} : memref<448xf32, #tpu.memory_space<vmem>>, vector<16xf32>,
      tpu.vector_store %arg21[%swap3A_273], %broadcast_in_dim3A_224 {strides = array<i32>} : memref<448xf32, #tpu.memory_space<vmem>>, vector<16xf32>,
      %swap3A_275 = arith.constant 176 : index
      %swap3A_276 = tpu.vector_load %arg21[%swap3A_275] {strides = array<i32>} : memref<448xf32, #tpu.memory_space<vmem>>, vector<16xf32>,
      tpu.vector_store %arg21[%swap3A_275], %broadcast_in_dim3A_224 {strides = array<i32>} : memref<448xf32, #tpu.memory_space<vmem>>, vector<16xf32>,
      %swap3A_277 = arith.constant 192 : index
      %swap3A_278 = tpu.vector_load %arg21[%swap3A_277] {strides = array<i32>} : memref<448xf32, #tpu.memory_space<vmem>>, vector<16xf32>,
      tpu.vector_store %arg21[%swap3A_277], %broadcast_in_dim3A_224 {strides = array<i32>} : memref<448xf32, #tpu.memory_space<vmem>>, vector<16xf32>,
      %swap3A_279 = arith.constant 208 : index
      %swap3A_280 = tpu.vector_load %arg21[%swap3A_279] {strides = array<i32>} : memref<448xf32, #tpu.memory_space<vmem>>, vector<16xf32>,
      tpu.vector_store %arg21[%swap3A_279], %broadcast_in_dim3A_224 {strides = array<i32>} : memref<448xf32, #tpu.memory_space<vmem>>, vector<16xf32>,
      %swap3A_281 = arith.constant 224 : index
      %swap3A_282 = tpu.vector_load %arg21[%swap3A_281] {strides = array<i32>} : memref<448xf32, #tpu.memory_space<vmem>>, vector<16xf32>,
      tpu.vector_store %arg21[%swap3A_281], %broadcast_in_dim3A_224 {strides = array<i32>} : memref<448xf32, #tpu.memory_space<vmem>>, vector<16xf32>,
      %swap3A_283 = arith.constant 240 : index
      %swap3A_284 = tpu.vector_load %arg21[%swap3A_283] {strides = array<i32>} : memref<448xf32, #tpu.memory_space<vmem>>, vector<16xf32>,
      tpu.vector_store %arg21[%swap3A_283], %broadcast_in_dim3A_224 {strides = array<i32>} : memref<448xf32, #tpu.memory_space<vmem>>, vector<16xf32>,
      %swap3A_285 = arith.constant 256 : index
      %swap3A_286 = tpu.vector_load %arg21[%swap3A_285] {strides = array<i32>} : memref<448xf32, #tpu.memory_space<vmem>>, vector<16xf32>,
      tpu.vector_store %arg21[%swap3A_285], %broadcast_in_dim3A_224 {strides = array<i32>} : memref<448xf32, #tpu.memory_space<vmem>>, vector<16xf32>,
      %swap3A_287 = arith.constant 272 : index
      %swap3A_288 = tpu.vector_load %arg21[%swap3A_287] {strides = array<i32>} : memref<448xf32, #tpu.memory_space<vmem>>, vector<16xf32>,
      tpu.vector_store %arg21[%swap3A_287], %broadcast_in_dim3A_224 {strides = array<i32>} : memref<448xf32, #tpu.memory_space<vmem>>, vector<16xf32>,
      %swap3A_289 = arith.constant 288 : index
      %swap3A_290 = tpu.vector_load %arg21[%swap3A_289] {strides = array<i32>} : memref<448xf32, #tpu.memory_space<vmem>>, vector<16xf32>,
      tpu.vector_store %arg21[%swap3A_289], %broadcast_in_dim3A_224 {strides = array<i32>} : memref<448xf32, #tpu.memory_space<vmem>>, vector<16xf32>,
      %swap3A_291 = arith.constant 304 : index
      %swap3A_292 = tpu.vector_load %arg21[%swap3A_291] {strides = array<i32>} : memref<448xf32, #tpu.memory_space<vmem>>, vector<16xf32>,
      tpu.vector_store %arg21[%swap3A_291], %broadcast_in_dim3A_224 {strides = array<i32>} : memref<448xf32, #tpu.memory_space<vmem>>, vector<16xf32>,
      %swap3A_293 = arith.constant 320 : index
      %swap3A_294 = tpu.vector_load %arg21[%swap3A_293] {strides = array<i32>} : memref<448xf32, #tpu.memory_space<vmem>>, vector<16xf32>,
      tpu.vector_store %arg21[%swap3A_293], %broadcast_in_dim3A_224 {strides = array<i32>} : memref<448xf32, #tpu.memory_space<vmem>>, vector<16xf32>,
      %swap3A_295 = arith.constant 336 : index
      %swap3A_296 = tpu.vector_load %arg21[%swap3A_295] {strides = array<i32>} : memref<448xf32, #tpu.memory_space<vmem>>, vector<16xf32>,
      tpu.vector_store %arg21[%swap3A_295], %broadcast_in_dim3A_224 {strides = array<i32>} : memref<448xf32, #tpu.memory_space<vmem>>, vector<16xf32>,
      %swap3A_297 = arith.constant 352 : index
      %swap3A_298 = tpu.vector_load %arg21[%swap3A_297] {strides = array<i32>} : memref<448xf32, #tpu.memory_space<vmem>>, vector<16xf32>,
      tpu.vector_store %arg21[%swap3A_297], %broadcast_in_dim3A_224 {strides = array<i32>} : memref<448xf32, #tpu.memory_space<vmem>>, vector<16xf32>,
      %swap3A_299 = arith.constant 368 : index
      %swap3A_300 = tpu.vector_load %arg21[%swap3A_299] {strides = array<i32>} : memref<448xf32, #tpu.memory_space<vmem>>, vector<16xf32>,
      tpu.vector_store %arg21[%swap3A_299], %broadcast_in_dim3A_224 {strides = array<i32>} : memref<448xf32, #tpu.memory_space<vmem>>, vector<16xf32>,
      %swap3A_301 = arith.constant 384 : index
      %swap3A_302 = tpu.vector_load %arg21[%swap3A_301] {strides = array<i32>} : memref<448xf32, #tpu.memory_space<vmem>>, vector<16xf32>,
      tpu.vector_store %arg21[%swap3A_301], %broadcast_in_dim3A_224 {strides = array<i32>} : memref<448xf32, #tpu.memory_space<vmem>>, vector<16xf32>,
      %swap3A_303 = arith.constant 400 : index
      %swap3A_304 = tpu.vector_load %arg21[%swap3A_303] {strides = array<i32>} : memref<448xf32, #tpu.memory_space<vmem>>, vector<16xf32>,
      tpu.vector_store %arg21[%swap3A_303], %broadcast_in_dim3A_224 {strides = array<i32>} : memref<448xf32, #tpu.memory_space<vmem>>, vector<16xf32>,
      %swap3A_305 = arith.constant 416 : index
      %swap3A_306 = tpu.vector_load %arg21[%swap3A_305] {strides = array<i32>} : memref<448xf32, #tpu.memory_space<vmem>>, vector<16xf32>,
      tpu.vector_store %arg21[%swap3A_305], %broadcast_in_dim3A_224 {strides = array<i32>} : memref<448xf32, #tpu.memory_space<vmem>>, vector<16xf32>,
      %swap3A_307 = arith.constant 432 : index
      %swap3A_308 = tpu.vector_load %arg21[%swap3A_307] {strides = array<i32>} : memref<448xf32, #tpu.memory_space<vmem>>, vector<16xf32>,
      tpu.vector_store %arg21[%swap3A_307], %broadcast_in_dim3A_224 {strides = array<i32>} : memref<448xf32, #tpu.memory_space<vmem>>, vector<16xf32>,
      %while3A = arith.constant 1 : i32
      %while3A_309 = arith.constant 0 : i32
      %while3A_310 = arith.constant 0 : i32
      %while3A_311 = arith.constant 0 : i32
      %while3A_312 = arith.constant 0 : i32
      %while3A_313 = arith.constant 0 : i32
      %while3A_314 = arith.constant 0 : i32
      %while3A_315 = arith.constant 0 : i32
      %while3A_316:8 = scf.while (%while3A_317 = %while3A, %while3A_318 = %while3A_309, %while3A_319 = %while3A_310, %while3A_320 = %while3A_311, %while3A_321 = %while3A_312, %while3A_322 = %while3A_313, %while3A_323 = %while3A_314, %while3A_324 = %while3A_315) : (i32, i32, i32, i32, i32, i32, i32, i32) -> (i32, i32, i32, i32, i32, i32, i32, i32) {
        %gt3A = arith.constant 0 : i32
        %gt3A_325 = arith.cmpi sgt, %while3A_317, %gt3A : i32
        %lt3A_326 = arith.constant 100 : i32
        %lt3A_327 = arith.cmpi slt, %while3A_318, %lt3A_326 : i32
        %and3A = arith.andi %gt3A_325, %lt3A_327 : i1
        %lt3A_328 = arith.constant 3320 : i32
        %lt3A_329 = arith.cmpi slt, %while3A_319, %lt3A_328 : i32
        %and3A_330 = arith.andi %and3A, %lt3A_329 : i1
        scf.condition(%and3A_330) %while3A_317, %while3A_318, %while3A_319, %while3A_320, %while3A_321, %while3A_322, %while3A_323, %while3A_324 : i32, i32, i32, i32, i32, i32, i32, i32
      } do {
      ^bb0(%while3A_317: i32, %while3A_318: i32, %while3A_319: i32, %while3A_320: i32, %while3A_321: i32, %while3A_322: i32, %while3A_323: i32, %while3A_324: i32):
        %broadcast_in_dim3A_325 = arith.constant 0 : i32
        %broadcast_in_dim3A_326 = vector.broadcast %broadcast_in_dim3A_325 : i32 to vector<16xi32>
        %get3A_327 = arith.constant 0 : index
        %get3A_328 = tpu.vector_load %arg13[%get3A_327] {strides = array<i32>} : memref<176xf32, #tpu.memory_space<vmem>>, vector<16xf32>,
        %gt3A = arith.cmpf ogt, %get3A_328, %broadcast_in_dim3A_3 : vector<16xf32>
        %select_n3A_329 = arith.select %gt3A, %get3A_328, %broadcast_in_dim3A_3 : vector<16xi1>, vector<16xf32>
        %add3A_330 = arith.constant 0 : i32
        %add3A_331 = vector.broadcast %add3A_330 : i32 to vector<16xi32>
        %add3A_332 = arith.addi %iota3A, %add3A_331 : vector<16xi32>
        %select_n3A_333 = arith.select %gt3A, %add3A_332, %broadcast_in_dim3A_326 : vector<16xi1>, vector<16xi32>
        %get3A_334 = arith.constant 16 : index
        %get3A_335 = tpu.vector_load %arg13[%get3A_334] {strides = array<i32>} : memref<176xf32, #tpu.memory_space<vmem>>, vector<16xf32>,
        %gt3A_336 = arith.cmpf ogt, %get3A_335, %select_n3A_329 : vector<16xf32>
        %select_n3A_337 = arith.select %gt3A_336, %get3A_335, %select_n3A_329 : vector<16xi1>, vector<16xf32>
        %add3A_338 = arith.constant 16 : i32
        %add3A_339 = vector.broadcast %add3A_338 : i32 to vector<16xi32>
        %add3A_340 = arith.addi %iota3A, %add3A_339 : vector<16xi32>
        %select_n3A_341 = arith.select %gt3A_336, %add3A_340, %select_n3A_333 : vector<16xi1>, vector<16xi32>
        %get3A_342 = arith.constant 32 : index
        %get3A_343 = tpu.vector_load %arg13[%get3A_342] {strides = array<i32>} : memref<176xf32, #tpu.memory_space<vmem>>, vector<16xf32>,
        %gt3A_344 = arith.cmpf ogt, %get3A_343, %select_n3A_337 : vector<16xf32>
        %select_n3A_345 = arith.select %gt3A_344, %get3A_343, %select_n3A_337 : vector<16xi1>, vector<16xf32>
        %add3A_346 = arith.constant 32 : i32
        %add3A_347 = vector.broadcast %add3A_346 : i32 to vector<16xi32>
        %add3A_348 = arith.addi %iota3A, %add3A_347 : vector<16xi32>
        %select_n3A_349 = arith.select %gt3A_344, %add3A_348, %select_n3A_341 : vector<16xi1>, vector<16xi32>
        %get3A_350 = arith.constant 48 : index
        %get3A_351 = tpu.vector_load %arg13[%get3A_350] {strides = array<i32>} : memref<176xf32, #tpu.memory_space<vmem>>, vector<16xf32>,
        %gt3A_352 = arith.cmpf ogt, %get3A_351, %select_n3A_345 : vector<16xf32>
        %select_n3A_353 = arith.select %gt3A_352, %get3A_351, %select_n3A_345 : vector<16xi1>, vector<16xf32>
        %add3A_354 = arith.constant 48 : i32
        %add3A_355 = vector.broadcast %add3A_354 : i32 to vector<16xi32>
        %add3A_356 = arith.addi %iota3A, %add3A_355 : vector<16xi32>
        %select_n3A_357 = arith.select %gt3A_352, %add3A_356, %select_n3A_349 : vector<16xi1>, vector<16xi32>
        %get3A_358 = arith.constant 64 : index
        %get3A_359 = tpu.vector_load %arg13[%get3A_358] {strides = array<i32>} : memref<176xf32, #tpu.memory_space<vmem>>, vector<16xf32>,
        %gt3A_360 = arith.cmpf ogt, %get3A_359, %select_n3A_353 : vector<16xf32>
        %select_n3A_361 = arith.select %gt3A_360, %get3A_359, %select_n3A_353 : vector<16xi1>, vector<16xf32>
        %add3A_362 = arith.constant 64 : i32
        %add3A_363 = vector.broadcast %add3A_362 : i32 to vector<16xi32>
        %add3A_364 = arith.addi %iota3A, %add3A_363 : vector<16xi32>
        %select_n3A_365 = arith.select %gt3A_360, %add3A_364, %select_n3A_357 : vector<16xi1>, vector<16xi32>
        %get3A_366 = arith.constant 80 : index
        %get3A_367 = tpu.vector_load %arg13[%get3A_366] {strides = array<i32>} : memref<176xf32, #tpu.memory_space<vmem>>, vector<16xf32>,
        %gt3A_368 = arith.cmpf ogt, %get3A_367, %select_n3A_361 : vector<16xf32>
        %select_n3A_369 = arith.select %gt3A_368, %get3A_367, %select_n3A_361 : vector<16xi1>, vector<16xf32>
        %add3A_370 = arith.constant 80 : i32
        %add3A_371 = vector.broadcast %add3A_370 : i32 to vector<16xi32>
        %add3A_372 = arith.addi %iota3A, %add3A_371 : vector<16xi32>
        %select_n3A_373 = arith.select %gt3A_368, %add3A_372, %select_n3A_365 : vector<16xi1>, vector<16xi32>
        %get3A_374 = arith.constant 96 : index
        %get3A_375 = tpu.vector_load %arg13[%get3A_374] {strides = array<i32>} : memref<176xf32, #tpu.memory_space<vmem>>, vector<16xf32>,
        %gt3A_376 = arith.cmpf ogt, %get3A_375, %select_n3A_369 : vector<16xf32>
        %select_n3A_377 = arith.select %gt3A_376, %get3A_375, %select_n3A_369 : vector<16xi1>, vector<16xf32>
        %add3A_378 = arith.constant 96 : i32
        %add3A_379 = vector.broadcast %add3A_378 : i32 to vector<16xi32>
        %add3A_380 = arith.addi %iota3A, %add3A_379 : vector<16xi32>
        %select_n3A_381 = arith.select %gt3A_376, %add3A_380, %select_n3A_373 : vector<16xi1>, vector<16xi32>
        %get3A_382 = arith.constant 112 : index
        %get3A_383 = tpu.vector_load %arg13[%get3A_382] {strides = array<i32>} : memref<176xf32, #tpu.memory_space<vmem>>, vector<16xf32>,
        %gt3A_384 = arith.cmpf ogt, %get3A_383, %select_n3A_377 : vector<16xf32>
        %select_n3A_385 = arith.select %gt3A_384, %get3A_383, %select_n3A_377 : vector<16xi1>, vector<16xf32>
        %add3A_386 = arith.constant 112 : i32
        %add3A_387 = vector.broadcast %add3A_386 : i32 to vector<16xi32>
        %add3A_388 = arith.addi %iota3A, %add3A_387 : vector<16xi32>
        %select_n3A_389 = arith.select %gt3A_384, %add3A_388, %select_n3A_381 : vector<16xi1>, vector<16xi32>
        %get3A_390 = arith.constant 128 : index
        %get3A_391 = tpu.vector_load %arg13[%get3A_390] {strides = array<i32>} : memref<176xf32, #tpu.memory_space<vmem>>, vector<16xf32>,
        %gt3A_392 = arith.cmpf ogt, %get3A_391, %select_n3A_385 : vector<16xf32>
        %select_n3A_393 = arith.select %gt3A_392, %get3A_391, %select_n3A_385 : vector<16xi1>, vector<16xf32>
        %add3A_394 = arith.constant 128 : i32
        %add3A_395 = vector.broadcast %add3A_394 : i32 to vector<16xi32>
        %add3A_396 = arith.addi %iota3A, %add3A_395 : vector<16xi32>
        %select_n3A_397 = arith.select %gt3A_392, %add3A_396, %select_n3A_389 : vector<16xi1>, vector<16xi32>
        %get3A_398 = arith.constant 144 : index
        %get3A_399 = tpu.vector_load %arg13[%get3A_398] {strides = array<i32>} : memref<176xf32, #tpu.memory_space<vmem>>, vector<16xf32>,
        %gt3A_400 = arith.cmpf ogt, %get3A_399, %select_n3A_393 : vector<16xf32>
        %select_n3A_401 = arith.select %gt3A_400, %get3A_399, %select_n3A_393 : vector<16xi1>, vector<16xf32>
        %add3A_402 = arith.constant 144 : i32
        %add3A_403 = vector.broadcast %add3A_402 : i32 to vector<16xi32>
        %add3A_404 = arith.addi %iota3A, %add3A_403 : vector<16xi32>
        %select_n3A_405 = arith.select %gt3A_400, %add3A_404, %select_n3A_397 : vector<16xi1>, vector<16xi32>
        %get3A_406 = arith.constant 160 : index
        %get3A_407 = tpu.vector_load %arg13[%get3A_406] {strides = array<i32>} : memref<176xf32, #tpu.memory_space<vmem>>, vector<16xf32>,
        %gt3A_408 = arith.cmpf ogt, %get3A_407, %select_n3A_401 : vector<16xf32>
        %select_n3A_409 = arith.select %gt3A_408, %get3A_407, %select_n3A_401 : vector<16xi1>, vector<16xf32>
        %add3A_410 = arith.constant 160 : i32
        %add3A_411 = vector.broadcast %add3A_410 : i32 to vector<16xi32>
        %add3A_412 = arith.addi %iota3A, %add3A_411 : vector<16xi32>
        %select_n3A_413 = arith.select %gt3A_408, %add3A_412, %select_n3A_405 : vector<16xi1>, vector<16xi32>
        %reduce_max3A = arith.constant true
        %reduce_max3A_414 = vector.broadcast %reduce_max3A : i1 to vector<16xi1>
        %reduce_max3A_415 = tpu.scan <max>, %select_n3A_409 masked %reduce_max3A_414 : vector<16xf32>, vector<16xi1> -> vector<16xf32>
        %reduce_max3A_416 = vector.extract %reduce_max3A_415[15] : f32 from vector<16xf32>
        %broadcast_in_dim3A_417 = vector.broadcast %reduce_max3A_416 : f32 to vector<16xf32>
        %eq3A_418 = arith.cmpf oeq, %select_n3A_409, %broadcast_in_dim3A_417 : vector<16xf32>
        %jit3A = arith.constant 176 : i32
        %broadcast_in_dim3A_419 = vector.broadcast %jit3A : i32 to vector<16xi32>
        %select_n3A_420 = arith.select %eq3A_418, %select_n3A_413, %broadcast_in_dim3A_419 : vector<16xi1>, vector<16xi32>
        %reduce_min3A = arith.constant true
        %reduce_min3A_421 = vector.broadcast %reduce_min3A : i1 to vector<16xi1>
        %reduce_min3A_422 = arith.constant -2147483648 : i32
        %reduce_min3A_423 = vector.broadcast %reduce_min3A_422 : i32 to vector<16xi32>
        %reduce_min3A_424 = arith.xori %select_n3A_420, %reduce_min3A_423 : vector<16xi32>
        %reduce_min3A_425 = tpu.scan <min>, %reduce_min3A_424 masked %reduce_min3A_421 : vector<16xi32>, vector<16xi1> -> vector<16xi32>
        %reduce_min3A_426 = arith.xori %reduce_min3A_425, %reduce_min3A_423 : vector<16xi32>
        %reduce_min3A_427 = vector.extract %reduce_min3A_426[15] : i32 from vector<16xi32>
        %broadcast_in_dim3A_428 = arith.constant 0 : i32
        %broadcast_in_dim3A_429 = vector.broadcast %broadcast_in_dim3A_428 : i32 to vector<16xi32>
        %get3A_430 = arith.index_cast %reduce_min3A_427 : i32 to index
        %get3A_431 = arith.constant 0 : index
        %get3A_432 = tpu.vector_load %arg8[%get3A_430, %get3A_431] {strides = array<i32>} : memref<172x128xf32, #tpu.memory_space<vmem>>, vector<16xf32>,
        %gt3A_433 = arith.cmpf ogt, %get3A_432, %broadcast_in_dim3A_3 : vector<16xf32>
        %select_n3A_434 = arith.select %gt3A_433, %get3A_432, %broadcast_in_dim3A_3 : vector<16xi1>, vector<16xf32>
        %add3A_435 = arith.constant 0 : i32
        %add3A_436 = vector.broadcast %add3A_435 : i32 to vector<16xi32>
        %add3A_437 = arith.addi %iota3A, %add3A_436 : vector<16xi32>
        %select_n3A_438 = arith.select %gt3A_433, %add3A_437, %broadcast_in_dim3A_429 : vector<16xi1>, vector<16xi32>
        %get3A_439 = arith.index_cast %reduce_min3A_427 : i32 to index
        %get3A_440 = arith.constant 16 : index
        %get3A_441 = tpu.vector_load %arg8[%get3A_439, %get3A_440] {strides = array<i32>} : memref<172x128xf32, #tpu.memory_space<vmem>>, vector<16xf32>,
        %gt3A_442 = arith.cmpf ogt, %get3A_441, %select_n3A_434 : vector<16xf32>
        %select_n3A_443 = arith.select %gt3A_442, %get3A_441, %select_n3A_434 : vector<16xi1>, vector<16xf32>
        %add3A_444 = arith.constant 16 : i32
        %add3A_445 = vector.broadcast %add3A_444 : i32 to vector<16xi32>
        %add3A_446 = arith.addi %iota3A, %add3A_445 : vector<16xi32>
        %select_n3A_447 = arith.select %gt3A_442, %add3A_446, %select_n3A_438 : vector<16xi1>, vector<16xi32>
        %get3A_448 = arith.index_cast %reduce_min3A_427 : i32 to index
        %get3A_449 = arith.constant 32 : index
        %get3A_450 = tpu.vector_load %arg8[%get3A_448, %get3A_449] {strides = array<i32>} : memref<172x128xf32, #tpu.memory_space<vmem>>, vector<16xf32>,
        %gt3A_451 = arith.cmpf ogt, %get3A_450, %select_n3A_443 : vector<16xf32>
        %select_n3A_452 = arith.select %gt3A_451, %get3A_450, %select_n3A_443 : vector<16xi1>, vector<16xf32>
        %add3A_453 = arith.constant 32 : i32
        %add3A_454 = vector.broadcast %add3A_453 : i32 to vector<16xi32>
        %add3A_455 = arith.addi %iota3A, %add3A_454 : vector<16xi32>
        %select_n3A_456 = arith.select %gt3A_451, %add3A_455, %select_n3A_447 : vector<16xi1>, vector<16xi32>
        %get3A_457 = arith.index_cast %reduce_min3A_427 : i32 to index
        %get3A_458 = arith.constant 48 : index
        %get3A_459 = tpu.vector_load %arg8[%get3A_457, %get3A_458] {strides = array<i32>} : memref<172x128xf32, #tpu.memory_space<vmem>>, vector<16xf32>,
        %gt3A_460 = arith.cmpf ogt, %get3A_459, %select_n3A_452 : vector<16xf32>
        %select_n3A_461 = arith.select %gt3A_460, %get3A_459, %select_n3A_452 : vector<16xi1>, vector<16xf32>
        %add3A_462 = arith.constant 48 : i32
        %add3A_463 = vector.broadcast %add3A_462 : i32 to vector<16xi32>
        %add3A_464 = arith.addi %iota3A, %add3A_463 : vector<16xi32>
        %select_n3A_465 = arith.select %gt3A_460, %add3A_464, %select_n3A_456 : vector<16xi1>, vector<16xi32>
        %get3A_466 = arith.index_cast %reduce_min3A_427 : i32 to index
        %get3A_467 = arith.constant 64 : index
        %get3A_468 = tpu.vector_load %arg8[%get3A_466, %get3A_467] {strides = array<i32>} : memref<172x128xf32, #tpu.memory_space<vmem>>, vector<16xf32>,
        %gt3A_469 = arith.cmpf ogt, %get3A_468, %select_n3A_461 : vector<16xf32>
        %select_n3A_470 = arith.select %gt3A_469, %get3A_468, %select_n3A_461 : vector<16xi1>, vector<16xf32>
        %add3A_471 = arith.constant 64 : i32
        %add3A_472 = vector.broadcast %add3A_471 : i32 to vector<16xi32>
        %add3A_473 = arith.addi %iota3A, %add3A_472 : vector<16xi32>
        %select_n3A_474 = arith.select %gt3A_469, %add3A_473, %select_n3A_465 : vector<16xi1>, vector<16xi32>
        %get3A_475 = arith.index_cast %reduce_min3A_427 : i32 to index
        %get3A_476 = arith.constant 80 : index
        %get3A_477 = tpu.vector_load %arg8[%get3A_475, %get3A_476] {strides = array<i32>} : memref<172x128xf32, #tpu.memory_space<vmem>>, vector<16xf32>,
        %gt3A_478 = arith.cmpf ogt, %get3A_477, %select_n3A_470 : vector<16xf32>
        %select_n3A_479 = arith.select %gt3A_478, %get3A_477, %select_n3A_470 : vector<16xi1>, vector<16xf32>
        %add3A_480 = arith.constant 80 : i32
        %add3A_481 = vector.broadcast %add3A_480 : i32 to vector<16xi32>
        %add3A_482 = arith.addi %iota3A, %add3A_481 : vector<16xi32>
        %select_n3A_483 = arith.select %gt3A_478, %add3A_482, %select_n3A_474 : vector<16xi1>, vector<16xi32>
        %get3A_484 = arith.index_cast %reduce_min3A_427 : i32 to index
        %get3A_485 = arith.constant 96 : index
        %get3A_486 = tpu.vector_load %arg8[%get3A_484, %get3A_485] {strides = array<i32>} : memref<172x128xf32, #tpu.memory_space<vmem>>, vector<16xf32>,
        %gt3A_487 = arith.cmpf ogt, %get3A_486, %select_n3A_479 : vector<16xf32>
        %select_n3A_488 = arith.select %gt3A_487, %get3A_486, %select_n3A_479 : vector<16xi1>, vector<16xf32>
        %add3A_489 = arith.constant 96 : i32
        %add3A_490 = vector.broadcast %add3A_489 : i32 to vector<16xi32>
        %add3A_491 = arith.addi %iota3A, %add3A_490 : vector<16xi32>
        %select_n3A_492 = arith.select %gt3A_487, %add3A_491, %select_n3A_483 : vector<16xi1>, vector<16xi32>
        %get3A_493 = arith.index_cast %reduce_min3A_427 : i32 to index
        %get3A_494 = arith.constant 112 : index
        %get3A_495 = tpu.vector_load %arg8[%get3A_493, %get3A_494] {strides = array<i32>} : memref<172x128xf32, #tpu.memory_space<vmem>>, vector<16xf32>,
        %gt3A_496 = arith.cmpf ogt, %get3A_495, %select_n3A_488 : vector<16xf32>
        %select_n3A_497 = arith.select %gt3A_496, %get3A_495, %select_n3A_488 : vector<16xi1>, vector<16xf32>
        %add3A_498 = arith.constant 112 : i32
        %add3A_499 = vector.broadcast %add3A_498 : i32 to vector<16xi32>
        %add3A_500 = arith.addi %iota3A, %add3A_499 : vector<16xi32>
        %select_n3A_501 = arith.select %gt3A_496, %add3A_500, %select_n3A_492 : vector<16xi1>, vector<16xi32>
        %reduce_max3A_502 = arith.constant true
        %reduce_max3A_503 = vector.broadcast %reduce_max3A_502 : i1 to vector<16xi1>
        %reduce_max3A_504 = tpu.scan <max>, %select_n3A_497 masked %reduce_max3A_503 : vector<16xf32>, vector<16xi1> -> vector<16xf32>
        %reduce_max3A_505 = vector.extract %reduce_max3A_504[15] : f32 from vector<16xf32>
        %broadcast_in_dim3A_506 = vector.broadcast %reduce_max3A_505 : f32 to vector<16xf32>
        %eq3A_507 = arith.cmpf oeq, %select_n3A_497, %broadcast_in_dim3A_506 : vector<16xf32>
        %jit3A_508 = arith.constant 128 : i32
        %broadcast_in_dim3A_509 = vector.broadcast %jit3A_508 : i32 to vector<16xi32>
        %select_n3A_510 = arith.select %eq3A_507, %select_n3A_501, %broadcast_in_dim3A_509 : vector<16xi1>, vector<16xi32>
        %reduce_min3A_511 = arith.constant true
        %reduce_min3A_512 = vector.broadcast %reduce_min3A_511 : i1 to vector<16xi1>
        %reduce_min3A_513 = arith.constant -2147483648 : i32
        %reduce_min3A_514 = vector.broadcast %reduce_min3A_513 : i32 to vector<16xi32>
        %reduce_min3A_515 = arith.xori %select_n3A_510, %reduce_min3A_514 : vector<16xi32>
        %reduce_min3A_516 = tpu.scan <min>, %reduce_min3A_515 masked %reduce_min3A_512 : vector<16xi32>, vector<16xi1> -> vector<16xi32>
        %reduce_min3A_517 = arith.xori %reduce_min3A_516, %reduce_min3A_514 : vector<16xi32>
        %reduce_min3A_518 = vector.extract %reduce_min3A_517[15] : i32 from vector<16xi32>
        %mul3A_519 = arith.constant 128 : i32
        %mul3A_520 = arith.muli %reduce_min3A_427, %mul3A_519 : i32
        %add3A_521 = arith.addi %mul3A_520, %reduce_min3A_518 : i32
        %gt3A_522 = arith.constant 5.000000e-02 : f32
        %gt3A_523 = vector.broadcast %gt3A_522 : f32 to vector<16xf32>
        %gt3A_524 = arith.cmpf ogt, %select_n3A_497, %gt3A_523 : vector<16xf32>
        %convert_element_type3A_525 = arith.extui %gt3A_524 : vector<16xi1> to vector<16xi32>
        %reduce_sum3A = arith.constant true
        %reduce_sum3A_526 = vector.broadcast %reduce_sum3A : i1 to vector<16xi1>
        %reduce_sum3A_527 = tpu.scan <sum>, %convert_element_type3A_525 masked %reduce_sum3A_526 : vector<16xi32>, vector<16xi1> -> vector<16xi32>
        %reduce_sum3A_528 = vector.extract %reduce_sum3A_527[15] : i32 from vector<16xi32>
        %gt3A_529 = arith.constant 0 : i32
        %gt3A_530 = arith.cmpi sgt, %reduce_sum3A_528, %gt3A_529 : i32
        %ge3A = arith.constant 16384 : i32
        %ge3A_531 = arith.cmpi sge, %add3A_521, %ge3A : i32
        %convert_element_type3A_532 = arith.extui %ge3A_531 : i1 to i32
        %ge3A_533 = arith.constant 20480 : i32
        %ge3A_534 = arith.cmpi sge, %add3A_521, %ge3A_533 : i32
        %convert_element_type3A_535 = arith.extui %ge3A_534 : i1 to i32
        %add3A_536 = arith.addi %convert_element_type3A_532, %convert_element_type3A_535 : i32
        %ge3A_537 = arith.constant 21504 : i32
        %ge3A_538 = arith.cmpi sge, %add3A_521, %ge3A_537 : i32
        %convert_element_type3A_539 = arith.extui %ge3A_538 : i1 to i32
        %add3A_540 = arith.addi %add3A_536, %convert_element_type3A_539 : i32
        %ge3A_541 = arith.constant 21760 : i32
        %ge3A_542 = arith.cmpi sge, %add3A_521, %ge3A_541 : i32
        %convert_element_type3A_543 = arith.extui %ge3A_542 : i1 to i32
        %add3A_544 = arith.addi %add3A_540, %convert_element_type3A_543 : i32
        %eq3A_545 = arith.constant 0 : i32
        %eq3A_546 = arith.cmpi eq, %add3A_544, %eq3A_545 : i32
        %eq3A_547 = arith.constant 1 : i32
        %eq3A_548 = arith.cmpi eq, %add3A_544, %eq3A_547 : i32
        %eq3A_549 = arith.constant 2 : i32
        %eq3A_550 = arith.cmpi eq, %add3A_544, %eq3A_549 : i32
        %eq3A_551 = arith.constant 3 : i32
        %eq3A_552 = arith.cmpi eq, %add3A_544, %eq3A_551 : i32
        %select_n3A_553 = arith.select %eq3A_552, %while3A_323, %while3A_324 : i32
        %select_n3A_554 = arith.select %eq3A_550, %while3A_322, %select_n3A_553 : i32
        %select_n3A_555 = arith.select %eq3A_548, %while3A_321, %select_n3A_554 : i32
        %select_n3A_556 = arith.select %eq3A_546, %while3A_320, %select_n3A_555 : i32
        %eq3A_557 = arith.constant 0 : i32
        %eq3A_558 = arith.cmpi eq, %add3A_544, %eq3A_557 : i32
        %eq3A_559 = arith.constant 1 : i32
        %eq3A_560 = arith.cmpi eq, %add3A_544, %eq3A_559 : i32
        %eq3A_561 = arith.constant 2 : i32
        %eq3A_562 = arith.cmpi eq, %add3A_544, %eq3A_561 : i32
        %eq3A_563 = arith.constant 3 : i32
        %eq3A_564 = arith.cmpi eq, %add3A_544, %eq3A_563 : i32
        %jit3A_565 = arith.constant 256 : i32
        %jit3A_566 = arith.constant 64 : i32
        %select_n3A_567 = arith.select %eq3A_564, %jit3A_565, %jit3A_566 : i32
        %jit3A_568 = arith.constant 1000 : i32
        %select_n3A_569 = arith.select %eq3A_562, %jit3A_568, %select_n3A_567 : i32
        %jit3A_570 = arith.constant 1000 : i32
        %select_n3A_571 = arith.select %eq3A_560, %jit3A_570, %select_n3A_569 : i32
        %jit3A_572 = arith.constant 1000 : i32
        %select_n3A_573 = arith.select %eq3A_558, %jit3A_572, %select_n3A_571 : i32
        %lt3A_574 = arith.cmpi slt, %select_n3A_556, %select_n3A_573 : i32
        %and3A = arith.andi %lt3A_574, %gt3A_530 : i1
        %broadcast_in_dim3A_575 = vector.broadcast %reduce_min3A_427 : i32 to vector<16xi32>
        %broadcast_in_dim3A_576 = vector.broadcast %reduce_min3A_518 : i32 to vector<16xi32>
        %gather3A = tpu.vector_load_idx %arg9[%broadcast_in_dim3A_575, %broadcast_in_dim3A_576] : memref<172x128xi32, #tpu.memory_space<vmem>>[vector<16xi32>, vector<16xi32>], vector<16xi32>,
        %gather3A_577 = tpu.vector_load_idx %arg10[%broadcast_in_dim3A_575, %broadcast_in_dim3A_576] : memref<172x128xi32, #tpu.memory_space<vmem>>[vector<16xi32>, vector<16xi32>], vector<16xi32>,
        %and3A_578 = arith.constant 1023 : i32
        %and3A_579 = vector.broadcast %and3A_578 : i32 to vector<16xi32>
        %and3A_580 = arith.andi %gather3A, %and3A_579 : vector<16xi32>
        %convert_element_type3A_581 = arith.sitofp %and3A_580 : vector<16xi32> to vector<16xf32>
        %shift_right_arithmetic3A = arith.constant 10 : i32
        %shift_right_arithmetic3A_582 = vector.broadcast %shift_right_arithmetic3A : i32 to vector<16xi32>
        %shift_right_arithmetic3A_583 = arith.shrsi %gather3A, %shift_right_arithmetic3A_582 : vector<16xi32>
        %and3A_584 = arith.constant 1023 : i32
        %and3A_585 = vector.broadcast %and3A_584 : i32 to vector<16xi32>
        %and3A_586 = arith.andi %shift_right_arithmetic3A_583, %and3A_585 : vector<16xi32>
        %convert_element_type3A_587 = arith.sitofp %and3A_586 : vector<16xi32> to vector<16xf32>
        %shift_right_arithmetic3A_588 = arith.constant 20 : i32
        %shift_right_arithmetic3A_589 = vector.broadcast %shift_right_arithmetic3A_588 : i32 to vector<16xi32>
        %shift_right_arithmetic3A_590 = arith.shrsi %gather3A, %shift_right_arithmetic3A_589 : vector<16xi32>
        %and3A_591 = arith.constant 127 : i32
        %and3A_592 = vector.broadcast %and3A_591 : i32 to vector<16xi32>
        %and3A_593 = arith.andi %shift_right_arithmetic3A_590, %and3A_592 : vector<16xi32>
        %convert_element_type3A_594 = arith.sitofp %and3A_593 : vector<16xi32> to vector<16xf32>
        %and3A_595 = arith.constant 1023 : i32
        %and3A_596 = vector.broadcast %and3A_595 : i32 to vector<16xi32>
        %and3A_597 = arith.andi %gather3A_577, %and3A_596 : vector<16xi32>
        %convert_element_type3A_598 = arith.sitofp %and3A_597 : vector<16xi32> to vector<16xf32>
        %shift_right_arithmetic3A_599 = arith.constant 10 : i32
        %shift_right_arithmetic3A_600 = vector.broadcast %shift_right_arithmetic3A_599 : i32 to vector<16xi32>
        %shift_right_arithmetic3A_601 = arith.shrsi %gather3A_577, %shift_right_arithmetic3A_600 : vector<16xi32>
        %and3A_602 = arith.constant 1023 : i32
        %and3A_603 = vector.broadcast %and3A_602 : i32 to vector<16xi32>
        %and3A_604 = arith.andi %shift_right_arithmetic3A_601, %and3A_603 : vector<16xi32>
        %convert_element_type3A_605 = arith.sitofp %and3A_604 : vector<16xi32> to vector<16xf32>
        %sub3A = arith.subf %convert_element_type3A_598, %convert_element_type3A_581 : vector<16xf32>
        %sub3A_606 = arith.subf %convert_element_type3A_605, %convert_element_type3A_587 : vector<16xf32>
        %mul3A_607 = arith.mulf %sub3A, %sub3A_606 : vector<16xf32>
        %broadcast_in_dim3A_608 = arith.constant false
        %broadcast_in_dim3A_609 = vector.broadcast %broadcast_in_dim3A_608 : i1 to vector<16xi1>
        %broadcast_in_dim3A_610 = vector.broadcast %while3A_318 : i32 to vector<16xi32>
        %add3A_611 = arith.constant 0 : i32
        %add3A_612 = vector.broadcast %add3A_611 : i32 to vector<16xi32>
        %add3A_613 = arith.addi %iota3A, %add3A_612 : vector<16xi32>
        %lt3A_614 = arith.cmpi slt, %add3A_613, %broadcast_in_dim3A_610 : vector<16xi32>
        %get3A_615 = arith.constant 0 : index
        %get3A_616 = tpu.vector_load %arg14[%get3A_615] {strides = array<i32>} : memref<112xf32, #tpu.memory_space<vmem>>, vector<16xf32>,
        %get3A_617 = arith.constant 0 : index
        %get3A_618 = tpu.vector_load %arg15[%get3A_617] {strides = array<i32>} : memref<112xf32, #tpu.memory_space<vmem>>, vector<16xf32>,
        %get3A_619 = arith.constant 0 : index
        %get3A_620 = tpu.vector_load %arg16[%get3A_619] {strides = array<i32>} : memref<112xf32, #tpu.memory_space<vmem>>, vector<16xf32>,
        %get3A_621 = arith.constant 0 : index
        %get3A_622 = tpu.vector_load %arg17[%get3A_621] {strides = array<i32>} : memref<112xf32, #tpu.memory_space<vmem>>, vector<16xf32>,
        %get3A_623 = arith.constant 0 : index
        %get3A_624 = tpu.vector_load %arg18[%get3A_623] {strides = array<i32>} : memref<112xf32, #tpu.memory_space<vmem>>, vector<16xf32>,
        %max3A = arith.maximumf %get3A_616, %convert_element_type3A_581 : vector<16xf32>
        %max3A_625 = arith.maximumf %get3A_618, %convert_element_type3A_587 : vector<16xf32>
        %min3A = arith.minimumf %get3A_620, %convert_element_type3A_598 : vector<16xf32>
        %min3A_626 = arith.minimumf %get3A_622, %convert_element_type3A_605 : vector<16xf32>
        %sub3A_627 = arith.subf %min3A, %max3A : vector<16xf32>
        %max3A_628 = arith.constant 0.000000e+00 : f32
        %max3A_629 = vector.broadcast %max3A_628 : f32 to vector<16xf32>
        %max3A_630 = arith.maximumf %sub3A_627, %max3A_629 : vector<16xf32>
        %sub3A_631 = arith.subf %min3A_626, %max3A_625 : vector<16xf32>
        %max3A_632 = arith.constant 0.000000e+00 : f32
        %max3A_633 = vector.broadcast %max3A_632 : f32 to vector<16xf32>
        %max3A_634 = arith.maximumf %sub3A_631, %max3A_633 : vector<16xf32>
        %mul3A_635 = arith.mulf %max3A_630, %max3A_634 : vector<16xf32>
        %add3A_636 = arith.addf %get3A_624, %mul3A_607 : vector<16xf32>
        %sub3A_637 = arith.subf %add3A_636, %mul3A_635 : vector<16xf32>
        %gt3A_638 = arith.constant 0.000000e+00 : f32
        %gt3A_639 = vector.broadcast %gt3A_638 : f32 to vector<16xf32>
        %gt3A_640 = arith.cmpf ogt, %sub3A_637, %gt3A_639 : vector<16xf32>
        %max3A_641 = arith.constant 9.99999996E-13 : f32
        %max3A_642 = vector.broadcast %max3A_641 : f32 to vector<16xf32>
        %max3A_643 = arith.maximumf %sub3A_637, %max3A_642 : vector<16xf32>
        %div3A = arith.divf %mul3A_635, %max3A_643 : vector<16xf32>
        %jit3A_644 = arith.constant 0.000000e+00 : f32
        %broadcast_in_dim3A_645 = vector.broadcast %jit3A_644 : f32 to vector<16xf32>
        %select_n3A_646 = arith.select %gt3A_640, %div3A, %broadcast_in_dim3A_645 : vector<16xi1>, vector<16xf32>
        %gt3A_647 = arith.constant 6.000000e-01 : f32
        %gt3A_648 = vector.broadcast %gt3A_647 : f32 to vector<16xf32>
        %gt3A_649 = arith.cmpf ogt, %select_n3A_646, %gt3A_648 : vector<16xf32>
        %and3A_650 = arith.andi %lt3A_614, %gt3A_649 : vector<16xi1>
        %or3A = arith.ori %broadcast_in_dim3A_609, %and3A_650 : vector<16xi1>
        %add3A_651 = arith.constant 16 : i32
        %add3A_652 = vector.broadcast %add3A_651 : i32 to vector<16xi32>
        %add3A_653 = arith.addi %iota3A, %add3A_652 : vector<16xi32>
        %lt3A_654 = arith.cmpi slt, %add3A_653, %broadcast_in_dim3A_610 : vector<16xi32>
        %get3A_655 = arith.constant 16 : index
        %get3A_656 = tpu.vector_load %arg14[%get3A_655] {strides = array<i32>} : memref<112xf32, #tpu.memory_space<vmem>>, vector<16xf32>,
        %get3A_657 = arith.constant 16 : index
        %get3A_658 = tpu.vector_load %arg15[%get3A_657] {strides = array<i32>} : memref<112xf32, #tpu.memory_space<vmem>>, vector<16xf32>,
        %get3A_659 = arith.constant 16 : index
        %get3A_660 = tpu.vector_load %arg16[%get3A_659] {strides = array<i32>} : memref<112xf32, #tpu.memory_space<vmem>>, vector<16xf32>,
        %get3A_661 = arith.constant 16 : index
        %get3A_662 = tpu.vector_load %arg17[%get3A_661] {strides = array<i32>} : memref<112xf32, #tpu.memory_space<vmem>>, vector<16xf32>,
        %get3A_663 = arith.constant 16 : index
        %get3A_664 = tpu.vector_load %arg18[%get3A_663] {strides = array<i32>} : memref<112xf32, #tpu.memory_space<vmem>>, vector<16xf32>,
        %max3A_665 = arith.maximumf %get3A_656, %convert_element_type3A_581 : vector<16xf32>
        %max3A_666 = arith.maximumf %get3A_658, %convert_element_type3A_587 : vector<16xf32>
        %min3A_667 = arith.minimumf %get3A_660, %convert_element_type3A_598 : vector<16xf32>
        %min3A_668 = arith.minimumf %get3A_662, %convert_element_type3A_605 : vector<16xf32>
        %sub3A_669 = arith.subf %min3A_667, %max3A_665 : vector<16xf32>
        %max3A_670 = arith.constant 0.000000e+00 : f32
        %max3A_671 = vector.broadcast %max3A_670 : f32 to vector<16xf32>
        %max3A_672 = arith.maximumf %sub3A_669, %max3A_671 : vector<16xf32>
        %sub3A_673 = arith.subf %min3A_668, %max3A_666 : vector<16xf32>
        %max3A_674 = arith.constant 0.000000e+00 : f32
        %max3A_675 = vector.broadcast %max3A_674 : f32 to vector<16xf32>
        %max3A_676 = arith.maximumf %sub3A_673, %max3A_675 : vector<16xf32>
        %mul3A_677 = arith.mulf %max3A_672, %max3A_676 : vector<16xf32>
        %add3A_678 = arith.addf %get3A_664, %mul3A_607 : vector<16xf32>
        %sub3A_679 = arith.subf %add3A_678, %mul3A_677 : vector<16xf32>
        %gt3A_680 = arith.constant 0.000000e+00 : f32
        %gt3A_681 = vector.broadcast %gt3A_680 : f32 to vector<16xf32>
        %gt3A_682 = arith.cmpf ogt, %sub3A_679, %gt3A_681 : vector<16xf32>
        %max3A_683 = arith.constant 9.99999996E-13 : f32
        %max3A_684 = vector.broadcast %max3A_683 : f32 to vector<16xf32>
        %max3A_685 = arith.maximumf %sub3A_679, %max3A_684 : vector<16xf32>
        %div3A_686 = arith.divf %mul3A_677, %max3A_685 : vector<16xf32>
        %jit3A_687 = arith.constant 0.000000e+00 : f32
        %broadcast_in_dim3A_688 = vector.broadcast %jit3A_687 : f32 to vector<16xf32>
        %select_n3A_689 = arith.select %gt3A_682, %div3A_686, %broadcast_in_dim3A_688 : vector<16xi1>, vector<16xf32>
        %gt3A_690 = arith.constant 6.000000e-01 : f32
        %gt3A_691 = vector.broadcast %gt3A_690 : f32 to vector<16xf32>
        %gt3A_692 = arith.cmpf ogt, %select_n3A_689, %gt3A_691 : vector<16xf32>
        %and3A_693 = arith.andi %lt3A_654, %gt3A_692 : vector<16xi1>
        %or3A_694 = arith.ori %or3A, %and3A_693 : vector<16xi1>
        %add3A_695 = arith.constant 32 : i32
        %add3A_696 = vector.broadcast %add3A_695 : i32 to vector<16xi32>
        %add3A_697 = arith.addi %iota3A, %add3A_696 : vector<16xi32>
        %lt3A_698 = arith.cmpi slt, %add3A_697, %broadcast_in_dim3A_610 : vector<16xi32>
        %get3A_699 = arith.constant 32 : index
        %get3A_700 = tpu.vector_load %arg14[%get3A_699] {strides = array<i32>} : memref<112xf32, #tpu.memory_space<vmem>>, vector<16xf32>,
        %get3A_701 = arith.constant 32 : index
        %get3A_702 = tpu.vector_load %arg15[%get3A_701] {strides = array<i32>} : memref<112xf32, #tpu.memory_space<vmem>>, vector<16xf32>,
        %get3A_703 = arith.constant 32 : index
        %get3A_704 = tpu.vector_load %arg16[%get3A_703] {strides = array<i32>} : memref<112xf32, #tpu.memory_space<vmem>>, vector<16xf32>,
        %get3A_705 = arith.constant 32 : index
        %get3A_706 = tpu.vector_load %arg17[%get3A_705] {strides = array<i32>} : memref<112xf32, #tpu.memory_space<vmem>>, vector<16xf32>,
        %get3A_707 = arith.constant 32 : index
        %get3A_708 = tpu.vector_load %arg18[%get3A_707] {strides = array<i32>} : memref<112xf32, #tpu.memory_space<vmem>>, vector<16xf32>,
        %max3A_709 = arith.maximumf %get3A_700, %convert_element_type3A_581 : vector<16xf32>
        %max3A_710 = arith.maximumf %get3A_702, %convert_element_type3A_587 : vector<16xf32>
        %min3A_711 = arith.minimumf %get3A_704, %convert_element_type3A_598 : vector<16xf32>
        %min3A_712 = arith.minimumf %get3A_706, %convert_element_type3A_605 : vector<16xf32>
        %sub3A_713 = arith.subf %min3A_711, %max3A_709 : vector<16xf32>
        %max3A_714 = arith.constant 0.000000e+00 : f32
        %max3A_715 = vector.broadcast %max3A_714 : f32 to vector<16xf32>
        %max3A_716 = arith.maximumf %sub3A_713, %max3A_715 : vector<16xf32>
        %sub3A_717 = arith.subf %min3A_712, %max3A_710 : vector<16xf32>
        %max3A_718 = arith.constant 0.000000e+00 : f32
        %max3A_719 = vector.broadcast %max3A_718 : f32 to vector<16xf32>
        %max3A_720 = arith.maximumf %sub3A_717, %max3A_719 : vector<16xf32>
        %mul3A_721 = arith.mulf %max3A_716, %max3A_720 : vector<16xf32>
        %add3A_722 = arith.addf %get3A_708, %mul3A_607 : vector<16xf32>
        %sub3A_723 = arith.subf %add3A_722, %mul3A_721 : vector<16xf32>
        %gt3A_724 = arith.constant 0.000000e+00 : f32
        %gt3A_725 = vector.broadcast %gt3A_724 : f32 to vector<16xf32>
        %gt3A_726 = arith.cmpf ogt, %sub3A_723, %gt3A_725 : vector<16xf32>
        %max3A_727 = arith.constant 9.99999996E-13 : f32
        %max3A_728 = vector.broadcast %max3A_727 : f32 to vector<16xf32>
        %max3A_729 = arith.maximumf %sub3A_723, %max3A_728 : vector<16xf32>
        %div3A_730 = arith.divf %mul3A_721, %max3A_729 : vector<16xf32>
        %jit3A_731 = arith.constant 0.000000e+00 : f32
        %broadcast_in_dim3A_732 = vector.broadcast %jit3A_731 : f32 to vector<16xf32>
        %select_n3A_733 = arith.select %gt3A_726, %div3A_730, %broadcast_in_dim3A_732 : vector<16xi1>, vector<16xf32>
        %gt3A_734 = arith.constant 6.000000e-01 : f32
        %gt3A_735 = vector.broadcast %gt3A_734 : f32 to vector<16xf32>
        %gt3A_736 = arith.cmpf ogt, %select_n3A_733, %gt3A_735 : vector<16xf32>
        %and3A_737 = arith.andi %lt3A_698, %gt3A_736 : vector<16xi1>
        %or3A_738 = arith.ori %or3A_694, %and3A_737 : vector<16xi1>
        %add3A_739 = arith.constant 48 : i32
        %add3A_740 = vector.broadcast %add3A_739 : i32 to vector<16xi32>
        %add3A_741 = arith.addi %iota3A, %add3A_740 : vector<16xi32>
        %lt3A_742 = arith.cmpi slt, %add3A_741, %broadcast_in_dim3A_610 : vector<16xi32>
        %get3A_743 = arith.constant 48 : index
        %get3A_744 = tpu.vector_load %arg14[%get3A_743] {strides = array<i32>} : memref<112xf32, #tpu.memory_space<vmem>>, vector<16xf32>,
        %get3A_745 = arith.constant 48 : index
        %get3A_746 = tpu.vector_load %arg15[%get3A_745] {strides = array<i32>} : memref<112xf32, #tpu.memory_space<vmem>>, vector<16xf32>,
        %get3A_747 = arith.constant 48 : index
        %get3A_748 = tpu.vector_load %arg16[%get3A_747] {strides = array<i32>} : memref<112xf32, #tpu.memory_space<vmem>>, vector<16xf32>,
        %get3A_749 = arith.constant 48 : index
        %get3A_750 = tpu.vector_load %arg17[%get3A_749] {strides = array<i32>} : memref<112xf32, #tpu.memory_space<vmem>>, vector<16xf32>,
        %get3A_751 = arith.constant 48 : index
        %get3A_752 = tpu.vector_load %arg18[%get3A_751] {strides = array<i32>} : memref<112xf32, #tpu.memory_space<vmem>>, vector<16xf32>,
        %max3A_753 = arith.maximumf %get3A_744, %convert_element_type3A_581 : vector<16xf32>
        %max3A_754 = arith.maximumf %get3A_746, %convert_element_type3A_587 : vector<16xf32>
        %min3A_755 = arith.minimumf %get3A_748, %convert_element_type3A_598 : vector<16xf32>
        %min3A_756 = arith.minimumf %get3A_750, %convert_element_type3A_605 : vector<16xf32>
        %sub3A_757 = arith.subf %min3A_755, %max3A_753 : vector<16xf32>
        %max3A_758 = arith.constant 0.000000e+00 : f32
        %max3A_759 = vector.broadcast %max3A_758 : f32 to vector<16xf32>
        %max3A_760 = arith.maximumf %sub3A_757, %max3A_759 : vector<16xf32>
        %sub3A_761 = arith.subf %min3A_756, %max3A_754 : vector<16xf32>
        %max3A_762 = arith.constant 0.000000e+00 : f32
        %max3A_763 = vector.broadcast %max3A_762 : f32 to vector<16xf32>
        %max3A_764 = arith.maximumf %sub3A_761, %max3A_763 : vector<16xf32>
        %mul3A_765 = arith.mulf %max3A_760, %max3A_764 : vector<16xf32>
        %add3A_766 = arith.addf %get3A_752, %mul3A_607 : vector<16xf32>
        %sub3A_767 = arith.subf %add3A_766, %mul3A_765 : vector<16xf32>
        %gt3A_768 = arith.constant 0.000000e+00 : f32
        %gt3A_769 = vector.broadcast %gt3A_768 : f32 to vector<16xf32>
        %gt3A_770 = arith.cmpf ogt, %sub3A_767, %gt3A_769 : vector<16xf32>
        %max3A_771 = arith.constant 9.99999996E-13 : f32
        %max3A_772 = vector.broadcast %max3A_771 : f32 to vector<16xf32>
        %max3A_773 = arith.maximumf %sub3A_767, %max3A_772 : vector<16xf32>
        %div3A_774 = arith.divf %mul3A_765, %max3A_773 : vector<16xf32>
        %jit3A_775 = arith.constant 0.000000e+00 : f32
        %broadcast_in_dim3A_776 = vector.broadcast %jit3A_775 : f32 to vector<16xf32>
        %select_n3A_777 = arith.select %gt3A_770, %div3A_774, %broadcast_in_dim3A_776 : vector<16xi1>, vector<16xf32>
        %gt3A_778 = arith.constant 6.000000e-01 : f32
        %gt3A_779 = vector.broadcast %gt3A_778 : f32 to vector<16xf32>
        %gt3A_780 = arith.cmpf ogt, %select_n3A_777, %gt3A_779 : vector<16xf32>
        %and3A_781 = arith.andi %lt3A_742, %gt3A_780 : vector<16xi1>
        %or3A_782 = arith.ori %or3A_738, %and3A_781 : vector<16xi1>
        %add3A_783 = arith.constant 64 : i32
        %add3A_784 = vector.broadcast %add3A_783 : i32 to vector<16xi32>
        %add3A_785 = arith.addi %iota3A, %add3A_784 : vector<16xi32>
        %lt3A_786 = arith.cmpi slt, %add3A_785, %broadcast_in_dim3A_610 : vector<16xi32>
        %get3A_787 = arith.constant 64 : index
        %get3A_788 = tpu.vector_load %arg14[%get3A_787] {strides = array<i32>} : memref<112xf32, #tpu.memory_space<vmem>>, vector<16xf32>,
        %get3A_789 = arith.constant 64 : index
        %get3A_790 = tpu.vector_load %arg15[%get3A_789] {strides = array<i32>} : memref<112xf32, #tpu.memory_space<vmem>>, vector<16xf32>,
        %get3A_791 = arith.constant 64 : index
        %get3A_792 = tpu.vector_load %arg16[%get3A_791] {strides = array<i32>} : memref<112xf32, #tpu.memory_space<vmem>>, vector<16xf32>,
        %get3A_793 = arith.constant 64 : index
        %get3A_794 = tpu.vector_load %arg17[%get3A_793] {strides = array<i32>} : memref<112xf32, #tpu.memory_space<vmem>>, vector<16xf32>,
        %get3A_795 = arith.constant 64 : index
        %get3A_796 = tpu.vector_load %arg18[%get3A_795] {strides = array<i32>} : memref<112xf32, #tpu.memory_space<vmem>>, vector<16xf32>,
        %max3A_797 = arith.maximumf %get3A_788, %convert_element_type3A_581 : vector<16xf32>
        %max3A_798 = arith.maximumf %get3A_790, %convert_element_type3A_587 : vector<16xf32>
        %min3A_799 = arith.minimumf %get3A_792, %convert_element_type3A_598 : vector<16xf32>
        %min3A_800 = arith.minimumf %get3A_794, %convert_element_type3A_605 : vector<16xf32>
        %sub3A_801 = arith.subf %min3A_799, %max3A_797 : vector<16xf32>
        %max3A_802 = arith.constant 0.000000e+00 : f32
        %max3A_803 = vector.broadcast %max3A_802 : f32 to vector<16xf32>
        %max3A_804 = arith.maximumf %sub3A_801, %max3A_803 : vector<16xf32>
        %sub3A_805 = arith.subf %min3A_800, %max3A_798 : vector<16xf32>
        %max3A_806 = arith.constant 0.000000e+00 : f32
        %max3A_807 = vector.broadcast %max3A_806 : f32 to vector<16xf32>
        %max3A_808 = arith.maximumf %sub3A_805, %max3A_807 : vector<16xf32>
        %mul3A_809 = arith.mulf %max3A_804, %max3A_808 : vector<16xf32>
        %add3A_810 = arith.addf %get3A_796, %mul3A_607 : vector<16xf32>
        %sub3A_811 = arith.subf %add3A_810, %mul3A_809 : vector<16xf32>
        %gt3A_812 = arith.constant 0.000000e+00 : f32
        %gt3A_813 = vector.broadcast %gt3A_812 : f32 to vector<16xf32>
        %gt3A_814 = arith.cmpf ogt, %sub3A_811, %gt3A_813 : vector<16xf32>
        %max3A_815 = arith.constant 9.99999996E-13 : f32
        %max3A_816 = vector.broadcast %max3A_815 : f32 to vector<16xf32>
        %max3A_817 = arith.maximumf %sub3A_811, %max3A_816 : vector<16xf32>
        %div3A_818 = arith.divf %mul3A_809, %max3A_817 : vector<16xf32>
        %jit3A_819 = arith.constant 0.000000e+00 : f32
        %broadcast_in_dim3A_820 = vector.broadcast %jit3A_819 : f32 to vector<16xf32>
        %select_n3A_821 = arith.select %gt3A_814, %div3A_818, %broadcast_in_dim3A_820 : vector<16xi1>, vector<16xf32>
        %gt3A_822 = arith.constant 6.000000e-01 : f32
        %gt3A_823 = vector.broadcast %gt3A_822 : f32 to vector<16xf32>
        %gt3A_824 = arith.cmpf ogt, %select_n3A_821, %gt3A_823 : vector<16xf32>
        %and3A_825 = arith.andi %lt3A_786, %gt3A_824 : vector<16xi1>
        %or3A_826 = arith.ori %or3A_782, %and3A_825 : vector<16xi1>
        %add3A_827 = arith.constant 80 : i32
        %add3A_828 = vector.broadcast %add3A_827 : i32 to vector<16xi32>
        %add3A_829 = arith.addi %iota3A, %add3A_828 : vector<16xi32>
        %lt3A_830 = arith.cmpi slt, %add3A_829, %broadcast_in_dim3A_610 : vector<16xi32>
        %get3A_831 = arith.constant 80 : index
        %get3A_832 = tpu.vector_load %arg14[%get3A_831] {strides = array<i32>} : memref<112xf32, #tpu.memory_space<vmem>>, vector<16xf32>,
        %get3A_833 = arith.constant 80 : index
        %get3A_834 = tpu.vector_load %arg15[%get3A_833] {strides = array<i32>} : memref<112xf32, #tpu.memory_space<vmem>>, vector<16xf32>,
        %get3A_835 = arith.constant 80 : index
        %get3A_836 = tpu.vector_load %arg16[%get3A_835] {strides = array<i32>} : memref<112xf32, #tpu.memory_space<vmem>>, vector<16xf32>,
        %get3A_837 = arith.constant 80 : index
        %get3A_838 = tpu.vector_load %arg17[%get3A_837] {strides = array<i32>} : memref<112xf32, #tpu.memory_space<vmem>>, vector<16xf32>,
        %get3A_839 = arith.constant 80 : index
        %get3A_840 = tpu.vector_load %arg18[%get3A_839] {strides = array<i32>} : memref<112xf32, #tpu.memory_space<vmem>>, vector<16xf32>,
        %max3A_841 = arith.maximumf %get3A_832, %convert_element_type3A_581 : vector<16xf32>
        %max3A_842 = arith.maximumf %get3A_834, %convert_element_type3A_587 : vector<16xf32>
        %min3A_843 = arith.minimumf %get3A_836, %convert_element_type3A_598 : vector<16xf32>
        %min3A_844 = arith.minimumf %get3A_838, %convert_element_type3A_605 : vector<16xf32>
        %sub3A_845 = arith.subf %min3A_843, %max3A_841 : vector<16xf32>
        %max3A_846 = arith.constant 0.000000e+00 : f32
        %max3A_847 = vector.broadcast %max3A_846 : f32 to vector<16xf32>
        %max3A_848 = arith.maximumf %sub3A_845, %max3A_847 : vector<16xf32>
        %sub3A_849 = arith.subf %min3A_844, %max3A_842 : vector<16xf32>
        %max3A_850 = arith.constant 0.000000e+00 : f32
        %max3A_851 = vector.broadcast %max3A_850 : f32 to vector<16xf32>
        %max3A_852 = arith.maximumf %sub3A_849, %max3A_851 : vector<16xf32>
        %mul3A_853 = arith.mulf %max3A_848, %max3A_852 : vector<16xf32>
        %add3A_854 = arith.addf %get3A_840, %mul3A_607 : vector<16xf32>
        %sub3A_855 = arith.subf %add3A_854, %mul3A_853 : vector<16xf32>
        %gt3A_856 = arith.constant 0.000000e+00 : f32
        %gt3A_857 = vector.broadcast %gt3A_856 : f32 to vector<16xf32>
        %gt3A_858 = arith.cmpf ogt, %sub3A_855, %gt3A_857 : vector<16xf32>
        %max3A_859 = arith.constant 9.99999996E-13 : f32
        %max3A_860 = vector.broadcast %max3A_859 : f32 to vector<16xf32>
        %max3A_861 = arith.maximumf %sub3A_855, %max3A_860 : vector<16xf32>
        %div3A_862 = arith.divf %mul3A_853, %max3A_861 : vector<16xf32>
        %jit3A_863 = arith.constant 0.000000e+00 : f32
        %broadcast_in_dim3A_864 = vector.broadcast %jit3A_863 : f32 to vector<16xf32>
        %select_n3A_865 = arith.select %gt3A_858, %div3A_862, %broadcast_in_dim3A_864 : vector<16xi1>, vector<16xf32>
        %gt3A_866 = arith.constant 6.000000e-01 : f32
        %gt3A_867 = vector.broadcast %gt3A_866 : f32 to vector<16xf32>
        %gt3A_868 = arith.cmpf ogt, %select_n3A_865, %gt3A_867 : vector<16xf32>
        %and3A_869 = arith.andi %lt3A_830, %gt3A_868 : vector<16xi1>
        %or3A_870 = arith.ori %or3A_826, %and3A_869 : vector<16xi1>
        %add3A_871 = arith.constant 96 : i32
        %add3A_872 = vector.broadcast %add3A_871 : i32 to vector<16xi32>
        %add3A_873 = arith.addi %iota3A, %add3A_872 : vector<16xi32>
        %lt3A_874 = arith.cmpi slt, %add3A_873, %broadcast_in_dim3A_610 : vector<16xi32>
        %get3A_875 = arith.constant 96 : index
        %get3A_876 = tpu.vector_load %arg14[%get3A_875] {strides = array<i32>} : memref<112xf32, #tpu.memory_space<vmem>>, vector<16xf32>,
        %get3A_877 = arith.constant 96 : index
        %get3A_878 = tpu.vector_load %arg15[%get3A_877] {strides = array<i32>} : memref<112xf32, #tpu.memory_space<vmem>>, vector<16xf32>,
        %get3A_879 = arith.constant 96 : index
        %get3A_880 = tpu.vector_load %arg16[%get3A_879] {strides = array<i32>} : memref<112xf32, #tpu.memory_space<vmem>>, vector<16xf32>,
        %get3A_881 = arith.constant 96 : index
        %get3A_882 = tpu.vector_load %arg17[%get3A_881] {strides = array<i32>} : memref<112xf32, #tpu.memory_space<vmem>>, vector<16xf32>,
        %get3A_883 = arith.constant 96 : index
        %get3A_884 = tpu.vector_load %arg18[%get3A_883] {strides = array<i32>} : memref<112xf32, #tpu.memory_space<vmem>>, vector<16xf32>,
        %max3A_885 = arith.maximumf %get3A_876, %convert_element_type3A_581 : vector<16xf32>
        %max3A_886 = arith.maximumf %get3A_878, %convert_element_type3A_587 : vector<16xf32>
        %min3A_887 = arith.minimumf %get3A_880, %convert_element_type3A_598 : vector<16xf32>
        %min3A_888 = arith.minimumf %get3A_882, %convert_element_type3A_605 : vector<16xf32>
        %sub3A_889 = arith.subf %min3A_887, %max3A_885 : vector<16xf32>
        %max3A_890 = arith.constant 0.000000e+00 : f32
        %max3A_891 = vector.broadcast %max3A_890 : f32 to vector<16xf32>
        %max3A_892 = arith.maximumf %sub3A_889, %max3A_891 : vector<16xf32>
        %sub3A_893 = arith.subf %min3A_888, %max3A_886 : vector<16xf32>
        %max3A_894 = arith.constant 0.000000e+00 : f32
        %max3A_895 = vector.broadcast %max3A_894 : f32 to vector<16xf32>
        %max3A_896 = arith.maximumf %sub3A_893, %max3A_895 : vector<16xf32>
        %mul3A_897 = arith.mulf %max3A_892, %max3A_896 : vector<16xf32>
        %add3A_898 = arith.addf %get3A_884, %mul3A_607 : vector<16xf32>
        %sub3A_899 = arith.subf %add3A_898, %mul3A_897 : vector<16xf32>
        %gt3A_900 = arith.constant 0.000000e+00 : f32
        %gt3A_901 = vector.broadcast %gt3A_900 : f32 to vector<16xf32>
        %gt3A_902 = arith.cmpf ogt, %sub3A_899, %gt3A_901 : vector<16xf32>
        %max3A_903 = arith.constant 9.99999996E-13 : f32
        %max3A_904 = vector.broadcast %max3A_903 : f32 to vector<16xf32>
        %max3A_905 = arith.maximumf %sub3A_899, %max3A_904 : vector<16xf32>
        %div3A_906 = arith.divf %mul3A_897, %max3A_905 : vector<16xf32>
        %jit3A_907 = arith.constant 0.000000e+00 : f32
        %broadcast_in_dim3A_908 = vector.broadcast %jit3A_907 : f32 to vector<16xf32>
        %select_n3A_909 = arith.select %gt3A_902, %div3A_906, %broadcast_in_dim3A_908 : vector<16xi1>, vector<16xf32>
        %gt3A_910 = arith.constant 6.000000e-01 : f32
        %gt3A_911 = vector.broadcast %gt3A_910 : f32 to vector<16xf32>
        %gt3A_912 = arith.cmpf ogt, %select_n3A_909, %gt3A_911 : vector<16xf32>
        %and3A_913 = arith.andi %lt3A_874, %gt3A_912 : vector<16xi1>
        %or3A_914 = arith.ori %or3A_870, %and3A_913 : vector<16xi1>
        %reduce_or3A = arith.constant 1.000000e+00 : f32
        %reduce_or3A_915 = arith.constant 0.000000e+00 : f32
        %reduce_or3A_916 = vector.broadcast %reduce_or3A : f32 to vector<16xf32>
        %reduce_or3A_917 = vector.broadcast %reduce_or3A_915 : f32 to vector<16xf32>
        %reduce_or3A_918 = arith.select %or3A_914, %reduce_or3A_916, %reduce_or3A_917 : vector<16xi1>, vector<16xf32>
        %reduce_or3A_919 = arith.constant true
        %reduce_or3A_920 = vector.broadcast %reduce_or3A_919 : i1 to vector<16xi1>
        %reduce_or3A_921 = tpu.scan <max>, %reduce_or3A_918 masked %reduce_or3A_920 : vector<16xf32>, vector<16xi1> -> vector<16xf32>
        %reduce_or3A_922 = vector.extract %reduce_or3A_921[15] : f32 from vector<16xf32>
        %reduce_or3A_923 = arith.constant 0.000000e+00 : f32
        %reduce_or3A_924 = arith.cmpf ogt, %reduce_or3A_922, %reduce_or3A_923 : f32
        %not3A = arith.constant true
        %not3A_925 = arith.xori %reduce_or3A_924, %not3A : i1
        %and3A_926 = arith.andi %and3A, %not3A_925 : i1
        %convert_element_type3A_927 = arith.extui %gt3A_530 : i1 to i32
        %cond3A_928 = arith.constant 0 : i32
        %cond3A_929 = arith.cmpi ne, %convert_element_type3A_927, %cond3A_928 : i32
        scf.if %cond3A_929 {
          tpu.vector_store_idx %arg8[%broadcast_in_dim3A_575, %broadcast_in_dim3A_576], %broadcast_in_dim3A_3 masked %eq3A_5 : memref<172x128xf32, #tpu.memory_space<vmem>>[vector<16xi32>, vector<16xi32>], vector<16xf32>, vector<16xi1>
          %get3A_963 = arith.index_cast %reduce_min3A_427 : i32 to index
          %get3A_964 = arith.constant 0 : index
          %get3A_965 = tpu.vector_load %arg8[%get3A_963, %get3A_964] {strides = array<i32>} : memref<172x128xf32, #tpu.memory_space<vmem>>, vector<16xf32>,
          %max3A_966 = arith.maximumf %broadcast_in_dim3A_3, %get3A_965 : vector<16xf32>
          %get3A_967 = arith.index_cast %reduce_min3A_427 : i32 to index
          %get3A_968 = arith.constant 16 : index
          %get3A_969 = tpu.vector_load %arg8[%get3A_967, %get3A_968] {strides = array<i32>} : memref<172x128xf32, #tpu.memory_space<vmem>>, vector<16xf32>,
          %max3A_970 = arith.maximumf %max3A_966, %get3A_969 : vector<16xf32>
          %get3A_971 = arith.index_cast %reduce_min3A_427 : i32 to index
          %get3A_972 = arith.constant 32 : index
          %get3A_973 = tpu.vector_load %arg8[%get3A_971, %get3A_972] {strides = array<i32>} : memref<172x128xf32, #tpu.memory_space<vmem>>, vector<16xf32>,
          %max3A_974 = arith.maximumf %max3A_970, %get3A_973 : vector<16xf32>
          %get3A_975 = arith.index_cast %reduce_min3A_427 : i32 to index
          %get3A_976 = arith.constant 48 : index
          %get3A_977 = tpu.vector_load %arg8[%get3A_975, %get3A_976] {strides = array<i32>} : memref<172x128xf32, #tpu.memory_space<vmem>>, vector<16xf32>,
          %max3A_978 = arith.maximumf %max3A_974, %get3A_977 : vector<16xf32>
          %get3A_979 = arith.index_cast %reduce_min3A_427 : i32 to index
          %get3A_980 = arith.constant 64 : index
          %get3A_981 = tpu.vector_load %arg8[%get3A_979, %get3A_980] {strides = array<i32>} : memref<172x128xf32, #tpu.memory_space<vmem>>, vector<16xf32>,
          %max3A_982 = arith.maximumf %max3A_978, %get3A_981 : vector<16xf32>
          %get3A_983 = arith.index_cast %reduce_min3A_427 : i32 to index
          %get3A_984 = arith.constant 80 : index
          %get3A_985 = tpu.vector_load %arg8[%get3A_983, %get3A_984] {strides = array<i32>} : memref<172x128xf32, #tpu.memory_space<vmem>>, vector<16xf32>,
          %max3A_986 = arith.maximumf %max3A_982, %get3A_985 : vector<16xf32>
          %get3A_987 = arith.index_cast %reduce_min3A_427 : i32 to index
          %get3A_988 = arith.constant 96 : index
          %get3A_989 = tpu.vector_load %arg8[%get3A_987, %get3A_988] {strides = array<i32>} : memref<172x128xf32, #tpu.memory_space<vmem>>, vector<16xf32>,
          %max3A_990 = arith.maximumf %max3A_986, %get3A_989 : vector<16xf32>
          %get3A_991 = arith.index_cast %reduce_min3A_427 : i32 to index
          %get3A_992 = arith.constant 112 : index
          %get3A_993 = tpu.vector_load %arg8[%get3A_991, %get3A_992] {strides = array<i32>} : memref<172x128xf32, #tpu.memory_space<vmem>>, vector<16xf32>,
          %max3A_994 = arith.maximumf %max3A_990, %get3A_993 : vector<16xf32>
          %reduce_max3A_995 = arith.constant true
          %reduce_max3A_996 = vector.broadcast %reduce_max3A_995 : i1 to vector<16xi1>
          %reduce_max3A_997 = tpu.scan <max>, %max3A_994 masked %reduce_max3A_996 : vector<16xf32>, vector<16xi1> -> vector<16xf32>
          %reduce_max3A_998 = vector.extract %reduce_max3A_997[15] : f32 from vector<16xf32>
          %broadcast_in_dim3A_999 = vector.broadcast %reduce_max3A_998 : f32 to vector<16xf32>
          tpu.vector_store_idx %arg13[%broadcast_in_dim3A_575], %broadcast_in_dim3A_999 masked %eq3A_5 : memref<176xf32, #tpu.memory_space<vmem>>[vector<16xi32>], vector<16xf32>, vector<16xi1>
        } else {
        }
        %convert_element_type3A_930 = arith.extui %and3A_926 : i1 to i32
        %cond3A_931 = arith.constant 0 : i32
        %cond3A_932 = arith.cmpi ne, %convert_element_type3A_930, %cond3A_931 : i32
        scf.if %cond3A_932 {
          %broadcast_in_dim3A_963 = vector.broadcast %while3A_318 : i32 to vector<16xi32>
          tpu.vector_store_idx %arg14[%broadcast_in_dim3A_963], %convert_element_type3A_581 masked %eq3A_5 : memref<112xf32, #tpu.memory_space<vmem>>[vector<16xi32>], vector<16xf32>, vector<16xi1>
          tpu.vector_store_idx %arg15[%broadcast_in_dim3A_963], %convert_element_type3A_587 masked %eq3A_5 : memref<112xf32, #tpu.memory_space<vmem>>[vector<16xi32>], vector<16xf32>, vector<16xi1>
          tpu.vector_store_idx %arg16[%broadcast_in_dim3A_963], %convert_element_type3A_598 masked %eq3A_5 : memref<112xf32, #tpu.memory_space<vmem>>[vector<16xi32>], vector<16xf32>, vector<16xi1>
          tpu.vector_store_idx %arg17[%broadcast_in_dim3A_963], %convert_element_type3A_605 masked %eq3A_5 : memref<112xf32, #tpu.memory_space<vmem>>[vector<16xi32>], vector<16xf32>, vector<16xi1>
          tpu.vector_store_idx %arg18[%broadcast_in_dim3A_963], %mul3A_607 masked %eq3A_5 : memref<112xf32, #tpu.memory_space<vmem>>[vector<16xi32>], vector<16xf32>, vector<16xi1>
          tpu.vector_store_idx %arg19[%broadcast_in_dim3A_963], %broadcast_in_dim3A_506 masked %eq3A_5 : memref<112xf32, #tpu.memory_space<vmem>>[vector<16xi32>], vector<16xf32>, vector<16xi1>
          tpu.vector_store_idx %arg20[%broadcast_in_dim3A_963], %convert_element_type3A_594 masked %eq3A_5 : memref<112xf32, #tpu.memory_space<vmem>>[vector<16xi32>], vector<16xf32>, vector<16xi1>
          %mul3A_964 = arith.constant 4 : i32
          %mul3A_965 = vector.broadcast %mul3A_964 : i32 to vector<16xi32>
          %mul3A_966 = arith.muli %broadcast_in_dim3A_963, %mul3A_965 : vector<16xi32>
          %min3A_967 = arith.constant 3 : i32
          %min3A_968 = vector.broadcast %min3A_967 : i32 to vector<16xi32>
          %min3A_969 = arith.minsi %iota3A, %min3A_968 : vector<16xi32>
          %add3A_970 = arith.addi %mul3A_966, %min3A_969 : vector<16xi32>
          %eq3A_971 = arith.constant 0 : i32
          %eq3A_972 = vector.broadcast %eq3A_971 : i32 to vector<16xi32>
          %eq3A_973 = arith.cmpi eq, %iota3A, %eq3A_972 : vector<16xi32>
          %eq3A_974 = arith.constant 1 : i32
          %eq3A_975 = vector.broadcast %eq3A_974 : i32 to vector<16xi32>
          %eq3A_976 = arith.cmpi eq, %iota3A, %eq3A_975 : vector<16xi32>
          %eq3A_977 = arith.constant 2 : i32
          %eq3A_978 = vector.broadcast %eq3A_977 : i32 to vector<16xi32>
          %eq3A_979 = arith.cmpi eq, %iota3A, %eq3A_978 : vector<16xi32>
          %select_n3A_980 = arith.select %eq3A_979, %convert_element_type3A_598, %convert_element_type3A_605 : vector<16xi1>, vector<16xf32>
          %select_n3A_981 = arith.select %eq3A_976, %convert_element_type3A_587, %select_n3A_980 : vector<16xi1>, vector<16xf32>
          %select_n3A_982 = arith.select %eq3A_973, %convert_element_type3A_581, %select_n3A_981 : vector<16xi1>, vector<16xf32>
          %lt3A_983 = arith.constant 4 : i32
          %lt3A_984 = vector.broadcast %lt3A_983 : i32 to vector<16xi32>
          %lt3A_985 = arith.cmpi slt, %iota3A, %lt3A_984 : vector<16xi32>
          tpu.vector_store_idx %arg21[%add3A_970], %select_n3A_982 masked %lt3A_985 : memref<448xf32, #tpu.memory_space<vmem>>[vector<16xi32>], vector<16xf32>, vector<16xi1>
        } else {
        }
        %convert_element_type3A_933 = arith.extui %and3A : i1 to i32
        %convert_element_type3A_934 = arith.extui %gt3A_530 : i1 to i32
        %convert_element_type3A_935 = arith.extui %and3A_926 : i1 to i32
        %add3A_936 = arith.addi %while3A_318, %convert_element_type3A_935 : i32
        %add3A_937 = arith.addi %while3A_319, %convert_element_type3A_933 : i32
        %eq3A_938 = arith.constant 0 : i32
        %eq3A_939 = arith.cmpi eq, %add3A_544, %eq3A_938 : i32
        %jit3A_940 = arith.constant 0 : i32
        %select_n3A_941 = arith.select %eq3A_939, %convert_element_type3A_933, %jit3A_940 : i32
        %add3A_942 = arith.addi %while3A_320, %select_n3A_941 : i32
        %eq3A_943 = arith.constant 1 : i32
        %eq3A_944 = arith.cmpi eq, %add3A_544, %eq3A_943 : i32
        %jit3A_945 = arith.constant 0 : i32
        %select_n3A_946 = arith.select %eq3A_944, %convert_element_type3A_933, %jit3A_945 : i32
        %add3A_947 = arith.addi %while3A_321, %select_n3A_946 : i32
        %eq3A_948 = arith.constant 2 : i32
        %eq3A_949 = arith.cmpi eq, %add3A_544, %eq3A_948 : i32
        %jit3A_950 = arith.constant 0 : i32
        %select_n3A_951 = arith.select %eq3A_949, %convert_element_type3A_933, %jit3A_950 : i32
        %add3A_952 = arith.addi %while3A_322, %select_n3A_951 : i32
        %eq3A_953 = arith.constant 3 : i32
        %eq3A_954 = arith.cmpi eq, %add3A_544, %eq3A_953 : i32
        %jit3A_955 = arith.constant 0 : i32
        %select_n3A_956 = arith.select %eq3A_954, %convert_element_type3A_933, %jit3A_955 : i32
        %add3A_957 = arith.addi %while3A_323, %select_n3A_956 : i32
        %eq3A_958 = arith.constant 4 : i32
        %eq3A_959 = arith.cmpi eq, %add3A_544, %eq3A_958 : i32
        %jit3A_960 = arith.constant 0 : i32
        %select_n3A_961 = arith.select %eq3A_959, %convert_element_type3A_933, %jit3A_960 : i32
        %add3A_962 = arith.addi %while3A_324, %select_n3A_961 : i32
        scf.yield %convert_element_type3A_934, %add3A_936, %add3A_937, %add3A_942, %add3A_947, %add3A_952, %add3A_957, %add3A_962 : i32, i32, i32, i32, i32, i32, i32, i32
      }
      "tpu.region"() ({
        %run_scoped3A = tpu.sem_alloc : memref<!tpu.dma_semaphore, #tpu.memory_space<semaphore_mem>>
        %dma_start3A_317 = arith.constant 0 : i32
        %dma_start3A_318 = tpu.memref_slice %arg5[%add3A, %dma_start3A_317] : memref<8x112xf32, #tpu.memory_space<hbm>> -> memref<1x112xf32, #tpu.memory_space<hbm>>
        %dma_start3A_319 = tpu.memref_squeeze %dma_start3A_318 : memref<1x112xf32, #tpu.memory_space<hbm>> -> memref<112xf32, #tpu.memory_space<hbm>>
        %dma_start3A_320 = arith.constant 0 : i32
        %dma_start3A_321 = tpu.memref_slice %arg5[%add3A, %dma_start3A_320] : memref<8x112xf32, #tpu.memory_space<hbm>> -> memref<1x112xf32, #tpu.memory_space<hbm>>
        %dma_start3A_322 = tpu.memref_squeeze %dma_start3A_321 : memref<1x112xf32, #tpu.memory_space<hbm>> -> memref<112xf32, #tpu.memory_space<hbm>>
        tpu.enqueue_dma source(%arg19 : memref<112xf32, #tpu.memory_space<vmem>>) target(%dma_start3A_322 : memref<112xf32, #tpu.memory_space<hbm>>) target_semaphore(%run_scoped3A : memref<!tpu.dma_semaphore, #tpu.memory_space<semaphore_mem>>)
        %dma_wait3A_323 = arith.constant 0 : i32
        %dma_wait3A_324 = tpu.memref_slice %arg5[%add3A, %dma_wait3A_323] : memref<8x112xf32, #tpu.memory_space<hbm>> -> memref<1x112xf32, #tpu.memory_space<hbm>>
        %dma_wait3A_325 = tpu.memref_squeeze %dma_wait3A_324 : memref<1x112xf32, #tpu.memory_space<hbm>> -> memref<112xf32, #tpu.memory_space<hbm>>
        %dma_wait3A_326 = arith.constant 0 : i32
        %dma_wait3A_327 = tpu.memref_slice %arg5[%add3A, %dma_wait3A_326] : memref<8x112xf32, #tpu.memory_space<hbm>> -> memref<1x112xf32, #tpu.memory_space<hbm>>
        %dma_wait3A_328 = tpu.memref_squeeze %dma_wait3A_327 : memref<1x112xf32, #tpu.memory_space<hbm>> -> memref<112xf32, #tpu.memory_space<hbm>>
        tpu.wait_dma2 semaphore(%run_scoped3A : memref<!tpu.dma_semaphore, #tpu.memory_space<semaphore_mem>>) src(%arg19 : memref<112xf32, #tpu.memory_space<vmem>>) dst(%dma_wait3A_328 : memref<112xf32, #tpu.memory_space<hbm>>)
        tpu.yield
      }) : () -> ()
      "tpu.region"() ({
        %run_scoped3A = tpu.sem_alloc : memref<!tpu.dma_semaphore, #tpu.memory_space<semaphore_mem>>
        %dma_start3A_317 = arith.constant 0 : i32
        %dma_start3A_318 = tpu.memref_slice %arg6[%add3A, %dma_start3A_317] : memref<8x112xf32, #tpu.memory_space<hbm>> -> memref<1x112xf32, #tpu.memory_space<hbm>>
        %dma_start3A_319 = tpu.memref_squeeze %dma_start3A_318 : memref<1x112xf32, #tpu.memory_space<hbm>> -> memref<112xf32, #tpu.memory_space<hbm>>
        %dma_start3A_320 = arith.constant 0 : i32
        %dma_start3A_321 = tpu.memref_slice %arg6[%add3A, %dma_start3A_320] : memref<8x112xf32, #tpu.memory_space<hbm>> -> memref<1x112xf32, #tpu.memory_space<hbm>>
        %dma_start3A_322 = tpu.memref_squeeze %dma_start3A_321 : memref<1x112xf32, #tpu.memory_space<hbm>> -> memref<112xf32, #tpu.memory_space<hbm>>
        tpu.enqueue_dma source(%arg20 : memref<112xf32, #tpu.memory_space<vmem>>) target(%dma_start3A_322 : memref<112xf32, #tpu.memory_space<hbm>>) target_semaphore(%run_scoped3A : memref<!tpu.dma_semaphore, #tpu.memory_space<semaphore_mem>>)
        %dma_wait3A_323 = arith.constant 0 : i32
        %dma_wait3A_324 = tpu.memref_slice %arg6[%add3A, %dma_wait3A_323] : memref<8x112xf32, #tpu.memory_space<hbm>> -> memref<1x112xf32, #tpu.memory_space<hbm>>
        %dma_wait3A_325 = tpu.memref_squeeze %dma_wait3A_324 : memref<1x112xf32, #tpu.memory_space<hbm>> -> memref<112xf32, #tpu.memory_space<hbm>>
        %dma_wait3A_326 = arith.constant 0 : i32
        %dma_wait3A_327 = tpu.memref_slice %arg6[%add3A, %dma_wait3A_326] : memref<8x112xf32, #tpu.memory_space<hbm>> -> memref<1x112xf32, #tpu.memory_space<hbm>>
        %dma_wait3A_328 = tpu.memref_squeeze %dma_wait3A_327 : memref<1x112xf32, #tpu.memory_space<hbm>> -> memref<112xf32, #tpu.memory_space<hbm>>
        tpu.wait_dma2 semaphore(%run_scoped3A : memref<!tpu.dma_semaphore, #tpu.memory_space<semaphore_mem>>) src(%arg20 : memref<112xf32, #tpu.memory_space<vmem>>) dst(%dma_wait3A_328 : memref<112xf32, #tpu.memory_space<hbm>>)
        tpu.yield
      }) : () -> ()
      "tpu.region"() ({
        %run_scoped3A = tpu.sem_alloc : memref<!tpu.dma_semaphore, #tpu.memory_space<semaphore_mem>>
        %dma_start3A_317 = arith.constant 0 : i32
        %dma_start3A_318 = tpu.memref_slice %arg7[%add3A, %dma_start3A_317] : memref<8x448xf32, #tpu.memory_space<hbm>> -> memref<1x448xf32, #tpu.memory_space<hbm>>
        %dma_start3A_319 = tpu.memref_squeeze %dma_start3A_318 : memref<1x448xf32, #tpu.memory_space<hbm>> -> memref<448xf32, #tpu.memory_space<hbm>>
        %dma_start3A_320 = arith.constant 0 : i32
        %dma_start3A_321 = tpu.memref_slice %arg7[%add3A, %dma_start3A_320] : memref<8x448xf32, #tpu.memory_space<hbm>> -> memref<1x448xf32, #tpu.memory_space<hbm>>
        %dma_start3A_322 = tpu.memref_squeeze %dma_start3A_321 : memref<1x448xf32, #tpu.memory_space<hbm>> -> memref<448xf32, #tpu.memory_space<hbm>>
        tpu.enqueue_dma source(%arg21 : memref<448xf32, #tpu.memory_space<vmem>>) target(%dma_start3A_322 : memref<448xf32, #tpu.memory_space<hbm>>) target_semaphore(%run_scoped3A : memref<!tpu.dma_semaphore, #tpu.memory_space<semaphore_mem>>)
        %dma_wait3A_323 = arith.constant 0 : i32
        %dma_wait3A_324 = tpu.memref_slice %arg7[%add3A, %dma_wait3A_323] : memref<8x448xf32, #tpu.memory_space<hbm>> -> memref<1x448xf32, #tpu.memory_space<hbm>>
        %dma_wait3A_325 = tpu.memref_squeeze %dma_wait3A_324 : memref<1x448xf32, #tpu.memory_space<hbm>> -> memref<448xf32, #tpu.memory_space<hbm>>
        %dma_wait3A_326 = arith.constant 0 : i32
        %dma_wait3A_327 = tpu.memref_slice %arg7[%add3A, %dma_wait3A_326] : memref<8x448xf32, #tpu.memory_space<hbm>> -> memref<1x448xf32, #tpu.memory_space<hbm>>
        %dma_wait3A_328 = tpu.memref_squeeze %dma_wait3A_327 : memref<1x448xf32, #tpu.memory_space<hbm>> -> memref<448xf32, #tpu.memory_space<hbm>>
        tpu.wait_dma2 semaphore(%run_scoped3A : memref<!tpu.dma_semaphore, #tpu.memory_space<semaphore_mem>>) src(%arg21 : memref<448xf32, #tpu.memory_space<vmem>>) dst(%dma_wait3A_328 : memref<448xf32, #tpu.memory_space<hbm>>)
        tpu.yield
      }) : () -> ()
    } else {
    }
    return
  }
}

module attributes {stable_mosaic.version = 14 : i64} {
  func.func @_dense_body(%arg0: i32, %arg1: memref<8x512x80xf32, #tpu.memory_space<vmem>>, %arg2: memref<8x512x4xf32, #tpu.memory_space<vmem>>, %arg3: memref<8x512xf32, #tpu.memory_space<vmem>>, %arg4: memref<8x512x80xf32, #tpu.memory_space<vmem>>, %arg5: memref<8x512x4xf32, #tpu.memory_space<vmem>>, %arg6: memref<8x512xf32, #tpu.memory_space<vmem>>, %arg7: memref<8x512x80xf32, #tpu.memory_space<vmem>>, %arg8: memref<8x512x4xf32, #tpu.memory_space<vmem>>, %arg9: memref<8x512xf32, #tpu.memory_space<vmem>>, %arg10: memref<8x256x80xf32, #tpu.memory_space<vmem>>, %arg11: memref<8x256x4xf32, #tpu.memory_space<vmem>>, %arg12: memref<8x256xf32, #tpu.memory_space<vmem>>, %arg13: memref<8x64x80xf32, #tpu.memory_space<vmem>>, %arg14: memref<8x64x4xf32, #tpu.memory_space<vmem>>, %arg15: memref<8x64xf32, #tpu.memory_space<vmem>>, %arg16: memref<32x128xf32, #tpu.memory_space<vmem>>, %arg17: memref<32x128xi32, #tpu.memory_space<vmem>>, %arg18: memref<32x128xi32, #tpu.memory_space<vmem>>) attributes {dimension_semantics = [#tpu.dimension_semantics<arbitrary>], iteration_bounds = array<i64: 43>, scalar_prefetch = 0 : i64, scratch_operands = 0 : i64, tpu.core_type = #tpu.core_type<tc>, window_params = [{transform_indices = @transform_0, window_bounds = array<i64: 8, 512, 80>}, {transform_indices = @transform_1, window_bounds = array<i64: 8, 512, 4>}, {transform_indices = @transform_2, window_bounds = array<i64: 8, 512>}, {transform_indices = @transform_3, window_bounds = array<i64: 8, 512, 80>}, {transform_indices = @transform_4, window_bounds = array<i64: 8, 512, 4>}, {transform_indices = @transform_5, window_bounds = array<i64: 8, 512>}, {transform_indices = @transform_6, window_bounds = array<i64: 8, 512, 80>}, {transform_indices = @transform_7, window_bounds = array<i64: 8, 512, 4>}, {transform_indices = @transform_8, window_bounds = array<i64: 8, 512>}, {transform_indices = @transform_9, window_bounds = array<i64: 8, 256, 80>}, {transform_indices = @transform_10, window_bounds = array<i64: 8, 256, 4>}, {transform_indices = @transform_11, window_bounds = array<i64: 8, 256>}, {transform_indices = @transform_12, window_bounds = array<i64: 8, 64, 80>}, {transform_indices = @transform_13, window_bounds = array<i64: 8, 64, 4>}, {transform_indices = @transform_14, window_bounds = array<i64: 8, 64>}, {transform_indices = @transform_15, window_bounds = array<i64: 32, 128>}, {transform_indices = @transform_16, window_bounds = array<i64: 32, 128>}, {transform_indices = @transform_17, window_bounds = array<i64: 32, 128>}]} {
    %lt3A = arith.constant 32 : i32
    %lt3A_0 = arith.cmpi slt, %arg0, %lt3A : i32
    %convert_element_type3A = arith.extui %lt3A_0 : i1 to i32
    %cond3A = arith.constant 0 : i32
    %cond3A_1 = arith.cmpi ne, %convert_element_type3A, %cond3A : i32
    scf.if %cond3A_1 {
      %get3A = arith.constant 0 : index
      %get3A_20 = arith.constant 0 : index
      %get3A_21 = arith.constant 0 : index
      %get3A_22 = vector.load %arg1[%get3A, %get3A_20, %get3A_21] : memref<8x512x80xf32, #tpu.memory_space<vmem>>, vector<8x512x80xf32>
      %get3A_23 = arith.constant 0 : index
      %get3A_24 = arith.constant 0 : index
      %get3A_25 = arith.constant 0 : index
      %get3A_26 = vector.load %arg2[%get3A_23, %get3A_24, %get3A_25] : memref<8x512x4xf32, #tpu.memory_space<vmem>>, vector<8x512x4xf32>
      %get3A_27 = arith.constant 0 : index
      %get3A_28 = arith.constant 0 : index
      %get3A_29 = vector.load %arg3[%get3A_27, %get3A_28] : memref<8x512xf32, #tpu.memory_space<vmem>>, vector<8x512xf32>
      %slice3A = vector.extract_strided_slice %get3A_22 {offsets = [0, 0, 0], sizes = [8, 128, 80], strides = [1, 1, 1]} : vector<8x512x80xf32> to vector<8x128x80xf32>
      %logistic3A = arith.negf %slice3A : vector<8x128x80xf32>
      %logistic3A_30 = math.exp %logistic3A : vector<8x128x80xf32>
      %logistic3A_31 = arith.constant 1.000000e+00 : f32
      %logistic3A_32 = vector.broadcast %logistic3A_31 : f32 to vector<8x128x80xf32>
      %logistic3A_33 = arith.addf %logistic3A_32, %logistic3A_30 : vector<8x128x80xf32>
      %logistic3A_34 = arith.divf %logistic3A_32, %logistic3A_33 : vector<8x128x80xf32>
      %reduce_max3A = arith.constant dense<0xFF800000> : vector<8x128xf32>
      %reduce_max3A_35 = vector.multi_reduction <maximumf>, %logistic3A_34, %reduce_max3A [2] : vector<8x128x80xf32> to vector<8x128xf32>
      %argmax3A = tpu.reduce_index %logistic3A_34 {axis = 2 : i32, kind = #tpu.reduction_kind<arg_max>} : vector<8x128x80xf32> -> vector<8x128xi32>
      %slice3A_36 = vector.extract_strided_slice %get3A_22 {offsets = [0, 128, 0], sizes = [8, 128, 80], strides = [1, 1, 1]} : vector<8x512x80xf32> to vector<8x128x80xf32>
      %logistic3A_37 = arith.negf %slice3A_36 : vector<8x128x80xf32>
      %logistic3A_38 = math.exp %logistic3A_37 : vector<8x128x80xf32>
      %logistic3A_39 = arith.constant 1.000000e+00 : f32
      %logistic3A_40 = vector.broadcast %logistic3A_39 : f32 to vector<8x128x80xf32>
      %logistic3A_41 = arith.addf %logistic3A_40, %logistic3A_38 : vector<8x128x80xf32>
      %logistic3A_42 = arith.divf %logistic3A_40, %logistic3A_41 : vector<8x128x80xf32>
      %reduce_max3A_43 = arith.constant dense<0xFF800000> : vector<8x128xf32>
      %reduce_max3A_44 = vector.multi_reduction <maximumf>, %logistic3A_42, %reduce_max3A_43 [2] : vector<8x128x80xf32> to vector<8x128xf32>
      %argmax3A_45 = tpu.reduce_index %logistic3A_42 {axis = 2 : i32, kind = #tpu.reduction_kind<arg_max>} : vector<8x128x80xf32> -> vector<8x128xi32>
      %slice3A_46 = vector.extract_strided_slice %get3A_22 {offsets = [0, 256, 0], sizes = [8, 128, 80], strides = [1, 1, 1]} : vector<8x512x80xf32> to vector<8x128x80xf32>
      %logistic3A_47 = arith.negf %slice3A_46 : vector<8x128x80xf32>
      %logistic3A_48 = math.exp %logistic3A_47 : vector<8x128x80xf32>
      %logistic3A_49 = arith.constant 1.000000e+00 : f32
      %logistic3A_50 = vector.broadcast %logistic3A_49 : f32 to vector<8x128x80xf32>
      %logistic3A_51 = arith.addf %logistic3A_50, %logistic3A_48 : vector<8x128x80xf32>
      %logistic3A_52 = arith.divf %logistic3A_50, %logistic3A_51 : vector<8x128x80xf32>
      %reduce_max3A_53 = arith.constant dense<0xFF800000> : vector<8x128xf32>
      %reduce_max3A_54 = vector.multi_reduction <maximumf>, %logistic3A_52, %reduce_max3A_53 [2] : vector<8x128x80xf32> to vector<8x128xf32>
      %argmax3A_55 = tpu.reduce_index %logistic3A_52 {axis = 2 : i32, kind = #tpu.reduction_kind<arg_max>} : vector<8x128x80xf32> -> vector<8x128xi32>
      %slice3A_56 = vector.extract_strided_slice %get3A_22 {offsets = [0, 384, 0], sizes = [8, 128, 80], strides = [1, 1, 1]} : vector<8x512x80xf32> to vector<8x128x80xf32>
      %logistic3A_57 = arith.negf %slice3A_56 : vector<8x128x80xf32>
      %logistic3A_58 = math.exp %logistic3A_57 : vector<8x128x80xf32>
      %logistic3A_59 = arith.constant 1.000000e+00 : f32
      %logistic3A_60 = vector.broadcast %logistic3A_59 : f32 to vector<8x128x80xf32>
      %logistic3A_61 = arith.addf %logistic3A_60, %logistic3A_58 : vector<8x128x80xf32>
      %logistic3A_62 = arith.divf %logistic3A_60, %logistic3A_61 : vector<8x128x80xf32>
      %reduce_max3A_63 = arith.constant dense<0xFF800000> : vector<8x128xf32>
      %reduce_max3A_64 = vector.multi_reduction <maximumf>, %logistic3A_62, %reduce_max3A_63 [2] : vector<8x128x80xf32> to vector<8x128xf32>
      %argmax3A_65 = tpu.reduce_index %logistic3A_62 {axis = 2 : i32, kind = #tpu.reduction_kind<arg_max>} : vector<8x128x80xf32> -> vector<8x128xi32>
      %concatenate3A = tpu.concatenate %reduce_max3A_35, %reduce_max3A_44, %reduce_max3A_54, %reduce_max3A_64 in 1 : vector<8x128xf32>, vector<8x128xf32>, vector<8x128xf32>, vector<8x128xf32> -> vector<8x512xf32>
      %concatenate3A_66 = tpu.concatenate %argmax3A, %argmax3A_45, %argmax3A_55, %argmax3A_65 in 1 : vector<8x128xi32>, vector<8x128xi32>, vector<8x128xi32>, vector<8x128xi32> -> vector<8x512xi32>
      %logistic3A_67 = arith.negf %get3A_29 : vector<8x512xf32>
      %logistic3A_68 = math.exp %logistic3A_67 : vector<8x512xf32>
      %logistic3A_69 = arith.constant 1.000000e+00 : f32
      %logistic3A_70 = vector.broadcast %logistic3A_69 : f32 to vector<8x512xf32>
      %logistic3A_71 = arith.addf %logistic3A_70, %logistic3A_68 : vector<8x512xf32>
      %logistic3A_72 = arith.divf %logistic3A_70, %logistic3A_71 : vector<8x512xf32>
      %mul3A = arith.mulf %concatenate3A, %logistic3A_72 : vector<8x512xf32>
      %sqrt3A = math.sqrt %mul3A : vector<8x512xf32>
      %exp3A = math.exp %get3A_26 : vector<8x512x4xf32>
      %iota3A = tpu.iota {dimensions = array<i32: 1>} : vector<8x512xi32>
      %mul3A_73 = arith.constant 512 : i32
      %mul3A_74 = arith.muli %arg0, %mul3A_73 : i32
      %add3A = vector.broadcast %mul3A_74 : i32 to vector<8x512xi32>
      %add3A_75 = arith.addi %iota3A, %add3A : vector<8x512xi32>
      %jit3A = arith.constant 128 : i32
      %div3A = vector.broadcast %jit3A : i32 to vector<8x512xi32>
      %div3A_76 = arith.divsi %add3A_75, %div3A : vector<8x512xi32>
      %sign3A = arith.constant 0 : i32
      %sign3A_77 = vector.broadcast %sign3A : i32 to vector<8x512xi32>
      %sign3A_78 = arith.cmpi sgt, %add3A_75, %sign3A_77 : vector<8x512xi32>
      %sign3A_79 = arith.extui %sign3A_78 : vector<8x512xi1> to vector<8x512xi32>
      %sign3A_80 = arith.constant 0 : i32
      %sign3A_81 = vector.broadcast %sign3A_80 : i32 to vector<8x512xi32>
      %sign3A_82 = arith.cmpi slt, %add3A_75, %sign3A_81 : vector<8x512xi32>
      %sign3A_83 = arith.extui %sign3A_82 : vector<8x512xi1> to vector<8x512xi32>
      %sign3A_84 = arith.subi %sign3A_79, %sign3A_83 : vector<8x512xi32>
      %sign3A_85 = arith.constant 0 : i32
      %sign3A_86 = arith.cmpi sgt, %jit3A, %sign3A_85 : i32
      %sign3A_87 = arith.extui %sign3A_86 : i1 to i32
      %sign3A_88 = arith.constant 0 : i32
      %sign3A_89 = arith.cmpi slt, %jit3A, %sign3A_88 : i32
      %sign3A_90 = arith.extui %sign3A_89 : i1 to i32
      %sign3A_91 = arith.subi %sign3A_87, %sign3A_90 : i32
      %ne3A = vector.broadcast %sign3A_91 : i32 to vector<8x512xi32>
      %ne3A_92 = arith.cmpi ne, %sign3A_84, %ne3A : vector<8x512xi32>
      %rem3A = vector.broadcast %jit3A : i32 to vector<8x512xi32>
      %rem3A_93 = arith.remsi %add3A_75, %rem3A : vector<8x512xi32>
      %ne3A_94 = arith.constant 0 : i32
      %ne3A_95 = vector.broadcast %ne3A_94 : i32 to vector<8x512xi32>
      %ne3A_96 = arith.cmpi ne, %rem3A_93, %ne3A_95 : vector<8x512xi32>
      %and3A_97 = arith.andi %ne3A_92, %ne3A_96 : vector<8x512xi1>
      %sub3A = arith.constant 1 : i32
      %sub3A_98 = vector.broadcast %sub3A : i32 to vector<8x512xi32>
      %sub3A_99 = arith.subi %div3A_76, %sub3A_98 : vector<8x512xi32>
      %select_n3A = arith.select %and3A_97, %sub3A_99, %div3A_76 : vector<8x512xi1>, vector<8x512xi32>
      %mul3A_100 = arith.constant 128 : i32
      %mul3A_101 = vector.broadcast %mul3A_100 : i32 to vector<8x512xi32>
      %mul3A_102 = arith.muli %select_n3A, %mul3A_101 : vector<8x512xi32>
      %sub3A_103 = arith.subi %add3A_75, %mul3A_102 : vector<8x512xi32>
      %convert_element_type3A_104 = arith.sitofp %sub3A_103 : vector<8x512xi32> to vector<8x512xf32>
      %add3A_105 = arith.constant 5.000000e-01 : f32
      %add3A_106 = vector.broadcast %add3A_105 : f32 to vector<8x512xf32>
      %add3A_107 = arith.addf %convert_element_type3A_104, %add3A_106 : vector<8x512xf32>
      %mul3A_108 = arith.constant 8.000000e+00 : f32
      %mul3A_109 = vector.broadcast %mul3A_108 : f32 to vector<8x512xf32>
      %mul3A_110 = arith.mulf %add3A_107, %mul3A_109 : vector<8x512xf32>
      %convert_element_type3A_111 = arith.sitofp %select_n3A : vector<8x512xi32> to vector<8x512xf32>
      %add3A_112 = arith.constant 5.000000e-01 : f32
      %add3A_113 = vector.broadcast %add3A_112 : f32 to vector<8x512xf32>
      %add3A_114 = arith.addf %convert_element_type3A_111, %add3A_113 : vector<8x512xf32>
      %mul3A_115 = arith.constant 8.000000e+00 : f32
      %mul3A_116 = vector.broadcast %mul3A_115 : f32 to vector<8x512xf32>
      %mul3A_117 = arith.mulf %add3A_114, %mul3A_116 : vector<8x512xf32>
      %slice3A_118 = vector.extract_strided_slice %exp3A {offsets = [0, 0, 0], sizes = [8, 512, 1], strides = [1, 1, 1]} : vector<8x512x4xf32> to vector<8x512x1xf32>
      %squeeze3A = vector.shape_cast %slice3A_118 : vector<8x512x1xf32> to vector<8x512xf32>
      %sub3A_119 = arith.subf %mul3A_110, %squeeze3A : vector<8x512xf32>
      %max3A = arith.constant 0.000000e+00 : f32
      %max3A_120 = vector.broadcast %max3A : f32 to vector<8x512xf32>
      %max3A_121 = arith.maximumf %sub3A_119, %max3A_120 : vector<8x512xf32>
      %floor3A = math.floor %max3A_121 : vector<8x512xf32>
      %convert_element_type3A_122 = arith.fptosi %floor3A : vector<8x512xf32> to vector<8x512xi32>
      %slice3A_123 = vector.extract_strided_slice %exp3A {offsets = [0, 0, 1], sizes = [8, 512, 1], strides = [1, 1, 1]} : vector<8x512x4xf32> to vector<8x512x1xf32>
      %squeeze3A_124 = vector.shape_cast %slice3A_123 : vector<8x512x1xf32> to vector<8x512xf32>
      %sub3A_125 = arith.subf %mul3A_117, %squeeze3A_124 : vector<8x512xf32>
      %max3A_126 = arith.constant 0.000000e+00 : f32
      %max3A_127 = vector.broadcast %max3A_126 : f32 to vector<8x512xf32>
      %max3A_128 = arith.maximumf %sub3A_125, %max3A_127 : vector<8x512xf32>
      %floor3A_129 = math.floor %max3A_128 : vector<8x512xf32>
      %convert_element_type3A_130 = arith.fptosi %floor3A_129 : vector<8x512xf32> to vector<8x512xi32>
      %slice3A_131 = vector.extract_strided_slice %exp3A {offsets = [0, 0, 2], sizes = [8, 512, 1], strides = [1, 1, 1]} : vector<8x512x4xf32> to vector<8x512x1xf32>
      %squeeze3A_132 = vector.shape_cast %slice3A_131 : vector<8x512x1xf32> to vector<8x512xf32>
      %add3A_133 = arith.addf %mul3A_110, %squeeze3A_132 : vector<8x512xf32>
      %floor3A_134 = math.floor %add3A_133 : vector<8x512xf32>
      %min3A = arith.constant 1.023000e+03 : f32
      %min3A_135 = vector.broadcast %min3A : f32 to vector<8x512xf32>
      %min3A_136 = arith.minimumf %floor3A_134, %min3A_135 : vector<8x512xf32>
      %convert_element_type3A_137 = arith.fptosi %min3A_136 : vector<8x512xf32> to vector<8x512xi32>
      %slice3A_138 = vector.extract_strided_slice %exp3A {offsets = [0, 0, 3], sizes = [8, 512, 1], strides = [1, 1, 1]} : vector<8x512x4xf32> to vector<8x512x1xf32>
      %squeeze3A_139 = vector.shape_cast %slice3A_138 : vector<8x512x1xf32> to vector<8x512xf32>
      %add3A_140 = arith.addf %mul3A_117, %squeeze3A_139 : vector<8x512xf32>
      %floor3A_141 = math.floor %add3A_140 : vector<8x512xf32>
      %min3A_142 = arith.constant 1.023000e+03 : f32
      %min3A_143 = vector.broadcast %min3A_142 : f32 to vector<8x512xf32>
      %min3A_144 = arith.minimumf %floor3A_141, %min3A_143 : vector<8x512xf32>
      %convert_element_type3A_145 = arith.fptosi %min3A_144 : vector<8x512xf32> to vector<8x512xi32>
      %shift_left3A = arith.constant 10 : i32
      %shift_left3A_146 = vector.broadcast %shift_left3A : i32 to vector<8x512xi32>
      %shift_left3A_147 = arith.shli %convert_element_type3A_130, %shift_left3A_146 : vector<8x512xi32>
      %or3A = arith.ori %convert_element_type3A_122, %shift_left3A_147 : vector<8x512xi32>
      %shift_left3A_148 = arith.constant 20 : i32
      %shift_left3A_149 = vector.broadcast %shift_left3A_148 : i32 to vector<8x512xi32>
      %shift_left3A_150 = arith.shli %concatenate3A_66, %shift_left3A_149 : vector<8x512xi32>
      %or3A_151 = arith.ori %or3A, %shift_left3A_150 : vector<8x512xi32>
      %shift_left3A_152 = arith.constant 10 : i32
      %shift_left3A_153 = vector.broadcast %shift_left3A_152 : i32 to vector<8x512xi32>
      %shift_left3A_154 = arith.shli %convert_element_type3A_145, %shift_left3A_153 : vector<8x512xi32>
      %or3A_155 = arith.ori %convert_element_type3A_137, %shift_left3A_154 : vector<8x512xi32>
      %slice3A_156 = vector.extract_strided_slice %sqrt3A {offsets = [0, 0], sizes = [8, 128], strides = [1, 1]} : vector<8x512xf32> to vector<8x128xf32>
      %swap3A = arith.constant 0 : index
      %swap3A_157 = arith.constant 0 : index
      %swap3A_158 = vector.load %arg16[%swap3A, %swap3A_157] : memref<32x128xf32, #tpu.memory_space<vmem>>, vector<8x128xf32>
      tpu.vector_store %arg16[%swap3A, %swap3A_157], %slice3A_156 {strides = array<i32>} : memref<32x128xf32, #tpu.memory_space<vmem>>, vector<8x128xf32>,
      %slice3A_159 = vector.extract_strided_slice %or3A_151 {offsets = [0, 0], sizes = [8, 128], strides = [1, 1]} : vector<8x512xi32> to vector<8x128xi32>
      %swap3A_160 = arith.constant 0 : index
      %swap3A_161 = arith.constant 0 : index
      %swap3A_162 = vector.load %arg17[%swap3A_160, %swap3A_161] : memref<32x128xi32, #tpu.memory_space<vmem>>, vector<8x128xi32>
      tpu.vector_store %arg17[%swap3A_160, %swap3A_161], %slice3A_159 {strides = array<i32>} : memref<32x128xi32, #tpu.memory_space<vmem>>, vector<8x128xi32>,
      %slice3A_163 = vector.extract_strided_slice %or3A_155 {offsets = [0, 0], sizes = [8, 128], strides = [1, 1]} : vector<8x512xi32> to vector<8x128xi32>
      %swap3A_164 = arith.constant 0 : index
      %swap3A_165 = arith.constant 0 : index
      %swap3A_166 = vector.load %arg18[%swap3A_164, %swap3A_165] : memref<32x128xi32, #tpu.memory_space<vmem>>, vector<8x128xi32>
      tpu.vector_store %arg18[%swap3A_164, %swap3A_165], %slice3A_163 {strides = array<i32>} : memref<32x128xi32, #tpu.memory_space<vmem>>, vector<8x128xi32>,
      %slice3A_167 = vector.extract_strided_slice %sqrt3A {offsets = [0, 128], sizes = [8, 128], strides = [1, 1]} : vector<8x512xf32> to vector<8x128xf32>
      %swap3A_168 = arith.constant 8 : index
      %swap3A_169 = arith.constant 0 : index
      %swap3A_170 = vector.load %arg16[%swap3A_168, %swap3A_169] : memref<32x128xf32, #tpu.memory_space<vmem>>, vector<8x128xf32>
      tpu.vector_store %arg16[%swap3A_168, %swap3A_169], %slice3A_167 {strides = array<i32>} : memref<32x128xf32, #tpu.memory_space<vmem>>, vector<8x128xf32>,
      %slice3A_171 = vector.extract_strided_slice %or3A_151 {offsets = [0, 128], sizes = [8, 128], strides = [1, 1]} : vector<8x512xi32> to vector<8x128xi32>
      %swap3A_172 = arith.constant 8 : index
      %swap3A_173 = arith.constant 0 : index
      %swap3A_174 = vector.load %arg17[%swap3A_172, %swap3A_173] : memref<32x128xi32, #tpu.memory_space<vmem>>, vector<8x128xi32>
      tpu.vector_store %arg17[%swap3A_172, %swap3A_173], %slice3A_171 {strides = array<i32>} : memref<32x128xi32, #tpu.memory_space<vmem>>, vector<8x128xi32>,
      %slice3A_175 = vector.extract_strided_slice %or3A_155 {offsets = [0, 128], sizes = [8, 128], strides = [1, 1]} : vector<8x512xi32> to vector<8x128xi32>
      %swap3A_176 = arith.constant 8 : index
      %swap3A_177 = arith.constant 0 : index
      %swap3A_178 = vector.load %arg18[%swap3A_176, %swap3A_177] : memref<32x128xi32, #tpu.memory_space<vmem>>, vector<8x128xi32>
      tpu.vector_store %arg18[%swap3A_176, %swap3A_177], %slice3A_175 {strides = array<i32>} : memref<32x128xi32, #tpu.memory_space<vmem>>, vector<8x128xi32>,
      %slice3A_179 = vector.extract_strided_slice %sqrt3A {offsets = [0, 256], sizes = [8, 128], strides = [1, 1]} : vector<8x512xf32> to vector<8x128xf32>
      %swap3A_180 = arith.constant 16 : index
      %swap3A_181 = arith.constant 0 : index
      %swap3A_182 = vector.load %arg16[%swap3A_180, %swap3A_181] : memref<32x128xf32, #tpu.memory_space<vmem>>, vector<8x128xf32>
      tpu.vector_store %arg16[%swap3A_180, %swap3A_181], %slice3A_179 {strides = array<i32>} : memref<32x128xf32, #tpu.memory_space<vmem>>, vector<8x128xf32>,
      %slice3A_183 = vector.extract_strided_slice %or3A_151 {offsets = [0, 256], sizes = [8, 128], strides = [1, 1]} : vector<8x512xi32> to vector<8x128xi32>
      %swap3A_184 = arith.constant 16 : index
      %swap3A_185 = arith.constant 0 : index
      %swap3A_186 = vector.load %arg17[%swap3A_184, %swap3A_185] : memref<32x128xi32, #tpu.memory_space<vmem>>, vector<8x128xi32>
      tpu.vector_store %arg17[%swap3A_184, %swap3A_185], %slice3A_183 {strides = array<i32>} : memref<32x128xi32, #tpu.memory_space<vmem>>, vector<8x128xi32>,
      %slice3A_187 = vector.extract_strided_slice %or3A_155 {offsets = [0, 256], sizes = [8, 128], strides = [1, 1]} : vector<8x512xi32> to vector<8x128xi32>
      %swap3A_188 = arith.constant 16 : index
      %swap3A_189 = arith.constant 0 : index
      %swap3A_190 = vector.load %arg18[%swap3A_188, %swap3A_189] : memref<32x128xi32, #tpu.memory_space<vmem>>, vector<8x128xi32>
      tpu.vector_store %arg18[%swap3A_188, %swap3A_189], %slice3A_187 {strides = array<i32>} : memref<32x128xi32, #tpu.memory_space<vmem>>, vector<8x128xi32>,
      %slice3A_191 = vector.extract_strided_slice %sqrt3A {offsets = [0, 384], sizes = [8, 128], strides = [1, 1]} : vector<8x512xf32> to vector<8x128xf32>
      %swap3A_192 = arith.constant 24 : index
      %swap3A_193 = arith.constant 0 : index
      %swap3A_194 = vector.load %arg16[%swap3A_192, %swap3A_193] : memref<32x128xf32, #tpu.memory_space<vmem>>, vector<8x128xf32>
      tpu.vector_store %arg16[%swap3A_192, %swap3A_193], %slice3A_191 {strides = array<i32>} : memref<32x128xf32, #tpu.memory_space<vmem>>, vector<8x128xf32>,
      %slice3A_195 = vector.extract_strided_slice %or3A_151 {offsets = [0, 384], sizes = [8, 128], strides = [1, 1]} : vector<8x512xi32> to vector<8x128xi32>
      %swap3A_196 = arith.constant 24 : index
      %swap3A_197 = arith.constant 0 : index
      %swap3A_198 = vector.load %arg17[%swap3A_196, %swap3A_197] : memref<32x128xi32, #tpu.memory_space<vmem>>, vector<8x128xi32>
      tpu.vector_store %arg17[%swap3A_196, %swap3A_197], %slice3A_195 {strides = array<i32>} : memref<32x128xi32, #tpu.memory_space<vmem>>, vector<8x128xi32>,
      %slice3A_199 = vector.extract_strided_slice %or3A_155 {offsets = [0, 384], sizes = [8, 128], strides = [1, 1]} : vector<8x512xi32> to vector<8x128xi32>
      %swap3A_200 = arith.constant 24 : index
      %swap3A_201 = arith.constant 0 : index
      %swap3A_202 = vector.load %arg18[%swap3A_200, %swap3A_201] : memref<32x128xi32, #tpu.memory_space<vmem>>, vector<8x128xi32>
      tpu.vector_store %arg18[%swap3A_200, %swap3A_201], %slice3A_199 {strides = array<i32>} : memref<32x128xi32, #tpu.memory_space<vmem>>, vector<8x128xi32>,
    } else {
    }
    %ge3A = arith.constant 32 : i32
    %ge3A_2 = arith.cmpi sge, %arg0, %ge3A : i32
    %lt3A_3 = arith.constant 40 : i32
    %lt3A_4 = arith.cmpi slt, %arg0, %lt3A_3 : i32
    %and3A = arith.andi %ge3A_2, %lt3A_4 : i1
    %convert_element_type3A_5 = arith.extui %and3A : i1 to i32
    %cond3A_6 = arith.constant 0 : i32
    %cond3A_7 = arith.cmpi ne, %convert_element_type3A_5, %cond3A_6 : i32
    scf.if %cond3A_7 {
      %sub3A = arith.constant 32 : i32
      %sub3A_20 = arith.subi %arg0, %sub3A : i32
      %get3A = arith.constant 0 : index
      %get3A_21 = arith.constant 0 : index
      %get3A_22 = arith.constant 0 : index
      %get3A_23 = vector.load %arg4[%get3A, %get3A_21, %get3A_22] : memref<8x512x80xf32, #tpu.memory_space<vmem>>, vector<8x512x80xf32>
      %get3A_24 = arith.constant 0 : index
      %get3A_25 = arith.constant 0 : index
      %get3A_26 = arith.constant 0 : index
      %get3A_27 = vector.load %arg5[%get3A_24, %get3A_25, %get3A_26] : memref<8x512x4xf32, #tpu.memory_space<vmem>>, vector<8x512x4xf32>
      %get3A_28 = arith.constant 0 : index
      %get3A_29 = arith.constant 0 : index
      %get3A_30 = vector.load %arg6[%get3A_28, %get3A_29] : memref<8x512xf32, #tpu.memory_space<vmem>>, vector<8x512xf32>
      %slice3A = vector.extract_strided_slice %get3A_23 {offsets = [0, 0, 0], sizes = [8, 128, 80], strides = [1, 1, 1]} : vector<8x512x80xf32> to vector<8x128x80xf32>
      %logistic3A = arith.negf %slice3A : vector<8x128x80xf32>
      %logistic3A_31 = math.exp %logistic3A : vector<8x128x80xf32>
      %logistic3A_32 = arith.constant 1.000000e+00 : f32
      %logistic3A_33 = vector.broadcast %logistic3A_32 : f32 to vector<8x128x80xf32>
      %logistic3A_34 = arith.addf %logistic3A_33, %logistic3A_31 : vector<8x128x80xf32>
      %logistic3A_35 = arith.divf %logistic3A_33, %logistic3A_34 : vector<8x128x80xf32>
      %reduce_max3A = arith.constant dense<0xFF800000> : vector<8x128xf32>
      %reduce_max3A_36 = vector.multi_reduction <maximumf>, %logistic3A_35, %reduce_max3A [2] : vector<8x128x80xf32> to vector<8x128xf32>
      %argmax3A = tpu.reduce_index %logistic3A_35 {axis = 2 : i32, kind = #tpu.reduction_kind<arg_max>} : vector<8x128x80xf32> -> vector<8x128xi32>
      %slice3A_37 = vector.extract_strided_slice %get3A_23 {offsets = [0, 128, 0], sizes = [8, 128, 80], strides = [1, 1, 1]} : vector<8x512x80xf32> to vector<8x128x80xf32>
      %logistic3A_38 = arith.negf %slice3A_37 : vector<8x128x80xf32>
      %logistic3A_39 = math.exp %logistic3A_38 : vector<8x128x80xf32>
      %logistic3A_40 = arith.constant 1.000000e+00 : f32
      %logistic3A_41 = vector.broadcast %logistic3A_40 : f32 to vector<8x128x80xf32>
      %logistic3A_42 = arith.addf %logistic3A_41, %logistic3A_39 : vector<8x128x80xf32>
      %logistic3A_43 = arith.divf %logistic3A_41, %logistic3A_42 : vector<8x128x80xf32>
      %reduce_max3A_44 = arith.constant dense<0xFF800000> : vector<8x128xf32>
      %reduce_max3A_45 = vector.multi_reduction <maximumf>, %logistic3A_43, %reduce_max3A_44 [2] : vector<8x128x80xf32> to vector<8x128xf32>
      %argmax3A_46 = tpu.reduce_index %logistic3A_43 {axis = 2 : i32, kind = #tpu.reduction_kind<arg_max>} : vector<8x128x80xf32> -> vector<8x128xi32>
      %slice3A_47 = vector.extract_strided_slice %get3A_23 {offsets = [0, 256, 0], sizes = [8, 128, 80], strides = [1, 1, 1]} : vector<8x512x80xf32> to vector<8x128x80xf32>
      %logistic3A_48 = arith.negf %slice3A_47 : vector<8x128x80xf32>
      %logistic3A_49 = math.exp %logistic3A_48 : vector<8x128x80xf32>
      %logistic3A_50 = arith.constant 1.000000e+00 : f32
      %logistic3A_51 = vector.broadcast %logistic3A_50 : f32 to vector<8x128x80xf32>
      %logistic3A_52 = arith.addf %logistic3A_51, %logistic3A_49 : vector<8x128x80xf32>
      %logistic3A_53 = arith.divf %logistic3A_51, %logistic3A_52 : vector<8x128x80xf32>
      %reduce_max3A_54 = arith.constant dense<0xFF800000> : vector<8x128xf32>
      %reduce_max3A_55 = vector.multi_reduction <maximumf>, %logistic3A_53, %reduce_max3A_54 [2] : vector<8x128x80xf32> to vector<8x128xf32>
      %argmax3A_56 = tpu.reduce_index %logistic3A_53 {axis = 2 : i32, kind = #tpu.reduction_kind<arg_max>} : vector<8x128x80xf32> -> vector<8x128xi32>
      %slice3A_57 = vector.extract_strided_slice %get3A_23 {offsets = [0, 384, 0], sizes = [8, 128, 80], strides = [1, 1, 1]} : vector<8x512x80xf32> to vector<8x128x80xf32>
      %logistic3A_58 = arith.negf %slice3A_57 : vector<8x128x80xf32>
      %logistic3A_59 = math.exp %logistic3A_58 : vector<8x128x80xf32>
      %logistic3A_60 = arith.constant 1.000000e+00 : f32
      %logistic3A_61 = vector.broadcast %logistic3A_60 : f32 to vector<8x128x80xf32>
      %logistic3A_62 = arith.addf %logistic3A_61, %logistic3A_59 : vector<8x128x80xf32>
      %logistic3A_63 = arith.divf %logistic3A_61, %logistic3A_62 : vector<8x128x80xf32>
      %reduce_max3A_64 = arith.constant dense<0xFF800000> : vector<8x128xf32>
      %reduce_max3A_65 = vector.multi_reduction <maximumf>, %logistic3A_63, %reduce_max3A_64 [2] : vector<8x128x80xf32> to vector<8x128xf32>
      %argmax3A_66 = tpu.reduce_index %logistic3A_63 {axis = 2 : i32, kind = #tpu.reduction_kind<arg_max>} : vector<8x128x80xf32> -> vector<8x128xi32>
      %concatenate3A = tpu.concatenate %reduce_max3A_36, %reduce_max3A_45, %reduce_max3A_55, %reduce_max3A_65 in 1 : vector<8x128xf32>, vector<8x128xf32>, vector<8x128xf32>, vector<8x128xf32> -> vector<8x512xf32>
      %concatenate3A_67 = tpu.concatenate %argmax3A, %argmax3A_46, %argmax3A_56, %argmax3A_66 in 1 : vector<8x128xi32>, vector<8x128xi32>, vector<8x128xi32>, vector<8x128xi32> -> vector<8x512xi32>
      %logistic3A_68 = arith.negf %get3A_30 : vector<8x512xf32>
      %logistic3A_69 = math.exp %logistic3A_68 : vector<8x512xf32>
      %logistic3A_70 = arith.constant 1.000000e+00 : f32
      %logistic3A_71 = vector.broadcast %logistic3A_70 : f32 to vector<8x512xf32>
      %logistic3A_72 = arith.addf %logistic3A_71, %logistic3A_69 : vector<8x512xf32>
      %logistic3A_73 = arith.divf %logistic3A_71, %logistic3A_72 : vector<8x512xf32>
      %mul3A = arith.mulf %concatenate3A, %logistic3A_73 : vector<8x512xf32>
      %sqrt3A = math.sqrt %mul3A : vector<8x512xf32>
      %exp3A = math.exp %get3A_27 : vector<8x512x4xf32>
      %iota3A = tpu.iota {dimensions = array<i32: 1>} : vector<8x512xi32>
      %mul3A_74 = arith.constant 512 : i32
      %mul3A_75 = arith.muli %sub3A_20, %mul3A_74 : i32
      %add3A = vector.broadcast %mul3A_75 : i32 to vector<8x512xi32>
      %add3A_76 = arith.addi %iota3A, %add3A : vector<8x512xi32>
      %jit3A = arith.constant 64 : i32
      %div3A = vector.broadcast %jit3A : i32 to vector<8x512xi32>
      %div3A_77 = arith.divsi %add3A_76, %div3A : vector<8x512xi32>
      %sign3A = arith.constant 0 : i32
      %sign3A_78 = vector.broadcast %sign3A : i32 to vector<8x512xi32>
      %sign3A_79 = arith.cmpi sgt, %add3A_76, %sign3A_78 : vector<8x512xi32>
      %sign3A_80 = arith.extui %sign3A_79 : vector<8x512xi1> to vector<8x512xi32>
      %sign3A_81 = arith.constant 0 : i32
      %sign3A_82 = vector.broadcast %sign3A_81 : i32 to vector<8x512xi32>
      %sign3A_83 = arith.cmpi slt, %add3A_76, %sign3A_82 : vector<8x512xi32>
      %sign3A_84 = arith.extui %sign3A_83 : vector<8x512xi1> to vector<8x512xi32>
      %sign3A_85 = arith.subi %sign3A_80, %sign3A_84 : vector<8x512xi32>
      %sign3A_86 = arith.constant 0 : i32
      %sign3A_87 = arith.cmpi sgt, %jit3A, %sign3A_86 : i32
      %sign3A_88 = arith.extui %sign3A_87 : i1 to i32
      %sign3A_89 = arith.constant 0 : i32
      %sign3A_90 = arith.cmpi slt, %jit3A, %sign3A_89 : i32
      %sign3A_91 = arith.extui %sign3A_90 : i1 to i32
      %sign3A_92 = arith.subi %sign3A_88, %sign3A_91 : i32
      %ne3A = vector.broadcast %sign3A_92 : i32 to vector<8x512xi32>
      %ne3A_93 = arith.cmpi ne, %sign3A_85, %ne3A : vector<8x512xi32>
      %rem3A = vector.broadcast %jit3A : i32 to vector<8x512xi32>
      %rem3A_94 = arith.remsi %add3A_76, %rem3A : vector<8x512xi32>
      %ne3A_95 = arith.constant 0 : i32
      %ne3A_96 = vector.broadcast %ne3A_95 : i32 to vector<8x512xi32>
      %ne3A_97 = arith.cmpi ne, %rem3A_94, %ne3A_96 : vector<8x512xi32>
      %and3A_98 = arith.andi %ne3A_93, %ne3A_97 : vector<8x512xi1>
      %sub3A_99 = arith.constant 1 : i32
      %sub3A_100 = vector.broadcast %sub3A_99 : i32 to vector<8x512xi32>
      %sub3A_101 = arith.subi %div3A_77, %sub3A_100 : vector<8x512xi32>
      %select_n3A = arith.select %and3A_98, %sub3A_101, %div3A_77 : vector<8x512xi1>, vector<8x512xi32>
      %mul3A_102 = arith.constant 64 : i32
      %mul3A_103 = vector.broadcast %mul3A_102 : i32 to vector<8x512xi32>
      %mul3A_104 = arith.muli %select_n3A, %mul3A_103 : vector<8x512xi32>
      %sub3A_105 = arith.subi %add3A_76, %mul3A_104 : vector<8x512xi32>
      %convert_element_type3A_106 = arith.sitofp %sub3A_105 : vector<8x512xi32> to vector<8x512xf32>
      %add3A_107 = arith.constant 5.000000e-01 : f32
      %add3A_108 = vector.broadcast %add3A_107 : f32 to vector<8x512xf32>
      %add3A_109 = arith.addf %convert_element_type3A_106, %add3A_108 : vector<8x512xf32>
      %mul3A_110 = arith.constant 1.600000e+01 : f32
      %mul3A_111 = vector.broadcast %mul3A_110 : f32 to vector<8x512xf32>
      %mul3A_112 = arith.mulf %add3A_109, %mul3A_111 : vector<8x512xf32>
      %convert_element_type3A_113 = arith.sitofp %select_n3A : vector<8x512xi32> to vector<8x512xf32>
      %add3A_114 = arith.constant 5.000000e-01 : f32
      %add3A_115 = vector.broadcast %add3A_114 : f32 to vector<8x512xf32>
      %add3A_116 = arith.addf %convert_element_type3A_113, %add3A_115 : vector<8x512xf32>
      %mul3A_117 = arith.constant 1.600000e+01 : f32
      %mul3A_118 = vector.broadcast %mul3A_117 : f32 to vector<8x512xf32>
      %mul3A_119 = arith.mulf %add3A_116, %mul3A_118 : vector<8x512xf32>
      %slice3A_120 = vector.extract_strided_slice %exp3A {offsets = [0, 0, 0], sizes = [8, 512, 1], strides = [1, 1, 1]} : vector<8x512x4xf32> to vector<8x512x1xf32>
      %squeeze3A = vector.shape_cast %slice3A_120 : vector<8x512x1xf32> to vector<8x512xf32>
      %sub3A_121 = arith.subf %mul3A_112, %squeeze3A : vector<8x512xf32>
      %max3A = arith.constant 0.000000e+00 : f32
      %max3A_122 = vector.broadcast %max3A : f32 to vector<8x512xf32>
      %max3A_123 = arith.maximumf %sub3A_121, %max3A_122 : vector<8x512xf32>
      %floor3A = math.floor %max3A_123 : vector<8x512xf32>
      %convert_element_type3A_124 = arith.fptosi %floor3A : vector<8x512xf32> to vector<8x512xi32>
      %slice3A_125 = vector.extract_strided_slice %exp3A {offsets = [0, 0, 1], sizes = [8, 512, 1], strides = [1, 1, 1]} : vector<8x512x4xf32> to vector<8x512x1xf32>
      %squeeze3A_126 = vector.shape_cast %slice3A_125 : vector<8x512x1xf32> to vector<8x512xf32>
      %sub3A_127 = arith.subf %mul3A_119, %squeeze3A_126 : vector<8x512xf32>
      %max3A_128 = arith.constant 0.000000e+00 : f32
      %max3A_129 = vector.broadcast %max3A_128 : f32 to vector<8x512xf32>
      %max3A_130 = arith.maximumf %sub3A_127, %max3A_129 : vector<8x512xf32>
      %floor3A_131 = math.floor %max3A_130 : vector<8x512xf32>
      %convert_element_type3A_132 = arith.fptosi %floor3A_131 : vector<8x512xf32> to vector<8x512xi32>
      %slice3A_133 = vector.extract_strided_slice %exp3A {offsets = [0, 0, 2], sizes = [8, 512, 1], strides = [1, 1, 1]} : vector<8x512x4xf32> to vector<8x512x1xf32>
      %squeeze3A_134 = vector.shape_cast %slice3A_133 : vector<8x512x1xf32> to vector<8x512xf32>
      %add3A_135 = arith.addf %mul3A_112, %squeeze3A_134 : vector<8x512xf32>
      %floor3A_136 = math.floor %add3A_135 : vector<8x512xf32>
      %min3A = arith.constant 1.023000e+03 : f32
      %min3A_137 = vector.broadcast %min3A : f32 to vector<8x512xf32>
      %min3A_138 = arith.minimumf %floor3A_136, %min3A_137 : vector<8x512xf32>
      %convert_element_type3A_139 = arith.fptosi %min3A_138 : vector<8x512xf32> to vector<8x512xi32>
      %slice3A_140 = vector.extract_strided_slice %exp3A {offsets = [0, 0, 3], sizes = [8, 512, 1], strides = [1, 1, 1]} : vector<8x512x4xf32> to vector<8x512x1xf32>
      %squeeze3A_141 = vector.shape_cast %slice3A_140 : vector<8x512x1xf32> to vector<8x512xf32>
      %add3A_142 = arith.addf %mul3A_119, %squeeze3A_141 : vector<8x512xf32>
      %floor3A_143 = math.floor %add3A_142 : vector<8x512xf32>
      %min3A_144 = arith.constant 1.023000e+03 : f32
      %min3A_145 = vector.broadcast %min3A_144 : f32 to vector<8x512xf32>
      %min3A_146 = arith.minimumf %floor3A_143, %min3A_145 : vector<8x512xf32>
      %convert_element_type3A_147 = arith.fptosi %min3A_146 : vector<8x512xf32> to vector<8x512xi32>
      %shift_left3A = arith.constant 10 : i32
      %shift_left3A_148 = vector.broadcast %shift_left3A : i32 to vector<8x512xi32>
      %shift_left3A_149 = arith.shli %convert_element_type3A_132, %shift_left3A_148 : vector<8x512xi32>
      %or3A = arith.ori %convert_element_type3A_124, %shift_left3A_149 : vector<8x512xi32>
      %shift_left3A_150 = arith.constant 20 : i32
      %shift_left3A_151 = vector.broadcast %shift_left3A_150 : i32 to vector<8x512xi32>
      %shift_left3A_152 = arith.shli %concatenate3A_67, %shift_left3A_151 : vector<8x512xi32>
      %or3A_153 = arith.ori %or3A, %shift_left3A_152 : vector<8x512xi32>
      %shift_left3A_154 = arith.constant 10 : i32
      %shift_left3A_155 = vector.broadcast %shift_left3A_154 : i32 to vector<8x512xi32>
      %shift_left3A_156 = arith.shli %convert_element_type3A_147, %shift_left3A_155 : vector<8x512xi32>
      %or3A_157 = arith.ori %convert_element_type3A_139, %shift_left3A_156 : vector<8x512xi32>
      %slice3A_158 = vector.extract_strided_slice %sqrt3A {offsets = [0, 0], sizes = [8, 128], strides = [1, 1]} : vector<8x512xf32> to vector<8x128xf32>
      %swap3A = arith.constant 0 : index
      %swap3A_159 = arith.constant 0 : index
      %swap3A_160 = vector.load %arg16[%swap3A, %swap3A_159] : memref<32x128xf32, #tpu.memory_space<vmem>>, vector<8x128xf32>
      tpu.vector_store %arg16[%swap3A, %swap3A_159], %slice3A_158 {strides = array<i32>} : memref<32x128xf32, #tpu.memory_space<vmem>>, vector<8x128xf32>,
      %slice3A_161 = vector.extract_strided_slice %or3A_153 {offsets = [0, 0], sizes = [8, 128], strides = [1, 1]} : vector<8x512xi32> to vector<8x128xi32>
      %swap3A_162 = arith.constant 0 : index
      %swap3A_163 = arith.constant 0 : index
      %swap3A_164 = vector.load %arg17[%swap3A_162, %swap3A_163] : memref<32x128xi32, #tpu.memory_space<vmem>>, vector<8x128xi32>
      tpu.vector_store %arg17[%swap3A_162, %swap3A_163], %slice3A_161 {strides = array<i32>} : memref<32x128xi32, #tpu.memory_space<vmem>>, vector<8x128xi32>,
      %slice3A_165 = vector.extract_strided_slice %or3A_157 {offsets = [0, 0], sizes = [8, 128], strides = [1, 1]} : vector<8x512xi32> to vector<8x128xi32>
      %swap3A_166 = arith.constant 0 : index
      %swap3A_167 = arith.constant 0 : index
      %swap3A_168 = vector.load %arg18[%swap3A_166, %swap3A_167] : memref<32x128xi32, #tpu.memory_space<vmem>>, vector<8x128xi32>
      tpu.vector_store %arg18[%swap3A_166, %swap3A_167], %slice3A_165 {strides = array<i32>} : memref<32x128xi32, #tpu.memory_space<vmem>>, vector<8x128xi32>,
      %slice3A_169 = vector.extract_strided_slice %sqrt3A {offsets = [0, 128], sizes = [8, 128], strides = [1, 1]} : vector<8x512xf32> to vector<8x128xf32>
      %swap3A_170 = arith.constant 8 : index
      %swap3A_171 = arith.constant 0 : index
      %swap3A_172 = vector.load %arg16[%swap3A_170, %swap3A_171] : memref<32x128xf32, #tpu.memory_space<vmem>>, vector<8x128xf32>
      tpu.vector_store %arg16[%swap3A_170, %swap3A_171], %slice3A_169 {strides = array<i32>} : memref<32x128xf32, #tpu.memory_space<vmem>>, vector<8x128xf32>,
      %slice3A_173 = vector.extract_strided_slice %or3A_153 {offsets = [0, 128], sizes = [8, 128], strides = [1, 1]} : vector<8x512xi32> to vector<8x128xi32>
      %swap3A_174 = arith.constant 8 : index
      %swap3A_175 = arith.constant 0 : index
      %swap3A_176 = vector.load %arg17[%swap3A_174, %swap3A_175] : memref<32x128xi32, #tpu.memory_space<vmem>>, vector<8x128xi32>
      tpu.vector_store %arg17[%swap3A_174, %swap3A_175], %slice3A_173 {strides = array<i32>} : memref<32x128xi32, #tpu.memory_space<vmem>>, vector<8x128xi32>,
      %slice3A_177 = vector.extract_strided_slice %or3A_157 {offsets = [0, 128], sizes = [8, 128], strides = [1, 1]} : vector<8x512xi32> to vector<8x128xi32>
      %swap3A_178 = arith.constant 8 : index
      %swap3A_179 = arith.constant 0 : index
      %swap3A_180 = vector.load %arg18[%swap3A_178, %swap3A_179] : memref<32x128xi32, #tpu.memory_space<vmem>>, vector<8x128xi32>
      tpu.vector_store %arg18[%swap3A_178, %swap3A_179], %slice3A_177 {strides = array<i32>} : memref<32x128xi32, #tpu.memory_space<vmem>>, vector<8x128xi32>,
      %slice3A_181 = vector.extract_strided_slice %sqrt3A {offsets = [0, 256], sizes = [8, 128], strides = [1, 1]} : vector<8x512xf32> to vector<8x128xf32>
      %swap3A_182 = arith.constant 16 : index
      %swap3A_183 = arith.constant 0 : index
      %swap3A_184 = vector.load %arg16[%swap3A_182, %swap3A_183] : memref<32x128xf32, #tpu.memory_space<vmem>>, vector<8x128xf32>
      tpu.vector_store %arg16[%swap3A_182, %swap3A_183], %slice3A_181 {strides = array<i32>} : memref<32x128xf32, #tpu.memory_space<vmem>>, vector<8x128xf32>,
      %slice3A_185 = vector.extract_strided_slice %or3A_153 {offsets = [0, 256], sizes = [8, 128], strides = [1, 1]} : vector<8x512xi32> to vector<8x128xi32>
      %swap3A_186 = arith.constant 16 : index
      %swap3A_187 = arith.constant 0 : index
      %swap3A_188 = vector.load %arg17[%swap3A_186, %swap3A_187] : memref<32x128xi32, #tpu.memory_space<vmem>>, vector<8x128xi32>
      tpu.vector_store %arg17[%swap3A_186, %swap3A_187], %slice3A_185 {strides = array<i32>} : memref<32x128xi32, #tpu.memory_space<vmem>>, vector<8x128xi32>,
      %slice3A_189 = vector.extract_strided_slice %or3A_157 {offsets = [0, 256], sizes = [8, 128], strides = [1, 1]} : vector<8x512xi32> to vector<8x128xi32>
      %swap3A_190 = arith.constant 16 : index
      %swap3A_191 = arith.constant 0 : index
      %swap3A_192 = vector.load %arg18[%swap3A_190, %swap3A_191] : memref<32x128xi32, #tpu.memory_space<vmem>>, vector<8x128xi32>
      tpu.vector_store %arg18[%swap3A_190, %swap3A_191], %slice3A_189 {strides = array<i32>} : memref<32x128xi32, #tpu.memory_space<vmem>>, vector<8x128xi32>,
      %slice3A_193 = vector.extract_strided_slice %sqrt3A {offsets = [0, 384], sizes = [8, 128], strides = [1, 1]} : vector<8x512xf32> to vector<8x128xf32>
      %swap3A_194 = arith.constant 24 : index
      %swap3A_195 = arith.constant 0 : index
      %swap3A_196 = vector.load %arg16[%swap3A_194, %swap3A_195] : memref<32x128xf32, #tpu.memory_space<vmem>>, vector<8x128xf32>
      tpu.vector_store %arg16[%swap3A_194, %swap3A_195], %slice3A_193 {strides = array<i32>} : memref<32x128xf32, #tpu.memory_space<vmem>>, vector<8x128xf32>,
      %slice3A_197 = vector.extract_strided_slice %or3A_153 {offsets = [0, 384], sizes = [8, 128], strides = [1, 1]} : vector<8x512xi32> to vector<8x128xi32>
      %swap3A_198 = arith.constant 24 : index
      %swap3A_199 = arith.constant 0 : index
      %swap3A_200 = vector.load %arg17[%swap3A_198, %swap3A_199] : memref<32x128xi32, #tpu.memory_space<vmem>>, vector<8x128xi32>
      tpu.vector_store %arg17[%swap3A_198, %swap3A_199], %slice3A_197 {strides = array<i32>} : memref<32x128xi32, #tpu.memory_space<vmem>>, vector<8x128xi32>,
      %slice3A_201 = vector.extract_strided_slice %or3A_157 {offsets = [0, 384], sizes = [8, 128], strides = [1, 1]} : vector<8x512xi32> to vector<8x128xi32>
      %swap3A_202 = arith.constant 24 : index
      %swap3A_203 = arith.constant 0 : index
      %swap3A_204 = vector.load %arg18[%swap3A_202, %swap3A_203] : memref<32x128xi32, #tpu.memory_space<vmem>>, vector<8x128xi32>
      tpu.vector_store %arg18[%swap3A_202, %swap3A_203], %slice3A_201 {strides = array<i32>} : memref<32x128xi32, #tpu.memory_space<vmem>>, vector<8x128xi32>,
    } else {
    }
    %ge3A_8 = arith.constant 40 : i32
    %ge3A_9 = arith.cmpi sge, %arg0, %ge3A_8 : i32
    %lt3A_10 = arith.constant 42 : i32
    %lt3A_11 = arith.cmpi slt, %arg0, %lt3A_10 : i32
    %and3A_12 = arith.andi %ge3A_9, %lt3A_11 : i1
    %convert_element_type3A_13 = arith.extui %and3A_12 : i1 to i32
    %cond3A_14 = arith.constant 0 : i32
    %cond3A_15 = arith.cmpi ne, %convert_element_type3A_13, %cond3A_14 : i32
    scf.if %cond3A_15 {
      %sub3A = arith.constant 40 : i32
      %sub3A_20 = arith.subi %arg0, %sub3A : i32
      %get3A = arith.constant 0 : index
      %get3A_21 = arith.constant 0 : index
      %get3A_22 = arith.constant 0 : index
      %get3A_23 = vector.load %arg7[%get3A, %get3A_21, %get3A_22] : memref<8x512x80xf32, #tpu.memory_space<vmem>>, vector<8x512x80xf32>
      %get3A_24 = arith.constant 0 : index
      %get3A_25 = arith.constant 0 : index
      %get3A_26 = arith.constant 0 : index
      %get3A_27 = vector.load %arg8[%get3A_24, %get3A_25, %get3A_26] : memref<8x512x4xf32, #tpu.memory_space<vmem>>, vector<8x512x4xf32>
      %get3A_28 = arith.constant 0 : index
      %get3A_29 = arith.constant 0 : index
      %get3A_30 = vector.load %arg9[%get3A_28, %get3A_29] : memref<8x512xf32, #tpu.memory_space<vmem>>, vector<8x512xf32>
      %slice3A = vector.extract_strided_slice %get3A_23 {offsets = [0, 0, 0], sizes = [8, 128, 80], strides = [1, 1, 1]} : vector<8x512x80xf32> to vector<8x128x80xf32>
      %logistic3A = arith.negf %slice3A : vector<8x128x80xf32>
      %logistic3A_31 = math.exp %logistic3A : vector<8x128x80xf32>
      %logistic3A_32 = arith.constant 1.000000e+00 : f32
      %logistic3A_33 = vector.broadcast %logistic3A_32 : f32 to vector<8x128x80xf32>
      %logistic3A_34 = arith.addf %logistic3A_33, %logistic3A_31 : vector<8x128x80xf32>
      %logistic3A_35 = arith.divf %logistic3A_33, %logistic3A_34 : vector<8x128x80xf32>
      %reduce_max3A = arith.constant dense<0xFF800000> : vector<8x128xf32>
      %reduce_max3A_36 = vector.multi_reduction <maximumf>, %logistic3A_35, %reduce_max3A [2] : vector<8x128x80xf32> to vector<8x128xf32>
      %argmax3A = tpu.reduce_index %logistic3A_35 {axis = 2 : i32, kind = #tpu.reduction_kind<arg_max>} : vector<8x128x80xf32> -> vector<8x128xi32>
      %slice3A_37 = vector.extract_strided_slice %get3A_23 {offsets = [0, 128, 0], sizes = [8, 128, 80], strides = [1, 1, 1]} : vector<8x512x80xf32> to vector<8x128x80xf32>
      %logistic3A_38 = arith.negf %slice3A_37 : vector<8x128x80xf32>
      %logistic3A_39 = math.exp %logistic3A_38 : vector<8x128x80xf32>
      %logistic3A_40 = arith.constant 1.000000e+00 : f32
      %logistic3A_41 = vector.broadcast %logistic3A_40 : f32 to vector<8x128x80xf32>
      %logistic3A_42 = arith.addf %logistic3A_41, %logistic3A_39 : vector<8x128x80xf32>
      %logistic3A_43 = arith.divf %logistic3A_41, %logistic3A_42 : vector<8x128x80xf32>
      %reduce_max3A_44 = arith.constant dense<0xFF800000> : vector<8x128xf32>
      %reduce_max3A_45 = vector.multi_reduction <maximumf>, %logistic3A_43, %reduce_max3A_44 [2] : vector<8x128x80xf32> to vector<8x128xf32>
      %argmax3A_46 = tpu.reduce_index %logistic3A_43 {axis = 2 : i32, kind = #tpu.reduction_kind<arg_max>} : vector<8x128x80xf32> -> vector<8x128xi32>
      %slice3A_47 = vector.extract_strided_slice %get3A_23 {offsets = [0, 256, 0], sizes = [8, 128, 80], strides = [1, 1, 1]} : vector<8x512x80xf32> to vector<8x128x80xf32>
      %logistic3A_48 = arith.negf %slice3A_47 : vector<8x128x80xf32>
      %logistic3A_49 = math.exp %logistic3A_48 : vector<8x128x80xf32>
      %logistic3A_50 = arith.constant 1.000000e+00 : f32
      %logistic3A_51 = vector.broadcast %logistic3A_50 : f32 to vector<8x128x80xf32>
      %logistic3A_52 = arith.addf %logistic3A_51, %logistic3A_49 : vector<8x128x80xf32>
      %logistic3A_53 = arith.divf %logistic3A_51, %logistic3A_52 : vector<8x128x80xf32>
      %reduce_max3A_54 = arith.constant dense<0xFF800000> : vector<8x128xf32>
      %reduce_max3A_55 = vector.multi_reduction <maximumf>, %logistic3A_53, %reduce_max3A_54 [2] : vector<8x128x80xf32> to vector<8x128xf32>
      %argmax3A_56 = tpu.reduce_index %logistic3A_53 {axis = 2 : i32, kind = #tpu.reduction_kind<arg_max>} : vector<8x128x80xf32> -> vector<8x128xi32>
      %slice3A_57 = vector.extract_strided_slice %get3A_23 {offsets = [0, 384, 0], sizes = [8, 128, 80], strides = [1, 1, 1]} : vector<8x512x80xf32> to vector<8x128x80xf32>
      %logistic3A_58 = arith.negf %slice3A_57 : vector<8x128x80xf32>
      %logistic3A_59 = math.exp %logistic3A_58 : vector<8x128x80xf32>
      %logistic3A_60 = arith.constant 1.000000e+00 : f32
      %logistic3A_61 = vector.broadcast %logistic3A_60 : f32 to vector<8x128x80xf32>
      %logistic3A_62 = arith.addf %logistic3A_61, %logistic3A_59 : vector<8x128x80xf32>
      %logistic3A_63 = arith.divf %logistic3A_61, %logistic3A_62 : vector<8x128x80xf32>
      %reduce_max3A_64 = arith.constant dense<0xFF800000> : vector<8x128xf32>
      %reduce_max3A_65 = vector.multi_reduction <maximumf>, %logistic3A_63, %reduce_max3A_64 [2] : vector<8x128x80xf32> to vector<8x128xf32>
      %argmax3A_66 = tpu.reduce_index %logistic3A_63 {axis = 2 : i32, kind = #tpu.reduction_kind<arg_max>} : vector<8x128x80xf32> -> vector<8x128xi32>
      %concatenate3A = tpu.concatenate %reduce_max3A_36, %reduce_max3A_45, %reduce_max3A_55, %reduce_max3A_65 in 1 : vector<8x128xf32>, vector<8x128xf32>, vector<8x128xf32>, vector<8x128xf32> -> vector<8x512xf32>
      %concatenate3A_67 = tpu.concatenate %argmax3A, %argmax3A_46, %argmax3A_56, %argmax3A_66 in 1 : vector<8x128xi32>, vector<8x128xi32>, vector<8x128xi32>, vector<8x128xi32> -> vector<8x512xi32>
      %logistic3A_68 = arith.negf %get3A_30 : vector<8x512xf32>
      %logistic3A_69 = math.exp %logistic3A_68 : vector<8x512xf32>
      %logistic3A_70 = arith.constant 1.000000e+00 : f32
      %logistic3A_71 = vector.broadcast %logistic3A_70 : f32 to vector<8x512xf32>
      %logistic3A_72 = arith.addf %logistic3A_71, %logistic3A_69 : vector<8x512xf32>
      %logistic3A_73 = arith.divf %logistic3A_71, %logistic3A_72 : vector<8x512xf32>
      %mul3A = arith.mulf %concatenate3A, %logistic3A_73 : vector<8x512xf32>
      %sqrt3A = math.sqrt %mul3A : vector<8x512xf32>
      %exp3A = math.exp %get3A_27 : vector<8x512x4xf32>
      %iota3A = tpu.iota {dimensions = array<i32: 1>} : vector<8x512xi32>
      %mul3A_74 = arith.constant 512 : i32
      %mul3A_75 = arith.muli %sub3A_20, %mul3A_74 : i32
      %add3A = vector.broadcast %mul3A_75 : i32 to vector<8x512xi32>
      %add3A_76 = arith.addi %iota3A, %add3A : vector<8x512xi32>
      %jit3A = arith.constant 32 : i32
      %div3A = vector.broadcast %jit3A : i32 to vector<8x512xi32>
      %div3A_77 = arith.divsi %add3A_76, %div3A : vector<8x512xi32>
      %sign3A = arith.constant 0 : i32
      %sign3A_78 = vector.broadcast %sign3A : i32 to vector<8x512xi32>
      %sign3A_79 = arith.cmpi sgt, %add3A_76, %sign3A_78 : vector<8x512xi32>
      %sign3A_80 = arith.extui %sign3A_79 : vector<8x512xi1> to vector<8x512xi32>
      %sign3A_81 = arith.constant 0 : i32
      %sign3A_82 = vector.broadcast %sign3A_81 : i32 to vector<8x512xi32>
      %sign3A_83 = arith.cmpi slt, %add3A_76, %sign3A_82 : vector<8x512xi32>
      %sign3A_84 = arith.extui %sign3A_83 : vector<8x512xi1> to vector<8x512xi32>
      %sign3A_85 = arith.subi %sign3A_80, %sign3A_84 : vector<8x512xi32>
      %sign3A_86 = arith.constant 0 : i32
      %sign3A_87 = arith.cmpi sgt, %jit3A, %sign3A_86 : i32
      %sign3A_88 = arith.extui %sign3A_87 : i1 to i32
      %sign3A_89 = arith.constant 0 : i32
      %sign3A_90 = arith.cmpi slt, %jit3A, %sign3A_89 : i32
      %sign3A_91 = arith.extui %sign3A_90 : i1 to i32
      %sign3A_92 = arith.subi %sign3A_88, %sign3A_91 : i32
      %ne3A = vector.broadcast %sign3A_92 : i32 to vector<8x512xi32>
      %ne3A_93 = arith.cmpi ne, %sign3A_85, %ne3A : vector<8x512xi32>
      %rem3A = vector.broadcast %jit3A : i32 to vector<8x512xi32>
      %rem3A_94 = arith.remsi %add3A_76, %rem3A : vector<8x512xi32>
      %ne3A_95 = arith.constant 0 : i32
      %ne3A_96 = vector.broadcast %ne3A_95 : i32 to vector<8x512xi32>
      %ne3A_97 = arith.cmpi ne, %rem3A_94, %ne3A_96 : vector<8x512xi32>
      %and3A_98 = arith.andi %ne3A_93, %ne3A_97 : vector<8x512xi1>
      %sub3A_99 = arith.constant 1 : i32
      %sub3A_100 = vector.broadcast %sub3A_99 : i32 to vector<8x512xi32>
      %sub3A_101 = arith.subi %div3A_77, %sub3A_100 : vector<8x512xi32>
      %select_n3A = arith.select %and3A_98, %sub3A_101, %div3A_77 : vector<8x512xi1>, vector<8x512xi32>
      %mul3A_102 = arith.constant 32 : i32
      %mul3A_103 = vector.broadcast %mul3A_102 : i32 to vector<8x512xi32>
      %mul3A_104 = arith.muli %select_n3A, %mul3A_103 : vector<8x512xi32>
      %sub3A_105 = arith.subi %add3A_76, %mul3A_104 : vector<8x512xi32>
      %convert_element_type3A_106 = arith.sitofp %sub3A_105 : vector<8x512xi32> to vector<8x512xf32>
      %add3A_107 = arith.constant 5.000000e-01 : f32
      %add3A_108 = vector.broadcast %add3A_107 : f32 to vector<8x512xf32>
      %add3A_109 = arith.addf %convert_element_type3A_106, %add3A_108 : vector<8x512xf32>
      %mul3A_110 = arith.constant 3.200000e+01 : f32
      %mul3A_111 = vector.broadcast %mul3A_110 : f32 to vector<8x512xf32>
      %mul3A_112 = arith.mulf %add3A_109, %mul3A_111 : vector<8x512xf32>
      %convert_element_type3A_113 = arith.sitofp %select_n3A : vector<8x512xi32> to vector<8x512xf32>
      %add3A_114 = arith.constant 5.000000e-01 : f32
      %add3A_115 = vector.broadcast %add3A_114 : f32 to vector<8x512xf32>
      %add3A_116 = arith.addf %convert_element_type3A_113, %add3A_115 : vector<8x512xf32>
      %mul3A_117 = arith.constant 3.200000e+01 : f32
      %mul3A_118 = vector.broadcast %mul3A_117 : f32 to vector<8x512xf32>
      %mul3A_119 = arith.mulf %add3A_116, %mul3A_118 : vector<8x512xf32>
      %slice3A_120 = vector.extract_strided_slice %exp3A {offsets = [0, 0, 0], sizes = [8, 512, 1], strides = [1, 1, 1]} : vector<8x512x4xf32> to vector<8x512x1xf32>
      %squeeze3A = vector.shape_cast %slice3A_120 : vector<8x512x1xf32> to vector<8x512xf32>
      %sub3A_121 = arith.subf %mul3A_112, %squeeze3A : vector<8x512xf32>
      %max3A = arith.constant 0.000000e+00 : f32
      %max3A_122 = vector.broadcast %max3A : f32 to vector<8x512xf32>
      %max3A_123 = arith.maximumf %sub3A_121, %max3A_122 : vector<8x512xf32>
      %floor3A = math.floor %max3A_123 : vector<8x512xf32>
      %convert_element_type3A_124 = arith.fptosi %floor3A : vector<8x512xf32> to vector<8x512xi32>
      %slice3A_125 = vector.extract_strided_slice %exp3A {offsets = [0, 0, 1], sizes = [8, 512, 1], strides = [1, 1, 1]} : vector<8x512x4xf32> to vector<8x512x1xf32>
      %squeeze3A_126 = vector.shape_cast %slice3A_125 : vector<8x512x1xf32> to vector<8x512xf32>
      %sub3A_127 = arith.subf %mul3A_119, %squeeze3A_126 : vector<8x512xf32>
      %max3A_128 = arith.constant 0.000000e+00 : f32
      %max3A_129 = vector.broadcast %max3A_128 : f32 to vector<8x512xf32>
      %max3A_130 = arith.maximumf %sub3A_127, %max3A_129 : vector<8x512xf32>
      %floor3A_131 = math.floor %max3A_130 : vector<8x512xf32>
      %convert_element_type3A_132 = arith.fptosi %floor3A_131 : vector<8x512xf32> to vector<8x512xi32>
      %slice3A_133 = vector.extract_strided_slice %exp3A {offsets = [0, 0, 2], sizes = [8, 512, 1], strides = [1, 1, 1]} : vector<8x512x4xf32> to vector<8x512x1xf32>
      %squeeze3A_134 = vector.shape_cast %slice3A_133 : vector<8x512x1xf32> to vector<8x512xf32>
      %add3A_135 = arith.addf %mul3A_112, %squeeze3A_134 : vector<8x512xf32>
      %floor3A_136 = math.floor %add3A_135 : vector<8x512xf32>
      %min3A = arith.constant 1.023000e+03 : f32
      %min3A_137 = vector.broadcast %min3A : f32 to vector<8x512xf32>
      %min3A_138 = arith.minimumf %floor3A_136, %min3A_137 : vector<8x512xf32>
      %convert_element_type3A_139 = arith.fptosi %min3A_138 : vector<8x512xf32> to vector<8x512xi32>
      %slice3A_140 = vector.extract_strided_slice %exp3A {offsets = [0, 0, 3], sizes = [8, 512, 1], strides = [1, 1, 1]} : vector<8x512x4xf32> to vector<8x512x1xf32>
      %squeeze3A_141 = vector.shape_cast %slice3A_140 : vector<8x512x1xf32> to vector<8x512xf32>
      %add3A_142 = arith.addf %mul3A_119, %squeeze3A_141 : vector<8x512xf32>
      %floor3A_143 = math.floor %add3A_142 : vector<8x512xf32>
      %min3A_144 = arith.constant 1.023000e+03 : f32
      %min3A_145 = vector.broadcast %min3A_144 : f32 to vector<8x512xf32>
      %min3A_146 = arith.minimumf %floor3A_143, %min3A_145 : vector<8x512xf32>
      %convert_element_type3A_147 = arith.fptosi %min3A_146 : vector<8x512xf32> to vector<8x512xi32>
      %shift_left3A = arith.constant 10 : i32
      %shift_left3A_148 = vector.broadcast %shift_left3A : i32 to vector<8x512xi32>
      %shift_left3A_149 = arith.shli %convert_element_type3A_132, %shift_left3A_148 : vector<8x512xi32>
      %or3A = arith.ori %convert_element_type3A_124, %shift_left3A_149 : vector<8x512xi32>
      %shift_left3A_150 = arith.constant 20 : i32
      %shift_left3A_151 = vector.broadcast %shift_left3A_150 : i32 to vector<8x512xi32>
      %shift_left3A_152 = arith.shli %concatenate3A_67, %shift_left3A_151 : vector<8x512xi32>
      %or3A_153 = arith.ori %or3A, %shift_left3A_152 : vector<8x512xi32>
      %shift_left3A_154 = arith.constant 10 : i32
      %shift_left3A_155 = vector.broadcast %shift_left3A_154 : i32 to vector<8x512xi32>
      %shift_left3A_156 = arith.shli %convert_element_type3A_147, %shift_left3A_155 : vector<8x512xi32>
      %or3A_157 = arith.ori %convert_element_type3A_139, %shift_left3A_156 : vector<8x512xi32>
      %slice3A_158 = vector.extract_strided_slice %sqrt3A {offsets = [0, 0], sizes = [8, 128], strides = [1, 1]} : vector<8x512xf32> to vector<8x128xf32>
      %swap3A = arith.constant 0 : index
      %swap3A_159 = arith.constant 0 : index
      %swap3A_160 = vector.load %arg16[%swap3A, %swap3A_159] : memref<32x128xf32, #tpu.memory_space<vmem>>, vector<8x128xf32>
      tpu.vector_store %arg16[%swap3A, %swap3A_159], %slice3A_158 {strides = array<i32>} : memref<32x128xf32, #tpu.memory_space<vmem>>, vector<8x128xf32>,
      %slice3A_161 = vector.extract_strided_slice %or3A_153 {offsets = [0, 0], sizes = [8, 128], strides = [1, 1]} : vector<8x512xi32> to vector<8x128xi32>
      %swap3A_162 = arith.constant 0 : index
      %swap3A_163 = arith.constant 0 : index
      %swap3A_164 = vector.load %arg17[%swap3A_162, %swap3A_163] : memref<32x128xi32, #tpu.memory_space<vmem>>, vector<8x128xi32>
      tpu.vector_store %arg17[%swap3A_162, %swap3A_163], %slice3A_161 {strides = array<i32>} : memref<32x128xi32, #tpu.memory_space<vmem>>, vector<8x128xi32>,
      %slice3A_165 = vector.extract_strided_slice %or3A_157 {offsets = [0, 0], sizes = [8, 128], strides = [1, 1]} : vector<8x512xi32> to vector<8x128xi32>
      %swap3A_166 = arith.constant 0 : index
      %swap3A_167 = arith.constant 0 : index
      %swap3A_168 = vector.load %arg18[%swap3A_166, %swap3A_167] : memref<32x128xi32, #tpu.memory_space<vmem>>, vector<8x128xi32>
      tpu.vector_store %arg18[%swap3A_166, %swap3A_167], %slice3A_165 {strides = array<i32>} : memref<32x128xi32, #tpu.memory_space<vmem>>, vector<8x128xi32>,
      %slice3A_169 = vector.extract_strided_slice %sqrt3A {offsets = [0, 128], sizes = [8, 128], strides = [1, 1]} : vector<8x512xf32> to vector<8x128xf32>
      %swap3A_170 = arith.constant 8 : index
      %swap3A_171 = arith.constant 0 : index
      %swap3A_172 = vector.load %arg16[%swap3A_170, %swap3A_171] : memref<32x128xf32, #tpu.memory_space<vmem>>, vector<8x128xf32>
      tpu.vector_store %arg16[%swap3A_170, %swap3A_171], %slice3A_169 {strides = array<i32>} : memref<32x128xf32, #tpu.memory_space<vmem>>, vector<8x128xf32>,
      %slice3A_173 = vector.extract_strided_slice %or3A_153 {offsets = [0, 128], sizes = [8, 128], strides = [1, 1]} : vector<8x512xi32> to vector<8x128xi32>
      %swap3A_174 = arith.constant 8 : index
      %swap3A_175 = arith.constant 0 : index
      %swap3A_176 = vector.load %arg17[%swap3A_174, %swap3A_175] : memref<32x128xi32, #tpu.memory_space<vmem>>, vector<8x128xi32>
      tpu.vector_store %arg17[%swap3A_174, %swap3A_175], %slice3A_173 {strides = array<i32>} : memref<32x128xi32, #tpu.memory_space<vmem>>, vector<8x128xi32>,
      %slice3A_177 = vector.extract_strided_slice %or3A_157 {offsets = [0, 128], sizes = [8, 128], strides = [1, 1]} : vector<8x512xi32> to vector<8x128xi32>
      %swap3A_178 = arith.constant 8 : index
      %swap3A_179 = arith.constant 0 : index
      %swap3A_180 = vector.load %arg18[%swap3A_178, %swap3A_179] : memref<32x128xi32, #tpu.memory_space<vmem>>, vector<8x128xi32>
      tpu.vector_store %arg18[%swap3A_178, %swap3A_179], %slice3A_177 {strides = array<i32>} : memref<32x128xi32, #tpu.memory_space<vmem>>, vector<8x128xi32>,
      %slice3A_181 = vector.extract_strided_slice %sqrt3A {offsets = [0, 256], sizes = [8, 128], strides = [1, 1]} : vector<8x512xf32> to vector<8x128xf32>
      %swap3A_182 = arith.constant 16 : index
      %swap3A_183 = arith.constant 0 : index
      %swap3A_184 = vector.load %arg16[%swap3A_182, %swap3A_183] : memref<32x128xf32, #tpu.memory_space<vmem>>, vector<8x128xf32>
      tpu.vector_store %arg16[%swap3A_182, %swap3A_183], %slice3A_181 {strides = array<i32>} : memref<32x128xf32, #tpu.memory_space<vmem>>, vector<8x128xf32>,
      %slice3A_185 = vector.extract_strided_slice %or3A_153 {offsets = [0, 256], sizes = [8, 128], strides = [1, 1]} : vector<8x512xi32> to vector<8x128xi32>
      %swap3A_186 = arith.constant 16 : index
      %swap3A_187 = arith.constant 0 : index
      %swap3A_188 = vector.load %arg17[%swap3A_186, %swap3A_187] : memref<32x128xi32, #tpu.memory_space<vmem>>, vector<8x128xi32>
      tpu.vector_store %arg17[%swap3A_186, %swap3A_187], %slice3A_185 {strides = array<i32>} : memref<32x128xi32, #tpu.memory_space<vmem>>, vector<8x128xi32>,
      %slice3A_189 = vector.extract_strided_slice %or3A_157 {offsets = [0, 256], sizes = [8, 128], strides = [1, 1]} : vector<8x512xi32> to vector<8x128xi32>
      %swap3A_190 = arith.constant 16 : index
      %swap3A_191 = arith.constant 0 : index
      %swap3A_192 = vector.load %arg18[%swap3A_190, %swap3A_191] : memref<32x128xi32, #tpu.memory_space<vmem>>, vector<8x128xi32>
      tpu.vector_store %arg18[%swap3A_190, %swap3A_191], %slice3A_189 {strides = array<i32>} : memref<32x128xi32, #tpu.memory_space<vmem>>, vector<8x128xi32>,
      %slice3A_193 = vector.extract_strided_slice %sqrt3A {offsets = [0, 384], sizes = [8, 128], strides = [1, 1]} : vector<8x512xf32> to vector<8x128xf32>
      %swap3A_194 = arith.constant 24 : index
      %swap3A_195 = arith.constant 0 : index
      %swap3A_196 = vector.load %arg16[%swap3A_194, %swap3A_195] : memref<32x128xf32, #tpu.memory_space<vmem>>, vector<8x128xf32>
      tpu.vector_store %arg16[%swap3A_194, %swap3A_195], %slice3A_193 {strides = array<i32>} : memref<32x128xf32, #tpu.memory_space<vmem>>, vector<8x128xf32>,
      %slice3A_197 = vector.extract_strided_slice %or3A_153 {offsets = [0, 384], sizes = [8, 128], strides = [1, 1]} : vector<8x512xi32> to vector<8x128xi32>
      %swap3A_198 = arith.constant 24 : index
      %swap3A_199 = arith.constant 0 : index
      %swap3A_200 = vector.load %arg17[%swap3A_198, %swap3A_199] : memref<32x128xi32, #tpu.memory_space<vmem>>, vector<8x128xi32>
      tpu.vector_store %arg17[%swap3A_198, %swap3A_199], %slice3A_197 {strides = array<i32>} : memref<32x128xi32, #tpu.memory_space<vmem>>, vector<8x128xi32>,
      %slice3A_201 = vector.extract_strided_slice %or3A_157 {offsets = [0, 384], sizes = [8, 128], strides = [1, 1]} : vector<8x512xi32> to vector<8x128xi32>
      %swap3A_202 = arith.constant 24 : index
      %swap3A_203 = arith.constant 0 : index
      %swap3A_204 = vector.load %arg18[%swap3A_202, %swap3A_203] : memref<32x128xi32, #tpu.memory_space<vmem>>, vector<8x128xi32>
      tpu.vector_store %arg18[%swap3A_202, %swap3A_203], %slice3A_201 {strides = array<i32>} : memref<32x128xi32, #tpu.memory_space<vmem>>, vector<8x128xi32>,
    } else {
    }
    %eq3A = arith.constant 42 : i32
    %eq3A_16 = arith.cmpi eq, %arg0, %eq3A : i32
    %convert_element_type3A_17 = arith.extui %eq3A_16 : i1 to i32
    %cond3A_18 = arith.constant 0 : i32
    %cond3A_19 = arith.cmpi ne, %convert_element_type3A_17, %cond3A_18 : i32
    scf.if %cond3A_19 {
      %get3A = arith.constant 0 : index
      %get3A_20 = arith.constant 0 : index
      %get3A_21 = arith.constant 0 : index
      %get3A_22 = vector.load %arg10[%get3A, %get3A_20, %get3A_21] : memref<8x256x80xf32, #tpu.memory_space<vmem>>, vector<8x256x80xf32>
      %get3A_23 = arith.constant 0 : index
      %get3A_24 = arith.constant 0 : index
      %get3A_25 = arith.constant 0 : index
      %get3A_26 = vector.load %arg11[%get3A_23, %get3A_24, %get3A_25] : memref<8x256x4xf32, #tpu.memory_space<vmem>>, vector<8x256x4xf32>
      %get3A_27 = arith.constant 0 : index
      %get3A_28 = arith.constant 0 : index
      %get3A_29 = vector.load %arg12[%get3A_27, %get3A_28] : memref<8x256xf32, #tpu.memory_space<vmem>>, vector<8x256xf32>
      %slice3A = vector.extract_strided_slice %get3A_22 {offsets = [0, 0, 0], sizes = [8, 128, 80], strides = [1, 1, 1]} : vector<8x256x80xf32> to vector<8x128x80xf32>
      %logistic3A = arith.negf %slice3A : vector<8x128x80xf32>
      %logistic3A_30 = math.exp %logistic3A : vector<8x128x80xf32>
      %logistic3A_31 = arith.constant 1.000000e+00 : f32
      %logistic3A_32 = vector.broadcast %logistic3A_31 : f32 to vector<8x128x80xf32>
      %logistic3A_33 = arith.addf %logistic3A_32, %logistic3A_30 : vector<8x128x80xf32>
      %logistic3A_34 = arith.divf %logistic3A_32, %logistic3A_33 : vector<8x128x80xf32>
      %reduce_max3A = arith.constant dense<0xFF800000> : vector<8x128xf32>
      %reduce_max3A_35 = vector.multi_reduction <maximumf>, %logistic3A_34, %reduce_max3A [2] : vector<8x128x80xf32> to vector<8x128xf32>
      %argmax3A = tpu.reduce_index %logistic3A_34 {axis = 2 : i32, kind = #tpu.reduction_kind<arg_max>} : vector<8x128x80xf32> -> vector<8x128xi32>
      %slice3A_36 = vector.extract_strided_slice %get3A_22 {offsets = [0, 128, 0], sizes = [8, 128, 80], strides = [1, 1, 1]} : vector<8x256x80xf32> to vector<8x128x80xf32>
      %logistic3A_37 = arith.negf %slice3A_36 : vector<8x128x80xf32>
      %logistic3A_38 = math.exp %logistic3A_37 : vector<8x128x80xf32>
      %logistic3A_39 = arith.constant 1.000000e+00 : f32
      %logistic3A_40 = vector.broadcast %logistic3A_39 : f32 to vector<8x128x80xf32>
      %logistic3A_41 = arith.addf %logistic3A_40, %logistic3A_38 : vector<8x128x80xf32>
      %logistic3A_42 = arith.divf %logistic3A_40, %logistic3A_41 : vector<8x128x80xf32>
      %reduce_max3A_43 = arith.constant dense<0xFF800000> : vector<8x128xf32>
      %reduce_max3A_44 = vector.multi_reduction <maximumf>, %logistic3A_42, %reduce_max3A_43 [2] : vector<8x128x80xf32> to vector<8x128xf32>
      %argmax3A_45 = tpu.reduce_index %logistic3A_42 {axis = 2 : i32, kind = #tpu.reduction_kind<arg_max>} : vector<8x128x80xf32> -> vector<8x128xi32>
      %concatenate3A = tpu.concatenate %reduce_max3A_35, %reduce_max3A_44 in 1 : vector<8x128xf32>, vector<8x128xf32> -> vector<8x256xf32>
      %concatenate3A_46 = tpu.concatenate %argmax3A, %argmax3A_45 in 1 : vector<8x128xi32>, vector<8x128xi32> -> vector<8x256xi32>
      %logistic3A_47 = arith.negf %get3A_29 : vector<8x256xf32>
      %logistic3A_48 = math.exp %logistic3A_47 : vector<8x256xf32>
      %logistic3A_49 = arith.constant 1.000000e+00 : f32
      %logistic3A_50 = vector.broadcast %logistic3A_49 : f32 to vector<8x256xf32>
      %logistic3A_51 = arith.addf %logistic3A_50, %logistic3A_48 : vector<8x256xf32>
      %logistic3A_52 = arith.divf %logistic3A_50, %logistic3A_51 : vector<8x256xf32>
      %mul3A = arith.mulf %concatenate3A, %logistic3A_52 : vector<8x256xf32>
      %sqrt3A = math.sqrt %mul3A : vector<8x256xf32>
      %exp3A = math.exp %get3A_26 : vector<8x256x4xf32>
      %iota3A = tpu.iota {dimensions = array<i32: 1>} : vector<8x256xi32>
      %add3A = arith.constant 0 : i32
      %add3A_53 = vector.broadcast %add3A : i32 to vector<8x256xi32>
      %add3A_54 = arith.addi %iota3A, %add3A_53 : vector<8x256xi32>
      %jit3A = arith.constant 16 : i32
      %div3A = vector.broadcast %jit3A : i32 to vector<8x256xi32>
      %div3A_55 = arith.divsi %add3A_54, %div3A : vector<8x256xi32>
      %sign3A = arith.constant 0 : i32
      %sign3A_56 = vector.broadcast %sign3A : i32 to vector<8x256xi32>
      %sign3A_57 = arith.cmpi sgt, %add3A_54, %sign3A_56 : vector<8x256xi32>
      %sign3A_58 = arith.extui %sign3A_57 : vector<8x256xi1> to vector<8x256xi32>
      %sign3A_59 = arith.constant 0 : i32
      %sign3A_60 = vector.broadcast %sign3A_59 : i32 to vector<8x256xi32>
      %sign3A_61 = arith.cmpi slt, %add3A_54, %sign3A_60 : vector<8x256xi32>
      %sign3A_62 = arith.extui %sign3A_61 : vector<8x256xi1> to vector<8x256xi32>
      %sign3A_63 = arith.subi %sign3A_58, %sign3A_62 : vector<8x256xi32>
      %sign3A_64 = arith.constant 0 : i32
      %sign3A_65 = arith.cmpi sgt, %jit3A, %sign3A_64 : i32
      %sign3A_66 = arith.extui %sign3A_65 : i1 to i32
      %sign3A_67 = arith.constant 0 : i32
      %sign3A_68 = arith.cmpi slt, %jit3A, %sign3A_67 : i32
      %sign3A_69 = arith.extui %sign3A_68 : i1 to i32
      %sign3A_70 = arith.subi %sign3A_66, %sign3A_69 : i32
      %ne3A = vector.broadcast %sign3A_70 : i32 to vector<8x256xi32>
      %ne3A_71 = arith.cmpi ne, %sign3A_63, %ne3A : vector<8x256xi32>
      %rem3A = vector.broadcast %jit3A : i32 to vector<8x256xi32>
      %rem3A_72 = arith.remsi %add3A_54, %rem3A : vector<8x256xi32>
      %ne3A_73 = arith.constant 0 : i32
      %ne3A_74 = vector.broadcast %ne3A_73 : i32 to vector<8x256xi32>
      %ne3A_75 = arith.cmpi ne, %rem3A_72, %ne3A_74 : vector<8x256xi32>
      %and3A_76 = arith.andi %ne3A_71, %ne3A_75 : vector<8x256xi1>
      %sub3A = arith.constant 1 : i32
      %sub3A_77 = vector.broadcast %sub3A : i32 to vector<8x256xi32>
      %sub3A_78 = arith.subi %div3A_55, %sub3A_77 : vector<8x256xi32>
      %select_n3A = arith.select %and3A_76, %sub3A_78, %div3A_55 : vector<8x256xi1>, vector<8x256xi32>
      %mul3A_79 = arith.constant 16 : i32
      %mul3A_80 = vector.broadcast %mul3A_79 : i32 to vector<8x256xi32>
      %mul3A_81 = arith.muli %select_n3A, %mul3A_80 : vector<8x256xi32>
      %sub3A_82 = arith.subi %add3A_54, %mul3A_81 : vector<8x256xi32>
      %convert_element_type3A_83 = arith.sitofp %sub3A_82 : vector<8x256xi32> to vector<8x256xf32>
      %add3A_84 = arith.constant 5.000000e-01 : f32
      %add3A_85 = vector.broadcast %add3A_84 : f32 to vector<8x256xf32>
      %add3A_86 = arith.addf %convert_element_type3A_83, %add3A_85 : vector<8x256xf32>
      %mul3A_87 = arith.constant 6.400000e+01 : f32
      %mul3A_88 = vector.broadcast %mul3A_87 : f32 to vector<8x256xf32>
      %mul3A_89 = arith.mulf %add3A_86, %mul3A_88 : vector<8x256xf32>
      %convert_element_type3A_90 = arith.sitofp %select_n3A : vector<8x256xi32> to vector<8x256xf32>
      %add3A_91 = arith.constant 5.000000e-01 : f32
      %add3A_92 = vector.broadcast %add3A_91 : f32 to vector<8x256xf32>
      %add3A_93 = arith.addf %convert_element_type3A_90, %add3A_92 : vector<8x256xf32>
      %mul3A_94 = arith.constant 6.400000e+01 : f32
      %mul3A_95 = vector.broadcast %mul3A_94 : f32 to vector<8x256xf32>
      %mul3A_96 = arith.mulf %add3A_93, %mul3A_95 : vector<8x256xf32>
      %slice3A_97 = vector.extract_strided_slice %exp3A {offsets = [0, 0, 0], sizes = [8, 256, 1], strides = [1, 1, 1]} : vector<8x256x4xf32> to vector<8x256x1xf32>
      %squeeze3A = vector.shape_cast %slice3A_97 : vector<8x256x1xf32> to vector<8x256xf32>
      %sub3A_98 = arith.subf %mul3A_89, %squeeze3A : vector<8x256xf32>
      %max3A = arith.constant 0.000000e+00 : f32
      %max3A_99 = vector.broadcast %max3A : f32 to vector<8x256xf32>
      %max3A_100 = arith.maximumf %sub3A_98, %max3A_99 : vector<8x256xf32>
      %floor3A = math.floor %max3A_100 : vector<8x256xf32>
      %convert_element_type3A_101 = arith.fptosi %floor3A : vector<8x256xf32> to vector<8x256xi32>
      %slice3A_102 = vector.extract_strided_slice %exp3A {offsets = [0, 0, 1], sizes = [8, 256, 1], strides = [1, 1, 1]} : vector<8x256x4xf32> to vector<8x256x1xf32>
      %squeeze3A_103 = vector.shape_cast %slice3A_102 : vector<8x256x1xf32> to vector<8x256xf32>
      %sub3A_104 = arith.subf %mul3A_96, %squeeze3A_103 : vector<8x256xf32>
      %max3A_105 = arith.constant 0.000000e+00 : f32
      %max3A_106 = vector.broadcast %max3A_105 : f32 to vector<8x256xf32>
      %max3A_107 = arith.maximumf %sub3A_104, %max3A_106 : vector<8x256xf32>
      %floor3A_108 = math.floor %max3A_107 : vector<8x256xf32>
      %convert_element_type3A_109 = arith.fptosi %floor3A_108 : vector<8x256xf32> to vector<8x256xi32>
      %slice3A_110 = vector.extract_strided_slice %exp3A {offsets = [0, 0, 2], sizes = [8, 256, 1], strides = [1, 1, 1]} : vector<8x256x4xf32> to vector<8x256x1xf32>
      %squeeze3A_111 = vector.shape_cast %slice3A_110 : vector<8x256x1xf32> to vector<8x256xf32>
      %add3A_112 = arith.addf %mul3A_89, %squeeze3A_111 : vector<8x256xf32>
      %floor3A_113 = math.floor %add3A_112 : vector<8x256xf32>
      %min3A = arith.constant 1.023000e+03 : f32
      %min3A_114 = vector.broadcast %min3A : f32 to vector<8x256xf32>
      %min3A_115 = arith.minimumf %floor3A_113, %min3A_114 : vector<8x256xf32>
      %convert_element_type3A_116 = arith.fptosi %min3A_115 : vector<8x256xf32> to vector<8x256xi32>
      %slice3A_117 = vector.extract_strided_slice %exp3A {offsets = [0, 0, 3], sizes = [8, 256, 1], strides = [1, 1, 1]} : vector<8x256x4xf32> to vector<8x256x1xf32>
      %squeeze3A_118 = vector.shape_cast %slice3A_117 : vector<8x256x1xf32> to vector<8x256xf32>
      %add3A_119 = arith.addf %mul3A_96, %squeeze3A_118 : vector<8x256xf32>
      %floor3A_120 = math.floor %add3A_119 : vector<8x256xf32>
      %min3A_121 = arith.constant 1.023000e+03 : f32
      %min3A_122 = vector.broadcast %min3A_121 : f32 to vector<8x256xf32>
      %min3A_123 = arith.minimumf %floor3A_120, %min3A_122 : vector<8x256xf32>
      %convert_element_type3A_124 = arith.fptosi %min3A_123 : vector<8x256xf32> to vector<8x256xi32>
      %shift_left3A = arith.constant 10 : i32
      %shift_left3A_125 = vector.broadcast %shift_left3A : i32 to vector<8x256xi32>
      %shift_left3A_126 = arith.shli %convert_element_type3A_109, %shift_left3A_125 : vector<8x256xi32>
      %or3A = arith.ori %convert_element_type3A_101, %shift_left3A_126 : vector<8x256xi32>
      %shift_left3A_127 = arith.constant 20 : i32
      %shift_left3A_128 = vector.broadcast %shift_left3A_127 : i32 to vector<8x256xi32>
      %shift_left3A_129 = arith.shli %concatenate3A_46, %shift_left3A_128 : vector<8x256xi32>
      %or3A_130 = arith.ori %or3A, %shift_left3A_129 : vector<8x256xi32>
      %shift_left3A_131 = arith.constant 10 : i32
      %shift_left3A_132 = vector.broadcast %shift_left3A_131 : i32 to vector<8x256xi32>
      %shift_left3A_133 = arith.shli %convert_element_type3A_124, %shift_left3A_132 : vector<8x256xi32>
      %or3A_134 = arith.ori %convert_element_type3A_116, %shift_left3A_133 : vector<8x256xi32>
      %get3A_135 = arith.constant 0 : index
      %get3A_136 = arith.constant 0 : index
      %get3A_137 = arith.constant 0 : index
      %get3A_138 = vector.load %arg13[%get3A_135, %get3A_136, %get3A_137] : memref<8x64x80xf32, #tpu.memory_space<vmem>>, vector<8x64x80xf32>
      %get3A_139 = arith.constant 0 : index
      %get3A_140 = arith.constant 0 : index
      %get3A_141 = arith.constant 0 : index
      %get3A_142 = vector.load %arg14[%get3A_139, %get3A_140, %get3A_141] : memref<8x64x4xf32, #tpu.memory_space<vmem>>, vector<8x64x4xf32>
      %get3A_143 = arith.constant 0 : index
      %get3A_144 = arith.constant 0 : index
      %get3A_145 = vector.load %arg15[%get3A_143, %get3A_144] : memref<8x64xf32, #tpu.memory_space<vmem>>, vector<8x64xf32>
      %logistic3A_146 = arith.negf %get3A_138 : vector<8x64x80xf32>
      %logistic3A_147 = math.exp %logistic3A_146 : vector<8x64x80xf32>
      %logistic3A_148 = arith.constant 1.000000e+00 : f32
      %logistic3A_149 = vector.broadcast %logistic3A_148 : f32 to vector<8x64x80xf32>
      %logistic3A_150 = arith.addf %logistic3A_149, %logistic3A_147 : vector<8x64x80xf32>
      %logistic3A_151 = arith.divf %logistic3A_149, %logistic3A_150 : vector<8x64x80xf32>
      %reduce_max3A_152 = arith.constant dense<0xFF800000> : vector<8x64xf32>
      %reduce_max3A_153 = vector.multi_reduction <maximumf>, %logistic3A_151, %reduce_max3A_152 [2] : vector<8x64x80xf32> to vector<8x64xf32>
      %argmax3A_154 = tpu.reduce_index %logistic3A_151 {axis = 2 : i32, kind = #tpu.reduction_kind<arg_max>} : vector<8x64x80xf32> -> vector<8x64xi32>
      %logistic3A_155 = arith.negf %get3A_145 : vector<8x64xf32>
      %logistic3A_156 = math.exp %logistic3A_155 : vector<8x64xf32>
      %logistic3A_157 = arith.constant 1.000000e+00 : f32
      %logistic3A_158 = vector.broadcast %logistic3A_157 : f32 to vector<8x64xf32>
      %logistic3A_159 = arith.addf %logistic3A_158, %logistic3A_156 : vector<8x64xf32>
      %logistic3A_160 = arith.divf %logistic3A_158, %logistic3A_159 : vector<8x64xf32>
      %mul3A_161 = arith.mulf %reduce_max3A_153, %logistic3A_160 : vector<8x64xf32>
      %sqrt3A_162 = math.sqrt %mul3A_161 : vector<8x64xf32>
      %exp3A_163 = math.exp %get3A_142 : vector<8x64x4xf32>
      %iota3A_164 = tpu.iota {dimensions = array<i32: 1>} : vector<8x64xi32>
      %add3A_165 = arith.constant 0 : i32
      %add3A_166 = vector.broadcast %add3A_165 : i32 to vector<8x64xi32>
      %add3A_167 = arith.addi %iota3A_164, %add3A_166 : vector<8x64xi32>
      %jit3A_168 = arith.constant 8 : i32
      %div3A_169 = vector.broadcast %jit3A_168 : i32 to vector<8x64xi32>
      %div3A_170 = arith.divsi %add3A_167, %div3A_169 : vector<8x64xi32>
      %sign3A_171 = arith.constant 0 : i32
      %sign3A_172 = vector.broadcast %sign3A_171 : i32 to vector<8x64xi32>
      %sign3A_173 = arith.cmpi sgt, %add3A_167, %sign3A_172 : vector<8x64xi32>
      %sign3A_174 = arith.extui %sign3A_173 : vector<8x64xi1> to vector<8x64xi32>
      %sign3A_175 = arith.constant 0 : i32
      %sign3A_176 = vector.broadcast %sign3A_175 : i32 to vector<8x64xi32>
      %sign3A_177 = arith.cmpi slt, %add3A_167, %sign3A_176 : vector<8x64xi32>
      %sign3A_178 = arith.extui %sign3A_177 : vector<8x64xi1> to vector<8x64xi32>
      %sign3A_179 = arith.subi %sign3A_174, %sign3A_178 : vector<8x64xi32>
      %sign3A_180 = arith.constant 0 : i32
      %sign3A_181 = arith.cmpi sgt, %jit3A_168, %sign3A_180 : i32
      %sign3A_182 = arith.extui %sign3A_181 : i1 to i32
      %sign3A_183 = arith.constant 0 : i32
      %sign3A_184 = arith.cmpi slt, %jit3A_168, %sign3A_183 : i32
      %sign3A_185 = arith.extui %sign3A_184 : i1 to i32
      %sign3A_186 = arith.subi %sign3A_182, %sign3A_185 : i32
      %ne3A_187 = vector.broadcast %sign3A_186 : i32 to vector<8x64xi32>
      %ne3A_188 = arith.cmpi ne, %sign3A_179, %ne3A_187 : vector<8x64xi32>
      %rem3A_189 = vector.broadcast %jit3A_168 : i32 to vector<8x64xi32>
      %rem3A_190 = arith.remsi %add3A_167, %rem3A_189 : vector<8x64xi32>
      %ne3A_191 = arith.constant 0 : i32
      %ne3A_192 = vector.broadcast %ne3A_191 : i32 to vector<8x64xi32>
      %ne3A_193 = arith.cmpi ne, %rem3A_190, %ne3A_192 : vector<8x64xi32>
      %and3A_194 = arith.andi %ne3A_188, %ne3A_193 : vector<8x64xi1>
      %sub3A_195 = arith.constant 1 : i32
      %sub3A_196 = vector.broadcast %sub3A_195 : i32 to vector<8x64xi32>
      %sub3A_197 = arith.subi %div3A_170, %sub3A_196 : vector<8x64xi32>
      %select_n3A_198 = arith.select %and3A_194, %sub3A_197, %div3A_170 : vector<8x64xi1>, vector<8x64xi32>
      %mul3A_199 = arith.constant 8 : i32
      %mul3A_200 = vector.broadcast %mul3A_199 : i32 to vector<8x64xi32>
      %mul3A_201 = arith.muli %select_n3A_198, %mul3A_200 : vector<8x64xi32>
      %sub3A_202 = arith.subi %add3A_167, %mul3A_201 : vector<8x64xi32>
      %convert_element_type3A_203 = arith.sitofp %sub3A_202 : vector<8x64xi32> to vector<8x64xf32>
      %add3A_204 = arith.constant 5.000000e-01 : f32
      %add3A_205 = vector.broadcast %add3A_204 : f32 to vector<8x64xf32>
      %add3A_206 = arith.addf %convert_element_type3A_203, %add3A_205 : vector<8x64xf32>
      %mul3A_207 = arith.constant 1.280000e+02 : f32
      %mul3A_208 = vector.broadcast %mul3A_207 : f32 to vector<8x64xf32>
      %mul3A_209 = arith.mulf %add3A_206, %mul3A_208 : vector<8x64xf32>
      %convert_element_type3A_210 = arith.sitofp %select_n3A_198 : vector<8x64xi32> to vector<8x64xf32>
      %add3A_211 = arith.constant 5.000000e-01 : f32
      %add3A_212 = vector.broadcast %add3A_211 : f32 to vector<8x64xf32>
      %add3A_213 = arith.addf %convert_element_type3A_210, %add3A_212 : vector<8x64xf32>
      %mul3A_214 = arith.constant 1.280000e+02 : f32
      %mul3A_215 = vector.broadcast %mul3A_214 : f32 to vector<8x64xf32>
      %mul3A_216 = arith.mulf %add3A_213, %mul3A_215 : vector<8x64xf32>
      %slice3A_217 = vector.extract_strided_slice %exp3A_163 {offsets = [0, 0, 0], sizes = [8, 64, 1], strides = [1, 1, 1]} : vector<8x64x4xf32> to vector<8x64x1xf32>
      %squeeze3A_218 = vector.shape_cast %slice3A_217 : vector<8x64x1xf32> to vector<8x64xf32>
      %sub3A_219 = arith.subf %mul3A_209, %squeeze3A_218 : vector<8x64xf32>
      %max3A_220 = arith.constant 0.000000e+00 : f32
      %max3A_221 = vector.broadcast %max3A_220 : f32 to vector<8x64xf32>
      %max3A_222 = arith.maximumf %sub3A_219, %max3A_221 : vector<8x64xf32>
      %floor3A_223 = math.floor %max3A_222 : vector<8x64xf32>
      %convert_element_type3A_224 = arith.fptosi %floor3A_223 : vector<8x64xf32> to vector<8x64xi32>
      %slice3A_225 = vector.extract_strided_slice %exp3A_163 {offsets = [0, 0, 1], sizes = [8, 64, 1], strides = [1, 1, 1]} : vector<8x64x4xf32> to vector<8x64x1xf32>
      %squeeze3A_226 = vector.shape_cast %slice3A_225 : vector<8x64x1xf32> to vector<8x64xf32>
      %sub3A_227 = arith.subf %mul3A_216, %squeeze3A_226 : vector<8x64xf32>
      %max3A_228 = arith.constant 0.000000e+00 : f32
      %max3A_229 = vector.broadcast %max3A_228 : f32 to vector<8x64xf32>
      %max3A_230 = arith.maximumf %sub3A_227, %max3A_229 : vector<8x64xf32>
      %floor3A_231 = math.floor %max3A_230 : vector<8x64xf32>
      %convert_element_type3A_232 = arith.fptosi %floor3A_231 : vector<8x64xf32> to vector<8x64xi32>
      %slice3A_233 = vector.extract_strided_slice %exp3A_163 {offsets = [0, 0, 2], sizes = [8, 64, 1], strides = [1, 1, 1]} : vector<8x64x4xf32> to vector<8x64x1xf32>
      %squeeze3A_234 = vector.shape_cast %slice3A_233 : vector<8x64x1xf32> to vector<8x64xf32>
      %add3A_235 = arith.addf %mul3A_209, %squeeze3A_234 : vector<8x64xf32>
      %floor3A_236 = math.floor %add3A_235 : vector<8x64xf32>
      %min3A_237 = arith.constant 1.023000e+03 : f32
      %min3A_238 = vector.broadcast %min3A_237 : f32 to vector<8x64xf32>
      %min3A_239 = arith.minimumf %floor3A_236, %min3A_238 : vector<8x64xf32>
      %convert_element_type3A_240 = arith.fptosi %min3A_239 : vector<8x64xf32> to vector<8x64xi32>
      %slice3A_241 = vector.extract_strided_slice %exp3A_163 {offsets = [0, 0, 3], sizes = [8, 64, 1], strides = [1, 1, 1]} : vector<8x64x4xf32> to vector<8x64x1xf32>
      %squeeze3A_242 = vector.shape_cast %slice3A_241 : vector<8x64x1xf32> to vector<8x64xf32>
      %add3A_243 = arith.addf %mul3A_216, %squeeze3A_242 : vector<8x64xf32>
      %floor3A_244 = math.floor %add3A_243 : vector<8x64xf32>
      %min3A_245 = arith.constant 1.023000e+03 : f32
      %min3A_246 = vector.broadcast %min3A_245 : f32 to vector<8x64xf32>
      %min3A_247 = arith.minimumf %floor3A_244, %min3A_246 : vector<8x64xf32>
      %convert_element_type3A_248 = arith.fptosi %min3A_247 : vector<8x64xf32> to vector<8x64xi32>
      %shift_left3A_249 = arith.constant 10 : i32
      %shift_left3A_250 = vector.broadcast %shift_left3A_249 : i32 to vector<8x64xi32>
      %shift_left3A_251 = arith.shli %convert_element_type3A_232, %shift_left3A_250 : vector<8x64xi32>
      %or3A_252 = arith.ori %convert_element_type3A_224, %shift_left3A_251 : vector<8x64xi32>
      %shift_left3A_253 = arith.constant 20 : i32
      %shift_left3A_254 = vector.broadcast %shift_left3A_253 : i32 to vector<8x64xi32>
      %shift_left3A_255 = arith.shli %argmax3A_154, %shift_left3A_254 : vector<8x64xi32>
      %or3A_256 = arith.ori %or3A_252, %shift_left3A_255 : vector<8x64xi32>
      %shift_left3A_257 = arith.constant 10 : i32
      %shift_left3A_258 = vector.broadcast %shift_left3A_257 : i32 to vector<8x64xi32>
      %shift_left3A_259 = arith.shli %convert_element_type3A_248, %shift_left3A_258 : vector<8x64xi32>
      %or3A_260 = arith.ori %convert_element_type3A_240, %shift_left3A_259 : vector<8x64xi32>
      %broadcast_in_dim3A = arith.constant 0xFF800000 : f32
      %broadcast_in_dim3A_261 = vector.broadcast %broadcast_in_dim3A : f32 to vector<8x192xf32>
      %concatenate3A_262 = tpu.concatenate %sqrt3A, %sqrt3A_162, %broadcast_in_dim3A_261 in 1 : vector<8x256xf32>, vector<8x64xf32>, vector<8x192xf32> -> vector<8x512xf32>
      %broadcast_in_dim3A_263 = arith.constant 0 : i32
      %broadcast_in_dim3A_264 = vector.broadcast %broadcast_in_dim3A_263 : i32 to vector<8x192xi32>
      %concatenate3A_265 = tpu.concatenate %or3A_130, %or3A_256, %broadcast_in_dim3A_264 in 1 : vector<8x256xi32>, vector<8x64xi32>, vector<8x192xi32> -> vector<8x512xi32>
      %broadcast_in_dim3A_266 = arith.constant 0 : i32
      %broadcast_in_dim3A_267 = vector.broadcast %broadcast_in_dim3A_266 : i32 to vector<8x192xi32>
      %concatenate3A_268 = tpu.concatenate %or3A_134, %or3A_260, %broadcast_in_dim3A_267 in 1 : vector<8x256xi32>, vector<8x64xi32>, vector<8x192xi32> -> vector<8x512xi32>
      %slice3A_269 = vector.extract_strided_slice %concatenate3A_262 {offsets = [0, 0], sizes = [8, 128], strides = [1, 1]} : vector<8x512xf32> to vector<8x128xf32>
      %swap3A = arith.constant 0 : index
      %swap3A_270 = arith.constant 0 : index
      %swap3A_271 = vector.load %arg16[%swap3A, %swap3A_270] : memref<32x128xf32, #tpu.memory_space<vmem>>, vector<8x128xf32>
      tpu.vector_store %arg16[%swap3A, %swap3A_270], %slice3A_269 {strides = array<i32>} : memref<32x128xf32, #tpu.memory_space<vmem>>, vector<8x128xf32>,
      %slice3A_272 = vector.extract_strided_slice %concatenate3A_265 {offsets = [0, 0], sizes = [8, 128], strides = [1, 1]} : vector<8x512xi32> to vector<8x128xi32>
      %swap3A_273 = arith.constant 0 : index
      %swap3A_274 = arith.constant 0 : index
      %swap3A_275 = vector.load %arg17[%swap3A_273, %swap3A_274] : memref<32x128xi32, #tpu.memory_space<vmem>>, vector<8x128xi32>
      tpu.vector_store %arg17[%swap3A_273, %swap3A_274], %slice3A_272 {strides = array<i32>} : memref<32x128xi32, #tpu.memory_space<vmem>>, vector<8x128xi32>,
      %slice3A_276 = vector.extract_strided_slice %concatenate3A_268 {offsets = [0, 0], sizes = [8, 128], strides = [1, 1]} : vector<8x512xi32> to vector<8x128xi32>
      %swap3A_277 = arith.constant 0 : index
      %swap3A_278 = arith.constant 0 : index
      %swap3A_279 = vector.load %arg18[%swap3A_277, %swap3A_278] : memref<32x128xi32, #tpu.memory_space<vmem>>, vector<8x128xi32>
      tpu.vector_store %arg18[%swap3A_277, %swap3A_278], %slice3A_276 {strides = array<i32>} : memref<32x128xi32, #tpu.memory_space<vmem>>, vector<8x128xi32>,
      %slice3A_280 = vector.extract_strided_slice %concatenate3A_262 {offsets = [0, 128], sizes = [8, 128], strides = [1, 1]} : vector<8x512xf32> to vector<8x128xf32>
      %swap3A_281 = arith.constant 8 : index
      %swap3A_282 = arith.constant 0 : index
      %swap3A_283 = vector.load %arg16[%swap3A_281, %swap3A_282] : memref<32x128xf32, #tpu.memory_space<vmem>>, vector<8x128xf32>
      tpu.vector_store %arg16[%swap3A_281, %swap3A_282], %slice3A_280 {strides = array<i32>} : memref<32x128xf32, #tpu.memory_space<vmem>>, vector<8x128xf32>,
      %slice3A_284 = vector.extract_strided_slice %concatenate3A_265 {offsets = [0, 128], sizes = [8, 128], strides = [1, 1]} : vector<8x512xi32> to vector<8x128xi32>
      %swap3A_285 = arith.constant 8 : index
      %swap3A_286 = arith.constant 0 : index
      %swap3A_287 = vector.load %arg17[%swap3A_285, %swap3A_286] : memref<32x128xi32, #tpu.memory_space<vmem>>, vector<8x128xi32>
      tpu.vector_store %arg17[%swap3A_285, %swap3A_286], %slice3A_284 {strides = array<i32>} : memref<32x128xi32, #tpu.memory_space<vmem>>, vector<8x128xi32>,
      %slice3A_288 = vector.extract_strided_slice %concatenate3A_268 {offsets = [0, 128], sizes = [8, 128], strides = [1, 1]} : vector<8x512xi32> to vector<8x128xi32>
      %swap3A_289 = arith.constant 8 : index
      %swap3A_290 = arith.constant 0 : index
      %swap3A_291 = vector.load %arg18[%swap3A_289, %swap3A_290] : memref<32x128xi32, #tpu.memory_space<vmem>>, vector<8x128xi32>
      tpu.vector_store %arg18[%swap3A_289, %swap3A_290], %slice3A_288 {strides = array<i32>} : memref<32x128xi32, #tpu.memory_space<vmem>>, vector<8x128xi32>,
      %slice3A_292 = vector.extract_strided_slice %concatenate3A_262 {offsets = [0, 256], sizes = [8, 128], strides = [1, 1]} : vector<8x512xf32> to vector<8x128xf32>
      %swap3A_293 = arith.constant 16 : index
      %swap3A_294 = arith.constant 0 : index
      %swap3A_295 = vector.load %arg16[%swap3A_293, %swap3A_294] : memref<32x128xf32, #tpu.memory_space<vmem>>, vector<8x128xf32>
      tpu.vector_store %arg16[%swap3A_293, %swap3A_294], %slice3A_292 {strides = array<i32>} : memref<32x128xf32, #tpu.memory_space<vmem>>, vector<8x128xf32>,
      %slice3A_296 = vector.extract_strided_slice %concatenate3A_265 {offsets = [0, 256], sizes = [8, 128], strides = [1, 1]} : vector<8x512xi32> to vector<8x128xi32>
      %swap3A_297 = arith.constant 16 : index
      %swap3A_298 = arith.constant 0 : index
      %swap3A_299 = vector.load %arg17[%swap3A_297, %swap3A_298] : memref<32x128xi32, #tpu.memory_space<vmem>>, vector<8x128xi32>
      tpu.vector_store %arg17[%swap3A_297, %swap3A_298], %slice3A_296 {strides = array<i32>} : memref<32x128xi32, #tpu.memory_space<vmem>>, vector<8x128xi32>,
      %slice3A_300 = vector.extract_strided_slice %concatenate3A_268 {offsets = [0, 256], sizes = [8, 128], strides = [1, 1]} : vector<8x512xi32> to vector<8x128xi32>
      %swap3A_301 = arith.constant 16 : index
      %swap3A_302 = arith.constant 0 : index
      %swap3A_303 = vector.load %arg18[%swap3A_301, %swap3A_302] : memref<32x128xi32, #tpu.memory_space<vmem>>, vector<8x128xi32>
      tpu.vector_store %arg18[%swap3A_301, %swap3A_302], %slice3A_300 {strides = array<i32>} : memref<32x128xi32, #tpu.memory_space<vmem>>, vector<8x128xi32>,
      %slice3A_304 = vector.extract_strided_slice %concatenate3A_262 {offsets = [0, 384], sizes = [8, 128], strides = [1, 1]} : vector<8x512xf32> to vector<8x128xf32>
      %swap3A_305 = arith.constant 24 : index
      %swap3A_306 = arith.constant 0 : index
      %swap3A_307 = vector.load %arg16[%swap3A_305, %swap3A_306] : memref<32x128xf32, #tpu.memory_space<vmem>>, vector<8x128xf32>
      tpu.vector_store %arg16[%swap3A_305, %swap3A_306], %slice3A_304 {strides = array<i32>} : memref<32x128xf32, #tpu.memory_space<vmem>>, vector<8x128xf32>,
      %slice3A_308 = vector.extract_strided_slice %concatenate3A_265 {offsets = [0, 384], sizes = [8, 128], strides = [1, 1]} : vector<8x512xi32> to vector<8x128xi32>
      %swap3A_309 = arith.constant 24 : index
      %swap3A_310 = arith.constant 0 : index
      %swap3A_311 = vector.load %arg17[%swap3A_309, %swap3A_310] : memref<32x128xi32, #tpu.memory_space<vmem>>, vector<8x128xi32>
      tpu.vector_store %arg17[%swap3A_309, %swap3A_310], %slice3A_308 {strides = array<i32>} : memref<32x128xi32, #tpu.memory_space<vmem>>, vector<8x128xi32>,
      %slice3A_312 = vector.extract_strided_slice %concatenate3A_268 {offsets = [0, 384], sizes = [8, 128], strides = [1, 1]} : vector<8x512xi32> to vector<8x128xi32>
      %swap3A_313 = arith.constant 24 : index
      %swap3A_314 = arith.constant 0 : index
      %swap3A_315 = vector.load %arg18[%swap3A_313, %swap3A_314] : memref<32x128xi32, #tpu.memory_space<vmem>>, vector<8x128xi32>
      tpu.vector_store %arg18[%swap3A_313, %swap3A_314], %slice3A_312 {strides = array<i32>} : memref<32x128xi32, #tpu.memory_space<vmem>>, vector<8x128xi32>,
    } else {
    }
    return
  }
  func.func @transform_0(%arg0: i32) -> (i32, i32, i32) {
    %sub3A = arith.constant 0 : i32
    %sub3A_0 = arith.subi %arg0, %sub3A : i32
    %jit3A = arith.constant 0 : i32
    %jit3A_1 = arith.constant 31 : i32
    %max3A = arith.maxsi %jit3A, %sub3A_0 : i32
    %min3A = arith.minsi %jit3A_1, %max3A : i32
    %c0_i32 = arith.constant 0 : i32
    %c0_i32_2 = arith.constant 0 : i32
    %c0_i32_3 = arith.constant 0 : i32
    return %c0_i32, %min3A, %c0_i32_2 : i32, i32, i32
  }
  func.func @transform_1(%arg0: i32) -> (i32, i32, i32) {
    %sub3A = arith.constant 0 : i32
    %sub3A_0 = arith.subi %arg0, %sub3A : i32
    %jit3A = arith.constant 0 : i32
    %jit3A_1 = arith.constant 31 : i32
    %max3A = arith.maxsi %jit3A, %sub3A_0 : i32
    %min3A = arith.minsi %jit3A_1, %max3A : i32
    %c0_i32 = arith.constant 0 : i32
    %c0_i32_2 = arith.constant 0 : i32
    %c0_i32_3 = arith.constant 0 : i32
    return %c0_i32, %min3A, %c0_i32_2 : i32, i32, i32
  }
  func.func @transform_2(%arg0: i32) -> (i32, i32) {
    %sub3A = arith.constant 0 : i32
    %sub3A_0 = arith.subi %arg0, %sub3A : i32
    %jit3A = arith.constant 0 : i32
    %jit3A_1 = arith.constant 31 : i32
    %max3A = arith.maxsi %jit3A, %sub3A_0 : i32
    %min3A = arith.minsi %jit3A_1, %max3A : i32
    %c0_i32 = arith.constant 0 : i32
    %c0_i32_2 = arith.constant 0 : i32
    return %c0_i32, %min3A : i32, i32
  }
  func.func @transform_3(%arg0: i32) -> (i32, i32, i32) {
    %sub3A = arith.constant 32 : i32
    %sub3A_0 = arith.subi %arg0, %sub3A : i32
    %jit3A = arith.constant 0 : i32
    %jit3A_1 = arith.constant 7 : i32
    %max3A = arith.maxsi %jit3A, %sub3A_0 : i32
    %min3A = arith.minsi %jit3A_1, %max3A : i32
    %c0_i32 = arith.constant 0 : i32
    %c0_i32_2 = arith.constant 0 : i32
    %c0_i32_3 = arith.constant 0 : i32
    return %c0_i32, %min3A, %c0_i32_2 : i32, i32, i32
  }
  func.func @transform_4(%arg0: i32) -> (i32, i32, i32) {
    %sub3A = arith.constant 32 : i32
    %sub3A_0 = arith.subi %arg0, %sub3A : i32
    %jit3A = arith.constant 0 : i32
    %jit3A_1 = arith.constant 7 : i32
    %max3A = arith.maxsi %jit3A, %sub3A_0 : i32
    %min3A = arith.minsi %jit3A_1, %max3A : i32
    %c0_i32 = arith.constant 0 : i32
    %c0_i32_2 = arith.constant 0 : i32
    %c0_i32_3 = arith.constant 0 : i32
    return %c0_i32, %min3A, %c0_i32_2 : i32, i32, i32
  }
  func.func @transform_5(%arg0: i32) -> (i32, i32) {
    %sub3A = arith.constant 32 : i32
    %sub3A_0 = arith.subi %arg0, %sub3A : i32
    %jit3A = arith.constant 0 : i32
    %jit3A_1 = arith.constant 7 : i32
    %max3A = arith.maxsi %jit3A, %sub3A_0 : i32
    %min3A = arith.minsi %jit3A_1, %max3A : i32
    %c0_i32 = arith.constant 0 : i32
    %c0_i32_2 = arith.constant 0 : i32
    return %c0_i32, %min3A : i32, i32
  }
  func.func @transform_6(%arg0: i32) -> (i32, i32, i32) {
    %sub3A = arith.constant 40 : i32
    %sub3A_0 = arith.subi %arg0, %sub3A : i32
    %jit3A = arith.constant 0 : i32
    %jit3A_1 = arith.constant 1 : i32
    %max3A = arith.maxsi %jit3A, %sub3A_0 : i32
    %min3A = arith.minsi %jit3A_1, %max3A : i32
    %c0_i32 = arith.constant 0 : i32
    %c0_i32_2 = arith.constant 0 : i32
    %c0_i32_3 = arith.constant 0 : i32
    return %c0_i32, %min3A, %c0_i32_2 : i32, i32, i32
  }
  func.func @transform_7(%arg0: i32) -> (i32, i32, i32) {
    %sub3A = arith.constant 40 : i32
    %sub3A_0 = arith.subi %arg0, %sub3A : i32
    %jit3A = arith.constant 0 : i32
    %jit3A_1 = arith.constant 1 : i32
    %max3A = arith.maxsi %jit3A, %sub3A_0 : i32
    %min3A = arith.minsi %jit3A_1, %max3A : i32
    %c0_i32 = arith.constant 0 : i32
    %c0_i32_2 = arith.constant 0 : i32
    %c0_i32_3 = arith.constant 0 : i32
    return %c0_i32, %min3A, %c0_i32_2 : i32, i32, i32
  }
  func.func @transform_8(%arg0: i32) -> (i32, i32) {
    %sub3A = arith.constant 40 : i32
    %sub3A_0 = arith.subi %arg0, %sub3A : i32
    %jit3A = arith.constant 0 : i32
    %jit3A_1 = arith.constant 1 : i32
    %max3A = arith.maxsi %jit3A, %sub3A_0 : i32
    %min3A = arith.minsi %jit3A_1, %max3A : i32
    %c0_i32 = arith.constant 0 : i32
    %c0_i32_2 = arith.constant 0 : i32
    return %c0_i32, %min3A : i32, i32
  }
  func.func @transform_9(%arg0: i32) -> (i32, i32, i32) {
    %sub3A = arith.constant 42 : i32
    %sub3A_0 = arith.subi %arg0, %sub3A : i32
    %jit3A = arith.constant 0 : i32
    %jit3A_1 = arith.constant 0 : i32
    %max3A = arith.maxsi %jit3A, %sub3A_0 : i32
    %min3A = arith.minsi %jit3A_1, %max3A : i32
    %c0_i32 = arith.constant 0 : i32
    %c0_i32_2 = arith.constant 0 : i32
    %c0_i32_3 = arith.constant 0 : i32
    return %c0_i32, %min3A, %c0_i32_2 : i32, i32, i32
  }
  func.func @transform_10(%arg0: i32) -> (i32, i32, i32) {
    %sub3A = arith.constant 42 : i32
    %sub3A_0 = arith.subi %arg0, %sub3A : i32
    %jit3A = arith.constant 0 : i32
    %jit3A_1 = arith.constant 0 : i32
    %max3A = arith.maxsi %jit3A, %sub3A_0 : i32
    %min3A = arith.minsi %jit3A_1, %max3A : i32
    %c0_i32 = arith.constant 0 : i32
    %c0_i32_2 = arith.constant 0 : i32
    %c0_i32_3 = arith.constant 0 : i32
    return %c0_i32, %min3A, %c0_i32_2 : i32, i32, i32
  }
  func.func @transform_11(%arg0: i32) -> (i32, i32) {
    %sub3A = arith.constant 42 : i32
    %sub3A_0 = arith.subi %arg0, %sub3A : i32
    %jit3A = arith.constant 0 : i32
    %jit3A_1 = arith.constant 0 : i32
    %max3A = arith.maxsi %jit3A, %sub3A_0 : i32
    %min3A = arith.minsi %jit3A_1, %max3A : i32
    %c0_i32 = arith.constant 0 : i32
    %c0_i32_2 = arith.constant 0 : i32
    return %c0_i32, %min3A : i32, i32
  }
  func.func @transform_12(%arg0: i32) -> (i32, i32, i32) {
    %sub3A = arith.constant 42 : i32
    %sub3A_0 = arith.subi %arg0, %sub3A : i32
    %jit3A = arith.constant 0 : i32
    %jit3A_1 = arith.constant 0 : i32
    %max3A = arith.maxsi %jit3A, %sub3A_0 : i32
    %min3A = arith.minsi %jit3A_1, %max3A : i32
    %c0_i32 = arith.constant 0 : i32
    %c0_i32_2 = arith.constant 0 : i32
    %c0_i32_3 = arith.constant 0 : i32
    return %c0_i32, %min3A, %c0_i32_2 : i32, i32, i32
  }
  func.func @transform_13(%arg0: i32) -> (i32, i32, i32) {
    %sub3A = arith.constant 42 : i32
    %sub3A_0 = arith.subi %arg0, %sub3A : i32
    %jit3A = arith.constant 0 : i32
    %jit3A_1 = arith.constant 0 : i32
    %max3A = arith.maxsi %jit3A, %sub3A_0 : i32
    %min3A = arith.minsi %jit3A_1, %max3A : i32
    %c0_i32 = arith.constant 0 : i32
    %c0_i32_2 = arith.constant 0 : i32
    %c0_i32_3 = arith.constant 0 : i32
    return %c0_i32, %min3A, %c0_i32_2 : i32, i32, i32
  }
  func.func @transform_14(%arg0: i32) -> (i32, i32) {
    %sub3A = arith.constant 42 : i32
    %sub3A_0 = arith.subi %arg0, %sub3A : i32
    %jit3A = arith.constant 0 : i32
    %jit3A_1 = arith.constant 0 : i32
    %max3A = arith.maxsi %jit3A, %sub3A_0 : i32
    %min3A = arith.minsi %jit3A_1, %max3A : i32
    %c0_i32 = arith.constant 0 : i32
    %c0_i32_2 = arith.constant 0 : i32
    return %c0_i32, %min3A : i32, i32
  }
  func.func @transform_15(%arg0: i32) -> (i32, i32) {
    %c0_i32 = arith.constant 0 : i32
    %c0_i32_0 = arith.constant 0 : i32
    return %arg0, %c0_i32 : i32, i32
  }
  func.func @transform_16(%arg0: i32) -> (i32, i32) {
    %c0_i32 = arith.constant 0 : i32
    %c0_i32_0 = arith.constant 0 : i32
    return %arg0, %c0_i32 : i32, i32
  }
  func.func @transform_17(%arg0: i32) -> (i32, i32) {
    %c0_i32 = arith.constant 0 : i32
    %c0_i32_0 = arith.constant 0 : i32
    return %arg0, %c0_i32 : i32, i32
  }
}

</mosaic_0001>

<sc_bundles>
// kernel: kernel.4.cloned.1.call-start
scs
__scs_entry_jumppad:
0x0: {  	(pc) =	sbr.rel $0x88, $3  }
0x1: {  	(tag) =	ssettag $0x0;
	lr =	simm.s32 $0x1  }
0x2: {  	[smem:$0x3F92] =	sst lr;
	_ =	strace $0xD0000000  }
0x3: {  	_ = 	snop  }
0x4: {  	_ = 	snop  }
0x5: {  	_ = 	snop  }
0x6: {  	_ = 	snop  }
0x7: {  	_ = 	snop  }
__scs_overlays_trampoline_lowered:
0x8: {  	[smem:$0x3FA1] =	sst s0  }
0x9: {  	[smem:$0x3FA2] =	sst s1  }
0xa: {  	[smem:$0x3FA3] =	sst s2  }
0xb: {  	[smem:$0x3FA4] =	sst s3  }
0xc: {  	[smem:$0x3FA5] =	sst s4  }
0xd: {  	[smem:$0x3FA6] =	sst s5  }
0xe: {  	[smem:$0x3FA7] =	sst s6  }
0xf: {  	[smem:$0x3FA8] =	sst s7  }
0x10: {  	[smem:$0x3FA9] =	sst s8  }
0x11: {  	[smem:$0x3FAA] =	sst s9;
	s0 =	simm.s32 @!p0 $0x0  }
0x12: {  	s1 =	sld [smem:$0x3F90];
	s0 =	simm.s32 @p0 $0x1  }
0x13: {  	[smem:$0x3FAB] =	sst s0;
	s0 =	simm.s32 @!p1 $0x0  }
0x14: {  	s2 =	sld [smem:$0x3F8F];
	s0 =	simm.s32 @p1 $0x1  }
0x15: {  	[smem:$0x3FAC] =	sst s0;
	s0 =	simm.s32 @!p2 $0x0  }
0x16: {  	s3 =	sld [smem:$0x3FDB];
	s0 =	simm.s32 @p2 $0x1  }
0x17: {  	s4 =	simm.s32 $0x1BF5;
	[smem:$0x3FAE] =	sst s0  }
0x18: {  	s0 =	sld [smem:$0x3F91];
	_ =	swait.ge [sflag:s4], $0x0  }
0x19: {  	s7 =	sld [smem:$0x3F92]  }
0x1a: {  	s8 =	sadd.s32 $0xFFFFE003, lr  }
0x1b: {  	s9 =	sadd.s32 $0xFFFFFEF7, lr;
	s5 =	simm.s32 $0xFFFFFFFF;
	p2 =	slt.u32 s8, $0xFFFFF086  }
0x1c: {  	p1 =	slt.u32 s9, $0xF7A;
	s5 =	simm.s32 @!p2 $0x0  }
0x1d: {  	s5 =	simm.s32 @p1 $0x1;
	p0 =	seq.s32 s7, s2  }
0x1e: {  	s7 =	smul.u32 @!p0 $0xF7A, s2;
	p2 =	seq.s32 @!p0 s5, $0x0  }
0x1f: {  	s9 =	smul.u32 $0xF7A, s1;
	s8 =	simm.s32 @!p0 $0x1BF5;
	p2 =	por !p2, p0  }
0x20: {  	[sflag:s8] =	ssyncset.s32 @!p0 $0xFFFFF086;
	s6 =	sadd.s32 @!p0 s3, s7;
	s7 =	simm.s32 @!p0 $0x108  }
0x21: {  	s3 =	sadd.s32 s3, s9;
	s6 =	sadd.s32 @!p0 $0x88, s6;
	s7 =	simm.s32 @p2 $0x1082  }
0x22: {  	[simem:s7], [sflag:s8] =	dma.local @!p0 [hbm:s6], $0xF7A  }
0x23: {  	s9 =	sor.u32 $0xD0000000, s2;
	s6 =	simm.s32 $0x108;
	_ =	swait.ge @!p0 [sflag:s8], $0x0  }
0x24: {  	s3 =	sadd.s32 $0x88, s3;
	s6 =	simm.s32 @!p1 $0x1082;
	[sflag:s4] =	ssyncset.s32 $0xFFFFF086  }
0x25: {  	[simem:s6], [sflag:s4] =	dma.local [hbm:s3], $0xF7A  }
0x26: {  	[smem:$0x3F92] =	sst s1;
	(tag) =	ssettag s2;
	_ =	strace s9  }
0x27: {  	s1 =	sld [smem:$0x3FA2]  }
0x28: {  	s2 =	sld [smem:$0x3FA3]  }
0x29: {  	s4 =	sld [smem:$0x3FA5]  }
0x2a: {  	p0 =	seq.s32 s5, $0x0;
	s5 =	sld [smem:$0x3FA6]  }
0x2b: {  	s6 =	sld [smem:$0x3FA7]  }
0x2c: {  	s7 =	sld [smem:$0x3FA8]  }
0x2d: {  	s3 =	simm.s32 $0x108;
	s8 =	sld [smem:$0x3FA9]  }
0x2e: {  	s3 =	simm.s32 @!p0 $0x1082;
	s9 =	sld [smem:$0x3FAA]  }
0x2f: {  	lr =	sadd.s32 s0, s3;
	s0 =	sld [smem:$0x3FA1]  }
0x30: {  	s3 =	sld [smem:$0x3FA4]  }
0x31: {  	[smem:$0x3FAD] =	sst s10  }
0x32: {  	s10 =	sld [smem:$0x3FAB];
	_ =	sdelay $0x3  }
0x33: {  	p0 =	seq.s32 s10, $0x1;
	s10 =	sld [smem:$0x3FAD];
	_ =	sdelay $0x3  }
0x34: {  	[smem:$0x3FAD] =	sst s10  }
0x35: {  	s10 =	sld [smem:$0x3FAC];
	_ =	sdelay $0x3  }
0x36: {  	p1 =	seq.s32 s10, $0x1;
	s10 =	sld [smem:$0x3FAD];
	_ =	sdelay $0x3  }
0x37: {  	[smem:$0x3FAD] =	sst s10  }
0x38: {  	s10 =	sld [smem:$0x3FAE]  }
0x39: {  	_ = 	snop;
	(pc) =	sbr.ind lr, $3  }
0x3a: {  	_ = 	snop  }
0x3b: {  	_ = 	snop  }
0x3c: {  	p2 =	seq.s32 s10, $0x1;
	s10 =	sld [smem:$0x3FAD]  }
0x3d: {  	_ =	shalt  }
0x3e: {  	_ =	shalt  }
0x3f: {  	_ =	shalt  }
0x40: {  	_ =	shalt  }
0x41: {  	_ =	shalt  }
0x42: {  	_ =	shalt  }
0x43: {  	_ =	shalt  }
0x44: {  	_ =	shalt  }
0x45: {  	_ =	shalt  }
0x46: {  	_ =	shalt  }
0x47: {  	_ =	shalt  }
0x48: {  	_ =	shalt  }
0x49: {  	_ =	shalt  }
0x4a: {  	_ =	shalt  }
0x4b: {  	_ =	shalt  }
0x4c: {  	_ =	shalt  }
0x4d: {  	_ =	shalt  }
0x4e: {  	_ =	shalt  }
0x4f: {  	_ =	shalt  }
0x50: {  	_ =	shalt  }
0x51: {  	_ =	shalt  }
0x52: {  	_ =	shalt  }
0x53: {  	_ =	shalt  }
0x54: {  	_ =	shalt  }
0x55: {  	_ =	shalt  }
0x56: {  	_ =	shalt  }
0x57: {  	_ =	shalt  }
0x58: {  	_ =	shalt  }
0x59: {  	_ =	shalt  }
0x5a: {  	_ =	shalt  }
0x5b: {  	_ =	shalt  }
0x5c: {  	_ =	shalt  }
0x5d: {  	_ =	shalt  }
0x5e: {  	_ =	shalt  }
0x5f: {  	_ =	shalt  }
0x60: {  	_ =	shalt  }
0x61: {  	_ =	shalt  }
0x62: {  	_ =	shalt  }
0x63: {  	_ =	shalt  }
0x64: {  	_ =	shalt  }
0x65: {  	_ =	shalt  }
0x66: {  	_ =	shalt  }
0x67: {  	_ =	shalt  }
0x68: {  	_ =	shalt  }
0x69: {  	_ =	shalt  }
0x6a: {  	_ =	shalt  }
0x6b: {  	_ =	shalt  }
0x6c: {  	_ =	shalt  }
0x6d: {  	_ =	shalt  }
0x6e: {  	_ =	shalt  }
0x6f: {  	_ =	shalt  }
0x70: {  	_ =	shalt  }
0x71: {  	_ =	shalt  }
0x72: {  	_ =	shalt  }
0x73: {  	_ =	shalt  }
0x74: {  	_ =	shalt  }
0x75: {  	_ =	shalt  }
0x76: {  	_ =	shalt  }
0x77: {  	_ =	shalt  }
0x78: {  	_ =	shalt  }
0x79: {  	_ =	shalt  }
0x7a: {  	_ =	shalt  }
0x7b: {  	_ =	shalt  }
0x7c: {  	_ =	shalt  }
0x7d: {  	_ =	shalt  }
0x7e: {  	_ =	shalt  }
0x7f: {  	_ =	shalt  }
0x80: {  	_ =	shalt  }
0x81: {  	_ =	shalt  }
0x82: {  	_ =	shalt  }
0x83: {  	_ =	shalt  }
0x84: {  	_ =	shalt  }
0x85: {  	_ =	shalt  }
0x86: {  	_ =	shalt  }
0x87: {  	_ =	shalt  }
.Lfunc_end0:
.L_simem_size_0:
called_computation_lowered:
.L_overlay_start_0:
0x88: {  	s2 =	sld [smem:$0x3FD9]  }
0x89: {  	s3 =	sld [smem:$0x3FFE];
	_ =	sdelay $0x1  }
0x8a: {  	s1 =	srdreg.scid  }
0x8b: {  	s0 =	sand.u32 $0x1, s1  }
0x8c: {  	s14 =	sshll.u32 s0, $0xA;
	s2 =	sadd.s32 s3, s2  }
0x8d: {  	s2 =	sadd.s32 s2, s14  }
0x8e: {  	[smem:$0x3FB9] =	sst s2  }
0x8f: {  	_ = 	snop  }
0x90: {  	s2 =	sld [smem:$0x3FD0];
	_ =	sdelay $0x2  }
0x91: {  	s15 =	simm.s32 $0xA;
	s4 =	simm.s32 $0x10  }
0x92: {  	[smem:s4], [sflag:s15] =	dma.local [hbm:s2], $0x1  }
0x93: {  	_ =	swait.eq [sflag:s15], $0x1  }
0x94: {  	s16 =	sld [smem:$0x10];
	[sflag:s15] =	ssyncset.done $0x0  }
0x95: {  	s17 =	sld [smem:$0x11];
	[sflag:s15] =	ssyncadd.s32 $0xFFFFFFFF  }
0x96: {  	s18 =	sld [smem:$0x12];
	(tm) =	ssettm $0x1  }
0x97: {  	s5 =	sld [smem:$0x3FFB];
	_ =	sdelay $0x3  }
0x98: {  	_ =	strace s5  }
0x99: {  	s5 =	sld [smem:$0x3FFC];
	_ =	sdelay $0x3  }
0x9a: {  	_ =	strace s5  }
0x9b: {  	s5 =	sld [smem:$0x3FFD];
	_ =	sdelay $0x3  }
0x9c: {  	_ =	strace s5  }
0x9d: {  	_ =	strace $0x8FFFFFFF  }
0x9e: {  	s19 =	sld [smem:$0x3FDB];
	_ =	sdelay $0x1  }
0x9f: {  	s6 =	simm.s32 $_scs_section_size  }
0xa0: {  	s7 =	simm.s32 $_size__tile_overlayer_lowered;
	s8 =	simm.s32 $_tile_overlayer_lowered  }
0xa1: {  	s22 =	simm.s32 $0x1BFF;
	s21 =	sshll.u32 s8, $0x1;
	s5 =	sadd.s32 s6, s19  }
0xa2: {  	s9 =	simm.s32 $0x0;
	s20 =	sshll.u32 s7, $0x1;
	s7 =	sadd.s32 s21, s5  }
0xa3: {  	[timem:s9], [sflag:s22] =	dma.local [hbm:s7], s20  }
0xa4: {  	_ =	swait.ge [sflag:s22], s20  }
0xa5: {  	s6 =	ssub.s32 $0x0, s20;
	[sflag:s22] =	ssyncset.done $0x0  }
0xa6: {  	[sflag:s22] =	ssyncadd.s32 s6;
	_ =	sdelay $0x1  }
0xa7: {  	s23 =	simm.s32 $0x1B8B  }
0xa8: {  	_ =	swait.ge [sflag:s23], $0x1  }
0xa9: {  	[sflag:s23] =	ssyncset.done $0x0  }
0xaa: {  	s25 =	simm.s32 $0x1B8E;
	s24 =	sld [smem:$0x3FFE];
	[sflag:s23] =	ssyncadd.s32 $0xFFFFFFFF  }
0xab: {  	s26 =	simm.s32 $execute0_lowered;
	[smem:$0x3FD2] =	sst s25  }
0xac: {  	s7 =	sshll.u32 s26, $0x1;
	_ =	strace $0x80000046;
	[dreg:$0x1] =	wrdreg $0xFFFFFFFF  }
0xad: {  	s28 =	simm.s32 $_size_execute0_lowered;
	s5 =	sadd.s32 s5, s7;
	[dreg:$0x0] =	wrdreg $0x0  }
0xae: {  	s7 =	sshll.u32 s28, $0x1;
	[dreg:$0x2] =	wrdreg s5  }
0xaf: {  	[dreg:$0x3] =	wrdreg s7  }
0xb0: {  	[dreg:$0x4] =	wrdreg $0xC0  }
0xb1: {  	_ =	task [dreg:s9], $0x5FFFF  }
0xb2: {  	[dreg:$0x1] =	wrdreg $0xFFFFFFFF  }
0xb3: {  	[dreg:$0x0] =	wrdreg $0x60  }
0xb4: {  	[dreg:$0x2] =	wrdreg s24  }
0xb5: {  	[dreg:$0x3] =	wrdreg s16  }
0xb6: {  	[dreg:$0x4] =	wrdreg s17  }
0xb7: {  	[dreg:$0x5] =	wrdreg s18  }
0xb8: {  	[dreg:$0x6] =	wrdreg $0x9  }
0xb9: {  	_ =	task.clear_ibuf [dreg:s9], $0x7FFFF;
	_ =	strace $0x90000046  }
0xba: {  	s29 =	simm.s32 $0x9;
	_ =	strace $0x80000048  }
0xbb: {  	_ =	swait.ge [sflag:s29], $0x1  }
0xbc: {  	[sflag:s29] =	ssyncadd.s32 $0xFFFFFFFF  }
0xbd: {  	_ =	strace $0x90000048  }
0xbe: {  	_ =	sfence  }
0xbf: {  	s30 =	sld [smem:$0x0];
	_ =	sdelay $0x2  }
0xc0: {  	s31 =	sshll.u32 s1, $0xD;
	s1 =	sshrl.u32 s1, $0x2  }
0xc1: {  	s3 =	sand.u32 $0x4000, s31;
	s1 =	sadd.s32 s1, s30  }
0xc2: {  	s0 =	sor.u32 s3, s0;
	s1 =	sshll.u32 s1, $0x11  }
0xc3: {  	s0 =	sor.u32 s1, s0  }
0xc4: {  	s0 =	sadd.s32 $0x8F2B, s0  }
0xc5: {  	[sflag:s0] =	ssyncadd.remote.s32 $0x1  }
0xc6: {  	_ =	sfence.sel $0xFFFF  }
0xc7: {  	[dreg:$0x0] =	wrdreg $0xFFFFFFFF;
	(pc) =	sbr.abs _section_cstart, $3  }
0xc8: {  	[dreg:$0x1] =	wrdreg $0xFFFFFFFF  }
0xc9: {  	_ =	task.clear_ibuf [dreg:s9], $0x2FFFF;
	_ =	strace $0x9FFFFFFF  }
0xca: {  	(tm) =	ssettm $0x7FFFFFFF  }
0xcb: {  	_ =	shalt  }
tec
execute0_lowered:
.L_overlay_start_1:
0x0: {  	(tag) =	ssettag $0x1  }
0x1: {  	s2 =	stileid.u32  }
0x2: {  	p0 =	sgt.u32 s2, $0x3  }
.Ltmp0:
0x3: {  	s5 =	rddreg [dreg:$0x0];
	(pc) =	sbr.rel @p0 .LBB2_7-.Ltmp0, $4  }
0x4: {  	s1 =	rddreg [dreg:$0x1]  }
0x5: {  	s9 =	rddreg [dreg:$0x2];
	s3 =	simm.s32 $0x0  }
0x6: {  	[smem:$0x7FF] =	sst s3  }
0x7: {  	s0 =	rddreg [dreg:$0x3];
	_ =	strace $0x80000047  }
0x8: {  	v0 =	vlaneseq.u32;
	vm0 =	vmmov $0xfff  }
0x9: {  	v24 =	vimm.s32 $0x0;
	v25 =	vimm.f32 $0.0e+00;
	v9 =	vmul.u32 $0x8, v0  }
0xa: {  	s3 =	srdreg.scid;
	s2 =	stileid.u32;
	v13 =	vor.u32 $0x80000000, v0;
	v15 =	vor.u32 $0x80000020, v0;
	v16 =	vor.u32 $0x80000030, v0  }
0xb: {  	s6 =	sand.u32 $0x1, s3;
	s29 =	sshll.u32 s2, $0x1;
	v17 =	vor.u32 $0x80000040, v0;
	v18 =	vor.u32 $0x80000050, v0;
	v19 =	vor.u32 $0x80000060, v0  }
0xc: {  	v20 =	vor.u32 $0x80000070, v0;
	v21 =	vor.u32 $0x80000080, v0;
	v22 =	vor.u32 $0x80000090, v0;
	s11 =	sor.u32 s6, s29  }
0xd: {  	v2 =	vor.u32 $0x80, v9;
	v1 =	vor.u32 s11, v9;
	v3 =	vor.u32 $0x100, v9  }
0xe: {  	v4 =	vor.u32 $0x180, v9;
	v5 =	vor.u32 $0x200, v9;
	v6 =	vor.u32 $0x280, v9  }
0xf: {  	s4 =	sadd.s32 $0x5800, s5;
	s7 =	simm.s32 $0x2C;
	v7 =	vor.u32 $0x300, v9;
	v8 =	vor.u32 $0x380, v9;
	v10 =	vor.u32 $0x400, v9  }
0x10: {  	s8 =	simm.s32 $0x10880;
	s10 =	simm.s32 $0x5800;
	s12 =	simm.s32 $0xB000;
	v11 =	vor.u32 $0x480, v9;
	v12 =	vor.u32 $0x500, v9;
	v2 =	vor.u32 s11, v2  }
0x11: {  	s17 =	simm.s32 $0x80;
	s19 =	simm.s32 $0x1;
	s20 =	simm.s32 $0x10900;
	v3 =	vor.u32 s11, v3;
	v4 =	vor.u32 s11, v4;
	v5 =	vor.u32 s11, v5  }
0x12: {  	s22 =	simm.s32 $0x2;
	s26 =	simm.s32 $0x0;
	s3 =	sadd.s32 $0x200, s5;
	v6 =	vor.u32 s11, v6;
	v7 =	vor.u32 s11, v7;
	v8 =	vor.u32 s11, v8  }
0x13: {  	s5 =	sadd.s32 $0xAE00, s5;
	s15 =	ssub.s32 $0x2, s6;
	v9 =	vor.u32 s11, v10;
	v10 =	vor.u32 s11, v11;
	v11 =	vor.u32 s11, v12;
	s11 =	sshll.u32 s11, $0x4  }
0x14: {  	v14 =	vor.u32 $0x80000010, v0;
	v23 =	vor.u32 $0x800000A0, v0;
	v26 =	vor.u32 $0x10, v0;
	s6 =	simm.s32 $0x10800;
	s16 =	sshrl.u32 s15, $0x1;
	s1 =	sadd.s32 s1, s11  }
0x15: {  	v27 =	vor.u32 $0x20, v0;
	v28 =	vor.u32 $0x30, v0;
	v29 =	vor.u32 $0x40, v0;
	s31 =	ssub.s32 s15, s16;
	s30 =	sadd.s32 s9, s11;
	[dreg:$0x5] =	wrdreg s1  }
0x16: {  	v30 =	vor.u32 $0x50, v0;
	v31 =	vor.u32 $0x60, v0;
	v12 =	vimm.f32 $-1.000000000e+00;
	s15 =	sadd.s32 s0, s11;
	s16 =	smax.u32 s31, $0x1;
	[dreg:$0x6] =	wrdreg s30  }
.LBB2_2:
0x17: {  	[tilespmem:$0x10800] =	vst v1  }
0x18: {  	[tilespmem:$0x10810] =	vst v2  }
0x19: {  	[tilespmem:$0x10820] =	vst v3  }
0x1a: {  	[tilespmem:$0x10830] =	vst v4  }
0x1b: {  	[tilespmem:$0x10840] =	vst v5  }
0x1c: {  	[tilespmem:$0x10850] =	vst v6  }
0x1d: {  	[tilespmem:$0x10860] =	vst v7  }
0x1e: {  	[tilespmem:$0x10870] =	vst v8  }
0x1f: {  	[tilespmem:$0x10880] =	vst v9  }
0x20: {  	[tilespmem:$0x10890] =	vst v10  }
0x21: {  	[tilespmem:$0x108A0] =	vst v11;
	s0 =	simm.s32 $0x0  }
0x22: {  	[tilespmem:s0], [sflag:$0x1] =	stream.indirect.gather [hbm4b:s3+s17], $0x80, s6, s17, $0xb8;
	[tilespmem:$0x10F80] =	vst v63  }
0x23: {  	s1 =	simm.s32 $0x4000  }
0x24: {  	[tilespmem:s1], [sflag:$0x1] =	stream.indirect.gather [hbm4b:s3+s7], $0x80, s8, s7, $0xb8;
	[tilespmem:$0x10F80] =	vst v63  }
0x25: {  	_ = 	snop  }
0x26: {  	[tilespmem:s10], [sflag:$0x1] =	stream.indirect.gather [hbm4b:s4+s17], $0x80, s6, s17, $0xb8;
	[tilespmem:$0x10F80] =	vst v63  }
0x27: {  	s30 =	simm.s32 $0x9800  }
0x28: {  	[tilespmem:s30], [sflag:$0x1] =	stream.indirect.gather [hbm4b:s4+s7], $0x80, s8, s7, $0xb8;
	[tilespmem:$0x10F80] =	vst v63  }
0x29: {  	_ = 	snop  }
0x2a: {  	[tilespmem:s12], [sflag:$0x1] =	stream.indirect.gather [hbm4b:s5+s17], $0x80, s6, s17, $0xb8;
	[tilespmem:$0x10F80] =	vst v63  }
0x2b: {  	s31 =	simm.s32 $0xF000  }
0x2c: {  	[tilespmem:s31], [sflag:$0x1] =	stream.indirect.gather [hbm4b:s5+s7], $0x80, s8, s7, $0xb8;
	[tilespmem:$0x10F80] =	vst v63  }
0x2d: {  	_ =	swait.ge [sflag:s19], $0x4000  }
0x2e: {  	[sflag:s19] =	ssyncset.done $0x0  }
0x2f: {  	[sflag:s19] =	ssyncadd.s32 $0xFFFFC000  }
0x30: {  	_ =	swait.ge [sflag:s19], $0x1600  }
0x31: {  	[sflag:s19] =	ssyncset.done $0x0  }
0x32: {  	[sflag:s19] =	ssyncadd.s32 $0xFFFFEA00  }
0x33: {  	_ =	swait.ge [sflag:s19], $0x4000  }
0x34: {  	[sflag:s19] =	ssyncset.done $0x0  }
0x35: {  	[sflag:s19] =	ssyncadd.s32 $0xFFFFC000  }
0x36: {  	_ =	swait.ge [sflag:s19], $0x1600  }
0x37: {  	[sflag:s19] =	ssyncset.done $0x0  }
0x38: {  	[sflag:s19] =	ssyncadd.s32 $0xFFFFEA00  }
0x39: {  	_ =	swait.ge [sflag:s19], $0x4000  }
0x3a: {  	[sflag:s19] =	ssyncset.done $0x0  }
0x3b: {  	[sflag:s19] =	ssyncadd.s32 $0xFFFFC000  }
0x3c: {  	_ =	swait.ge [sflag:s19], $0x1600  }
0x3d: {  	[sflag:s19] =	ssyncset.done $0x0  }
0x3e: {  	s1 =	simm.s32 $0x40;
	[sflag:s19] =	ssyncadd.s32 $0xFFFFEA00  }
0x3f: {  	v32 =	vld [tilespmem:s1+$0xFFFFFFD0]  }
0x40: {  	s9 =	simm.s32 $0x1;
	v33 =	vld [tilespmem:s1+$0xFFFFFFC0]  }
.LBB2_3:
0x41: {  	p0 =	sne.s32 s9, $0xAB;
	v34 =	vld [tilespmem:s1+$0xFFFFFFE0]  }
0x42: {  	v35 =	vld [tilespmem:s1+$0xFFFFFFF0]  }
0x43: {  	v36 =	vld [tilespmem:s1+$0x0]  }
0x44: {  	v37 =	vld [tilespmem:s1+$0x10]  }
0x45: {  	v32 =	vmax.f32 v33, v32;
	v33 =	vld [tilespmem:s1+$0x20]  }
0x46: {  	v32 =	vmax.f32 v32, v34;
	v34 =	vld [tilespmem:s1+$0x30]  }
0x47: {  	v32 =	vmax.f32 v32, v35  }
0x48: {  	v32 =	vmax.f32 v32, v36  }
0x49: {  	v32 =	vmax.f32 v32, v37  }
0x4a: {  	v32 =	vmax.f32 v32, v33  }
0x4b: {  	v32 =	vmax.f32 v32, v34  }
0x4c: {  	(xrf0) =	vmax.scan.msk.f32 $0xffff, v32;
	_ =	sdelay $0x3  }
0x4d: {  	v32 =	vmov s0;
	s0 =	smov.u32 s9;
	_ =	sdelay $0x1  }
0x4e: {  	v33, _, _ =	vpop (xrf0)  }
.Ltmp1:
0x4f: {  	v33 =	vbroadcast v33, $0xF;
	(pc) =	sbr.rel @p0 .LBB2_3-.Ltmp1, $4  }
0x50: {  	_ = 	snop  }
0x51: {  	s1 =	sadd.s32 $0x80, s1;
	[tilespmem:v32+s20+$0x0] =	vst.idx.msk $0x1, v33  }
0x52: {  	v32 =	vld [tilespmem:s1+$0xFFFFFFD0]  }
0x53: {  	s9 =	sadd.s32 $0x1, s9;
	v33 =	vld [tilespmem:s1+$0xFFFFFFC0]  }
0x54: {  	v34 =	vld [tilespmem:s1+$0xFFFFFFE0]  }
0x55: {  	v35 =	vld [tilespmem:s1+$0xFFFFFFF0]  }
0x56: {  	v36 =	vld [tilespmem:s1+$0x0]  }
0x57: {  	v37 =	vld [tilespmem:s1+$0x10]  }
0x58: {  	v60 =	vld [tilespmem:s1+$0x20];
	v32 =	vmax.f32 v33, v32  }
0x59: {  	v61 =	vld [tilespmem:s1+$0x30];
	v32 =	vmax.f32 v32, v34  }
0x5a: {  	v32 =	vmax.f32 v32, v35  }
0x5b: {  	v32 =	vmax.f32 v32, v36  }
0x5c: {  	v32 =	vmax.f32 v32, v37  }
0x5d: {  	v32 =	vmax.f32 v32, v60  }
0x5e: {  	v32 =	vmax.f32 v32, v61  }
0x5f: {  	(xrf0) =	vmax.scan.msk.f32 $0xffff, v32;
	_ =	sdelay $0x3  }
0x60: {  	v62 =	vmov s0;
	_ =	sdelay $0x1  }
0x61: {  	v63, _, _ =	vpop (xrf0)  }
0x62: {  	v33 =	vbroadcast v63, $0xF;
	_ =	sdelay $0x1  }
0x63: {  	[tilespmem:v62+s20+$0x0] =	vst.idx.msk $0x1, v33  }
0x64: {  	[tilespmem:$0x10C80] =	vst v12  }
0x65: {  	[tilespmem:$0x10D00] =	vst v12  }
0x66: {  	[tilespmem:$0x10C90] =	vst v12  }
0x67: {  	[tilespmem:$0x10D10] =	vst v12  }
0x68: {  	[tilespmem:$0x10CA0] =	vst v12  }
0x69: {  	[tilespmem:$0x10D20] =	vst v12  }
0x6a: {  	[tilespmem:$0x10CB0] =	vst v12  }
0x6b: {  	[tilespmem:$0x10D30] =	vst v12  }
0x6c: {  	[tilespmem:$0x10CC0] =	vst v12  }
0x6d: {  	[tilespmem:$0x10D40] =	vst v12  }
0x6e: {  	[tilespmem:$0x10CD0] =	vst v12  }
0x6f: {  	[tilespmem:$0x10D50] =	vst v12  }
0x70: {  	[tilespmem:$0x10CE0] =	vst v12  }
0x71: {  	[tilespmem:$0x10D60] =	vst v12  }
0x72: {  	[tilespmem:$0x10D80] =	vst v12  }
0x73: {  	[tilespmem:$0x10D90] =	vst v12  }
0x74: {  	[tilespmem:$0x10DA0] =	vst v12  }
0x75: {  	[tilespmem:$0x10DB0] =	vst v12  }
0x76: {  	[tilespmem:$0x10DC0] =	vst v12  }
0x77: {  	[tilespmem:$0x10DD0] =	vst v12  }
0x78: {  	[tilespmem:$0x10DE0] =	vst v12  }
0x79: {  	[tilespmem:$0x10DF0] =	vst v12  }
0x7a: {  	[tilespmem:$0x10E00] =	vst v12  }
0x7b: {  	[tilespmem:$0x10E10] =	vst v12  }
0x7c: {  	[tilespmem:$0x10E20] =	vst v12  }
0x7d: {  	[tilespmem:$0x10E30] =	vst v12  }
0x7e: {  	[tilespmem:$0x10E40] =	vst v12  }
0x7f: {  	[tilespmem:$0x10E50] =	vst v12  }
0x80: {  	[tilespmem:$0x10E60] =	vst v12  }
0x81: {  	[tilespmem:$0x10E70] =	vst v12  }
0x82: {  	[tilespmem:$0x10E80] =	vst v12  }
0x83: {  	[tilespmem:$0x10E90] =	vst v12  }
0x84: {  	[tilespmem:$0x10EA0] =	vst v12  }
0x85: {  	[tilespmem:$0x10EB0] =	vst v12  }
0x86: {  	[tilespmem:$0x10EC0] =	vst v12  }
0x87: {  	[tilespmem:$0x10ED0] =	vst v12  }
0x88: {  	v32 =	vld [tilespmem:$0x109A0];
	[tilespmem:$0x10EE0] =	vst v12  }
0x89: {  	[tilespmem:$0x10EF0] =	vst v12  }
0x8a: {  	[tilespmem:$0x10F00] =	vst v12  }
0x8b: {  	[tilespmem:$0x10F10] =	vst v12  }
0x8c: {  	s28 =	simm.s32 $0x0;
	[tilespmem:$0x10F20] =	vst v12  }
0x8d: {  	s29 =	simm.s32 $0x0;
	s30 =	simm.s32 $0x0;
	s31 =	simm.s32 $0x0;
	[tilespmem:$0x10F30] =	vst v12;
	v32 =	vnsel vm0, $0xFF800000, v32  }
0x8e: {  	s0 =	simm.s32 $0x0;
	s1 =	simm.s32 $0x0;
	s9 =	simm.s32 $0x0;
	[tilespmem:$0x109A0] =	vst v32  }
.LBB2_5:
0x8f: {  	v32 =	vld [tilespmem:$0x10900];
	_ =	sdelay $0x2  }
0x90: {  	v33 =	vld [tilespmem:$0x10910];
	_ =	sdelay $0x1  }
0x91: {  	v34 =	vld [tilespmem:$0x10920];
	vm1 =	vlt.f32 v32, $-Inf;
	vm2 =	vgt.f32 v32, $-Inf  }
0x92: {  	vm1 =	vmor vm2, vm1  }
0x93: {  	v35 =	vld [tilespmem:$0x10930];
	v32 =	vnsel vm1, $0xFF800000, v32  }
0x94: {  	vm2 =	vgt.f32 v33, v32  }
0x95: {  	v63 =	vld [tilespmem:$0x10940];
	v32 =	vsel vm2, v33, v32  }
0x96: {  	vm3 =	vgt.f32 v34, v32  }
0x97: {  	v36 =	vld [tilespmem:$0x10950];
	v32 =	vsel vm3, v34, v32  }
0x98: {  	vm4 =	vgt.f32 v35, v32  }
0x99: {  	v37 =	vld [tilespmem:$0x10960];
	v32 =	vsel vm4, v35, v32  }
0x9a: {  	vm5 =	vgt.f32 v63, v32  }
0x9b: {  	v38 =	vld [tilespmem:$0x10970];
	v32 =	vsel vm5, v63, v32  }
0x9c: {  	vm6 =	vgt.f32 v36, v32  }
0x9d: {  	v39 =	vld [tilespmem:$0x10980];
	v32 =	vsel vm6, v36, v32  }
0x9e: {  	vm7 =	vgt.f32 v37, v32  }
0x9f: {  	v40 =	vld [tilespmem:$0x10990];
	v32 =	vsel vm7, v37, v32  }
0xa0: {  	vm8 =	vgt.f32 v38, v32  }
0xa1: {  	v41 =	vld [tilespmem:$0x109A0];
	v32 =	vsel vm8, v38, v32  }
0xa2: {  	vm9 =	vgt.f32 v39, v32  }
0xa3: {  	v32 =	vsel vm9, v39, v32  }
0xa4: {  	vm10 =	vgt.f32 v40, v32  }
0xa5: {  	v32 =	vsel vm10, v40, v32  }
0xa6: {  	vm11 =	vgt.f32 v41, v32  }
0xa7: {  	v42 =	vnsel vm1, $0x80000000, v13;
	v32 =	vsel vm11, v41, v32  }
0xa8: {  	v33 =	vsel vm2, v14, v42;
	(xrf0) =	vmax.scan.msk.f32 $0xffff, v32  }
0xa9: {  	v33 =	vsel vm3, v15, v33  }
0xaa: {  	v33 =	vsel vm4, v16, v33  }
0xab: {  	v33 =	vsel vm5, v17, v33  }
0xac: {  	v33 =	vsel vm6, v18, v33  }
0xad: {  	v33 =	vsel vm7, v19, v33  }
0xae: {  	v33 =	vsel vm8, v20, v33;
	v43, _, _ =	vpop (xrf0)  }
0xaf: {  	v33 =	vsel vm9, v21, v33;
	v34 =	vbroadcast v43, $0xF  }
0xb0: {  	v33 =	vsel vm10, v22, v33  }
0xb1: {  	v44 =	vsel vm11, v23, v33;
	vm1 =	veq.f32 v32, v34  }
0xb2: {  	v32 =	vnsel vm1, $0x800000B0, v44  }
0xb3: {  	(xrf0) =	vmin.scan.msk.u32 $0xffff, v32;
	_ =	sdelay $0x5  }
0xb4: {  	v32, _, _ =	vpop (xrf0)  }
0xb5: {  	(v2sf) =	vpush v32, $0xF;
	_ =	sdelay $0xe  }
0xb6: {  	s18 =	spop (v2sf)  }
0xb7: {  	s11 =	sshll.u32 s18, $0x7  }
0xb8: {  	v45 =	vld [tilespmem:s11+$0x0];
	_ =	sdelay $0x2  }
0xb9: {  	v46 =	vld [tilespmem:s11+$0x10];
	_ =	sdelay $0x1  }
0xba: {  	v47 =	vld [tilespmem:s11+$0x20];
	vm1 =	vlt.f32 v45, $-Inf;
	vm2 =	vgt.f32 v45, $-Inf  }
0xbb: {  	vm1 =	vmor vm2, vm1  }
0xbc: {  	v48 =	vld [tilespmem:s11+$0x30];
	v32 =	vnsel vm1, $0xFF800000, v45  }
0xbd: {  	vm2 =	vgt.f32 v46, v32  }
0xbe: {  	v49 =	vld [tilespmem:s11+$0x40];
	v32 =	vsel vm2, v46, v32  }
0xbf: {  	vm3 =	vgt.f32 v47, v32  }
0xc0: {  	v50 =	vld [tilespmem:s11+$0x50];
	v32 =	vsel vm3, v47, v32  }
0xc1: {  	vm4 =	vgt.f32 v48, v32  }
0xc2: {  	v51 =	vld [tilespmem:s11+$0x60];
	v32 =	vsel vm4, v48, v32  }
0xc3: {  	vm12 =	vgt.f32 v49, v32  }
0xc4: {  	v52 =	vld [tilespmem:s11+$0x70];
	v32 =	vsel vm12, v49, v32  }
0xc5: {  	vm13 =	vgt.f32 v50, v32  }
0xc6: {  	v32 =	vsel vm13, v50, v32  }
0xc7: {  	vm14 =	vgt.f32 v51, v32  }
0xc8: {  	v32 =	vsel vm14, v51, v32  }
0xc9: {  	vm15 =	vgt.f32 v52, v32  }
0xca: {  	v41 =	vsel vm15, v52, v32  }
0xcb: {  	(xrf0) =	vmax.scan.msk.f32 $0xffff, v41;
	_ =	sdelay $0x1  }
0xcc: {  	v53 =	vnsel vm1, $0x80000000, v13  }
0xcd: {  	v32 =	vsel vm2, v14, v53  }
0xce: {  	v32 =	vsel vm3, v15, v32  }
0xcf: {  	v32 =	vsel vm4, v16, v32  }
0xd0: {  	v55 =	vsel vm12, v17, v32;
	v54, _, _ =	vpop (xrf0)  }
0xd1: {  	v56 =	vsel vm13, v18, v55;
	v32 =	vbroadcast v54, $0xF  }
0xd2: {  	v33 =	vsel vm14, v19, v56  }
0xd3: {  	v33 =	vsel vm15, v20, v33;
	vm1 =	veq.f32 v41, v32  }
0xd4: {  	v33 =	vnsel vm1, $0x80000080, v33  }
0xd5: {  	(xrf0) =	vmin.scan.msk.u32 $0xffff, v33;
	_ =	sdelay $0x5  }
0xd6: {  	v33, _, _ =	vpop (xrf0)  }
0xd7: {  	(v2sf) =	vpush v33, $0xF;
	_ =	sdelay $0xe  }
0xd8: {  	s21 =	spop (v2sf)  }
0xd9: {  	s23 =	sxor.u32 $0x80000000, s18;
	s2 =	sxor.u32 $0x80000000, s21  }
0xda: {  	v38 =	vmov s23;
	v57 =	vmov s2  }
0xdb: {  	v59 =	vshll.u32 v38, $0x7;
	v58 =	vand.u32 $0xFFFFFF80, v57  }
0xdc: {  	v33 =	vand.u32 $0x7F, v57;
	v34 =	vadd.s32 v59, v58  }
0xdd: {  	v62 =	vld [tilespmem:$0x10B90];
	v40 =	vor.u32 v33, v34  }
0xde: {  	v42 =	vld [tilespmem:$0x10A80]  }
0xdf: {  	v63 =	vld [tilespmem:$0x10B20]  }
0xe0: {  	v39 =	vld [tilespmem:$0x10A00]  }
0xe1: {  	v43 =	vld [tilespmem:$0x10B00]  }
0xe2: {  	v35 =	vld.idx.msk [tilespmem:v40+s10+$0x0], $0xffff  }
0xe3: {  	v34 =	vld.idx.msk [tilespmem:v40+s12+$0x0], $0xffff  }
0xe4: {  	v44 =	vld [tilespmem:$0x10B80]  }
0xe5: {  	v46 =	vld [tilespmem:$0x10A10]  }
0xe6: {  	v49 =	vld [tilespmem:$0x10B10]  }
0xe7: {  	v53 =	vld [tilespmem:$0x10A20];
	vm1 =	vgt.f32 v41, $5.000000070e-02;
	v60 =	vand.u32 $0x3FF, v35  }
0xe8: {  	v41 =	vld [tilespmem:$0x10B60];
	v36 =	vshrl.u32 v35, $0xA;
	v37 =	vand.u32 $0x3FF, v34;
	v34 =	vshrl.u32 v34, $0xA  }
0xe9: {  	v47 =	vld [tilespmem:$0x10A90];
	v33 =	vcvt.s32.f32 v60;
	v48 =	vand.u32 $0x3FF, v36;
	v36 =	vcvt.s32.f32 v37  }
0xea: {  	v55 =	vld [tilespmem:$0x10BB0];
	v61 =	vand.u32 $0x3FF, v34  }
0xeb: {  	v54 =	vld [tilespmem:$0x10AA0];
	v34 =	vcvt.s32.f32 v48;
	v37 =	vcvt.s32.f32 v61;
	v50 =	vsub.f32 v36, v33  }
0xec: {  	v45 =	vld [tilespmem:$0x10C00];
	v39 =	vmax.f32 v39, v33;
	v43 =	vmin.f32 v43, v36;
	v46 =	vmax.f32 v46, v33  }
0xed: {  	v57 =	vld [tilespmem:$0x10BA0];
	v49 =	vmin.f32 v49, v36;
	v60 =	vmax.f32 v53, v33;
	v41 =	vmin.f32 v41, v36  }
0xee: {  	v51 =	vld [tilespmem:$0x10C10];
	v52 =	vsub.f32 v37, v34;
	v42 =	vmax.f32 v42, v34;
	v44 =	vmin.f32 v44, v37  }
0xef: {  	v58 =	vld [tilespmem:$0x10C20];
	v43 =	vsub.f32 v43, v39;
	v59 =	vsub.f32 v49, v46;
	v47 =	vmax.f32 v47, v34  }
0xf0: {  	v53 =	vld [tilespmem:$0x10B30];
	v48 =	vmin.f32 v62, v37;
	v54 =	vmax.f32 v54, v34;
	v55 =	vmin.f32 v55, v37  }
0xf1: {  	v46 =	vld [tilespmem:$0x10A30];
	v42 =	vsub.f32 v44, v42;
	v47 =	vsub.f32 v48, v47;
	v44 =	vmin.f32 v63, v36  }
0xf2: {  	v49 =	vld [tilespmem:$0x10AB0];
	v39 =	vmul.f32 v52, v50;
	v43 =	vmax.f32 v43, $0.0e+00;
	v50 =	vmin.f32 v57, v37  }
0xf3: {  	v44 =	vsub.f32 v44, v60;
	v52 =	vld [tilespmem:$0x10B40];
	v42 =	vmax.f32 v42, $0.0e+00;
	v47 =	vmax.f32 v47, $0.0e+00  }
0xf4: {  	v57 =	vld [tilespmem:$0x10BC0];
	v61 =	vsub.f32 v50, v54;
	v42 =	vmul.f32 v42, v43;
	v45 =	vadd.f32 v39, v45  }
0xf5: {  	v50 =	vld [tilespmem:$0x10C30];
	v43 =	vmax.f32 v59, $0.0e+00;
	v62 =	vadd.f32 v51, v39;
	v44 =	vmax.f32 v44, $0.0e+00  }
0xf6: {  	v54 =	vld [tilespmem:$0x10AC0];
	v63 =	vadd.f32 v58, v39;
	v53 =	vmin.f32 v53, v36;
	v43 =	vmul.f32 v47, v43  }
0xf7: {  	v51 =	vld [tilespmem:$0x10A40];
	v48 =	vmax.f32 v61, $0.0e+00;
	v46 =	vmax.f32 v46, v33;
	v49 =	vmax.f32 v49, v34  }
0xf8: {  	v58 =	vld [tilespmem:$0x10C40];
	v45 =	vsub.f32 v45, v42;
	v44 =	vmul.f32 v48, v44;
	v46 =	vsub.f32 v53, v46  }
0xf9: {  	v61 =	vld [tilespmem:$0x10B50];
	v49 =	vsub.f32 v55, v49;
	v47 =	vsub.f32 v62, v43;
	v52 =	vmin.f32 v52, v36  }
0xfa: {  	v55 =	vld [tilespmem:$0x10BD0];
	v57 =	vmin.f32 v57, v37;
	v56 =	vmax.f32 v45, $9.999999960e-13;
	v48 =	vsub.f32 v63, v44  }
0xfb: {  	v54 =	vmax.f32 v54, v34;
	v46 =	vmax.f32 v46, $0.0e+00;
	(erf) = vrcp.f32 v56;
	v56 =	vld [tilespmem:$0x10A50]  }
0xfc: {  	v49 =	vmax.f32 v49, $0.0e+00;
	v60 =	vmax.f32 v47, $9.999999960e-13;
	v54 =	vsub.f32 v57, v54;
	v57 =	vld [tilespmem:$0x10AE0]  }
0xfd: {  	v51 =	vmax.f32 v51, v33;
	v46 =	vmul.f32 v49, v46;
	(erf) = vrcp.f32 v60;
	v60 =	vld [tilespmem:$0x10AD0]  }
0xfe: {  	v49 =	vadd.f32 v50, v39;
	v59 =	vmax.f32 v48, $9.999999960e-13;
	v51 =	vsub.f32 v52, v51;
	v52 =	vld [tilespmem:$0x10A60]  }
0xff: {  	v53 =	vmin.f32 v61, v36;
	v61 =	vsel vm1, $0x1, v24;
	v63 =	vmax.f32 v54, $0.0e+00;
	v54 =	vld [tilespmem:$0x10BE0]  }
0x100: {  	(erf) = vrcp.f32 v59;
	v49 =	vsub.f32 v49, v46;
	(xrf0) =	vadd.scan.msk.s32 $0xffff, v61;
	v61 =	vld [tilespmem:$0x10C60];
	v62 =	vmax.f32 v51, $0.0e+00  }
0x101: {  	v55 =	vmin.f32 v55, v37;
	v50 =	vmul.f32 v63, v62;
	v59 =	vmax.f32 v56, v33  }
0x102: {  	v56 =	vadd.f32 v58, v39;
	v57 =	vmax.f32 v57, v34;
	v62 =	vmax.f32 v60, v34;
	v60 =	vld [tilespmem:$0x10C50]  }
0x103: {  	v51 =	vsub.f32 v53, v59;
	v52 =	vmax.f32 v52, v33;
	v63 =	vsub.f32 v55, v62  }
0x104: {  	v41 =	vsub.f32 v41, v52;
	v54 =	vmin.f32 v54, v37;
	v56 =	vsub.f32 v56, v50  }
0x105: {  	v62 =	vmax.f32 v49, $9.999999960e-13;
	v52 =	vadd.f32 v61, v39;
	v54 =	vsub.f32 v54, v57  }
0x106: {  	v51 =	vmax.f32 v51, $0.0e+00;
	v53 =	vmax.f32 v63, $0.0e+00;
	v41 =	vmax.f32 v41, $0.0e+00  }
0x107: {  	v51 =	vmul.f32 v53, v51;
	v54 =	vmax.f32 v54, $0.0e+00;
	v55 =	vadd.f32 v60, v39  }
0x108: {  	(erf) = vrcp.f32 v62;
	v63 =	vmax.f32 v56, $9.999999960e-13;
	v54 =	vmul.f32 v54, v41  }
0x109: {  	vm3 =	vgt.f32 v47, $0.0e+00;
	v58 =	vpop (erf);
	(erf) = vrcp.f32 v63;
	v62 =	vsub.f32 v55, v51  }
0x10a: {  	vm1 =	vgt.f32 v45, $0.0e+00;
	vm15 =	vgt.f32 v49, $0.0e+00;
	v59, _, _ =	vpop (xrf0);
	v63 =	vsub.f32 v52, v54  }
0x10b: {  	(v2sf) =	vpush v59, $0xF;
	vm10 =	vgt.f32 v56, $0.0e+00;
	v47 =	vmax.f32 v62, $9.999999960e-13  }
0x10c: {  	v61 =	vpop (erf);
	v60 =	vmul.f32 v58, v42;
	v55 =	vmax.f32 v63, $9.999999960e-13;
	(erf) = vrcp.f32 v47  }
0x10d: {  	v42 =	vmul.f32 v61, v43;
	v41 =	vmov s9;
	v52 =	vpop (erf);
	(erf) = vrcp.f32 v55  }
0x10e: {  	vm13 =	vgt.u32 v41, v0;
	vm8 =	vgt.u32 v41, v26;
	vm9 =	vgt.u32 v41, v27  }
0x10f: {  	vm2 =	vgt.f32 v60, $6.000000240e-01;
	vm12 =	vgt.f32 v42, $6.000000240e-01;
	v42 =	vmul.f32 v52, v44  }
0x110: {  	vm1 =	vmand vm1, vm2;
	vm2 =	vgt.f32 v48, $0.0e+00;
	vm3 =	vmand vm3, vm12  }
0x111: {  	vm12 =	vgt.u32 v41, v29;
	vm1 =	vmand vm13, vm1;
	vm14 =	vgt.f32 v42, $6.000000240e-01;
	v57 =	vpop (erf)  }
0x112: {  	vm3 =	vmand vm8, vm3;
	vm2 =	vmand vm2, vm14;
	v58 =	vmul.f32 v57, v46;
	v59 =	vpop (erf)  }
0x113: {  	vm1 =	vmor vm1, vm3;
	vm2 =	vmand vm9, vm2;
	v44 =	vmul.f32 v59, v50  }
0x114: {  	vm14 =	vgt.f32 v63, $0.0e+00;
	vm1 =	vmor vm1, vm2;
	vm3 =	vgt.f32 v58, $6.000000240e-01  }
0x115: {  	vm2 =	vgt.u32 v41, v28;
	vm3 =	vmand vm15, vm3;
	vm11 =	vgt.f32 v44, $6.000000240e-01;
	v60 =	vpop (erf)  }
0x116: {  	vm2 =	vmand vm2, vm3;
	vm3 =	vmand vm10, vm11;
	v42 =	vmul.f32 v60, v51;
	v61 =	vpop (erf)  }
0x117: {  	vm1 =	vmor vm1, vm2;
	vm2 =	vmand vm12, vm3;
	v44 =	vmul.f32 v61, v54  }
0x118: {  	vm3 =	vgt.f32 v62, $0.0e+00;
	vm1 =	vmor vm1, vm2;
	vm13 =	vgt.f32 v42, $6.000000240e-01  }
0x119: {  	vm2 =	vgt.u32 v41, v30;
	vm3 =	vmand vm3, vm13;
	vm15 =	vgt.f32 v44, $6.000000240e-01  }
0x11a: {  	vm2 =	vmand vm2, vm3;
	vm3 =	vgt.u32 v41, v31;
	vm4 =	vmand vm14, vm15  }
0x11b: {  	vm1 =	vmor vm1, vm2;
	vm2 =	vmand vm3, vm4  }
0x11c: {  	vm1 =	vmor vm1, vm2  }
0x11d: {  	v62 =	vsel vm1, $0x3F800000, v25  }
0x11e: {  	(xrf0) =	vmax.scan.msk.f32 $0xffff, v62;
	_ =	sdelay $0x4  }
0x11f: {  	s21 =	spop (v2sf)  }
0x120: {  	p2 =	slt.s32 s21, $0x1;
	v63, _, _ =	vpop (xrf0)  }
0x121: {  	s23 =	simm.s32 @!p2 $0x0;
	v42 =	vimm.f32 @!p2 $-Inf;
	(v2sf) =	vpush v63, $0xF  }
0x122: {  	[tilespmem:v40+s23+$0x0] =	vst.idx.msk @!p2 $0x1, v42  }
0x123: {  	v40 =	vld @!p2 [tilespmem:s11+$0x0]  }
0x124: {  	v42 =	vld @!p2 [tilespmem:s11+$0x10]  }
0x125: {  	s24 =	simm.s32 $0x1;
	s18 =	sadd.s32 s11, s2;
	v43 =	vld @!p2 [tilespmem:s11+$0x20]  }
0x126: {  	p0 =	sgt.s32 s18, $0x3FFF;
	p1 =	sgt.s32 s18, $0x4FFF;
	s23 =	simm.s32 $0x1;
	v44 =	vld @!p2 [tilespmem:s11+$0x30]  }
0x127: {  	s24 =	simm.s32 @!p1 $0x0;
	v45 =	vld @!p2 [tilespmem:s11+$0x40];
	s23 =	simm.s32 @!p0 $0x0  }
0x128: {  	v46 =	vld @!p2 [tilespmem:s11+$0x50];
	p0 =	sgt.s32 s18, $0x53FF;
	s23 =	sadd.s32 s24, s23;
	s24 =	simm.s32 $0x1  }
0x129: {  	s24 =	simm.s32 @!p0 $0x0;
	p0 =	sgt.s32 s18, $0x54FF;
	s18 =	simm.s32 $0x1;
	v40 =	vmax.f32 @!p2 v40, v42;
	v42 =	vld @!p2 [tilespmem:s11+$0x60]  }
0x12a: {  	s13 =	sadd.s32 s24, s23;
	s18 =	simm.s32 @!p0 $0x0;
	v40 =	vmax.f32 @!p2 v40, v43;
	v43 =	vld @!p2 [tilespmem:s11+$0x70]  }
0x12b: {  	s23 =	simm.s32 $0x100;
	s11 =	sadd.s32 s18, s13;
	v40 =	vmax.f32 @!p2 v40, v44  }
0x12c: {  	s18 =	smov.u32 s28;
	p1 =	seq.s32 s11, $0x3;
	p0 =	seq.s32 s11, $0x2;
	v40 =	vmax.f32 @!p2 v40, v45  }
0x12d: {  	p4 =	seq.s32 s11, $0x1;
	p5 =	seq.s32 s11, $0x0;
	s18 =	smov.u32 @p1 s29;
	v40 =	vmax.f32 @!p2 v40, v46  }
0x12e: {  	p3 =	slt.u32 s11, $0x3;
	s2 =	simm.s32 @!p0 $0x0;
	s18 =	smov.u32 @p0 s30;
	v40 =	vmax.f32 @!p2 v40, v42  }
0x12f: {  	s23 =	simm.s32 @!p1 $0x40;
	s2 =	simm.s32 @p0 $0x1;
	s18 =	smov.u32 @p4 s31;
	v40 =	vmax.f32 @!p2 v40, v43  }
0x130: {  	s23 =	simm.s32 @p3 $0x3E8;
	s18 =	smov.u32 @p5 s0;
	(xrf0) =	vmax.scan.msk.f32 @!p2 $0xffff, v40;
	s14 =	spop (v2sf)  }
0x131: {  	p3 =	sgt.s32 s21, $0x0;
	p6 =	slt.s32 s18, s23;
	p0 =	sgt.f32 s14, $0.0e+00  }
0x132: {  	p3 =	por !p3, !p6  }
0x133: {  	p6 =	por !p3, !p3;
	p0 =	por !p0, !p0  }
0x134: {  	s25 =	simm.s32 $0x1;
	[smem:$0x7FD] =	sst s2;
	p0 =	por !p6, !p0  }
0x135: {  	s2 =	simm.s32 $0x1;
	s25 =	simm.s32 @!p6 $0x0;
	p3 =	por !p0, !p0  }
0x136: {  	v40, _, _ =	vpop @!p2 (xrf0);
	s14 =	smov.u32 s25;
	s2 =	simm.s32 @!p3 $0x0  }
0x137: {  	s18 =	simm.s32 @!p2 $0x10900;
	v40 =	vbroadcast @!p2 v40, $0xF;
	s14 =	simm.s32 @!p5 $0x0;
	s9 =	sadd.s32 s2, s9  }
0x138: {  	s1 =	sadd.s32 s25, s1;
	s0 =	sadd.s32 s0, s14;
	v42 =	vimm.s32 @p3 $0x3020100;
	p0 =	sgt.u32 s9, $0x63  }
0x139: {  	[tilespmem:v38+s18+$0x0] =	vst.idx.msk @!p2 $0x1, v40;
	s14 =	smov.u32 s25;
	s23 =	simm.s32 @p3 $0x10A00;
	v38 =	vunpack.c.0.s8.s32 @p3 v42;
	p2 =	sgt.u32 @!p0 s1, $0xCF7  }
0x13a: {  	s14 =	simm.s32 @!p4 $0x0;
	s24 =	simm.s32 @p3 $0x10A80;
	vm1 =	vcmask @p3 $0xF00;
	[tilespmem:v41+s23+$0x0] =	vst.idx.msk @p3 $0x1, v33;
	p0 =	por p0, p2  }
0x13b: {  	s18 =	simm.s32 @p3 $0x10B00;
	v40 =	vshll.u32 @p3 v41, $0x2;
	[tilespmem:v41+s24+$0x0] =	vst.idx.msk @p3 $0x1, v34;
	s24 =	sld [smem:$0x7FD];
	v38 =	vnsel @p3 vm1, $0x3, v38;
	p4 =	sgt.s32 @!p0 s21, $0x0  }
0x13c: {  	v35 =	vshrl.u32 v35, $0x14;
	s31 =	sadd.s32 s31, s14;
	s23 =	simm.s32 @p3 $0x10B80;
	[tilespmem:v41+s18+$0x0] =	vst.idx.msk @p3 $0x1, v36;
	v38 =	vor.u32 @p3 v38, v40;
	p0 =	por p0, !p4  }
.Ltmp2:
0x13d: {  	v35 =	vand.u32 $0x7F, v35;
	s14 =	smov.u32 s25;
	s13 =	simm.s32 @p3 $0x10C00;
	vm1 =	vcmask @p3 $0x3F0C;
	[tilespmem:v41+s23+$0x0] =	vst.idx.msk @p3 $0x1, v37;
	(pc) =	sbr.rel @!p0 .LBB2_5-.Ltmp2, $4  }
0x13e: {  	v35 =	vcvt.s32.f32 v35;
	s2 =	simm.s32 @p3 $0x10C80;
	s18 =	simm.s32 @p3 $0x10D00;
	v36 =	vsel @p3 vm1, v37, v36;
	vm1 =	vcmask @p3 $0x3F08;
	[tilespmem:v41+s13+$0x0] =	vst.idx.msk @p3 $0x1, v39;
	p2 =	seq.s32 s24, $0x1  }
0x13f: {  	vm2 =	vmmov @p3 $0x1;
	[tilespmem:v41+s2+$0x0] =	vst.idx.msk @p3 $0x1, v32;
	v32 =	vsel @p3 vm1, v36, v34;
	s14 =	simm.s32 @!p2 $0x0;
	s2 =	smov.u32 s25;
	p2 =	seq.s32 s11, $0x4  }
0x140: {  	s13 =	simm.s32 @p3 $0x10D80;
	[tilespmem:v41+s18+$0x0] =	vst.idx.msk @p3 $0x1, v35;
	v32 =	vsel @p3 vm2, v33, v32;
	s2 =	simm.s32 @!p1 $0x0;
	s25 =	simm.s32 @!p2 $0x0  }
0x141: {  	s30 =	sadd.s32 s30, s14;
	s29 =	sadd.s32 s29, s2;
	s28 =	sadd.s32 s28, s25;
	[tilespmem:v38+s13+$0x0] =	vst.idx.msk @p3 $0xf, v32  }
0x142: {  	s0 =	simm.s32 $0x0;
	s1 =	rddreg [dreg:$0x5];
	s2 =	simm.s32 $0x10C80  }
0x143: {  	[hbm4b:s1+s0] =	stream.linear.scatter [tilespmem:s2], [sflag:$0x2], $0x80, $0x38;
	[tilespmem:$0x10F80] =	vst v63  }
0x144: {  	_ =	swait.ge [sflag:s22], $0x80  }
0x145: {  	[sflag:s22] =	ssyncset.done $0x0  }
0x146: {  	s29 =	simm.s32 $0x10D00;
	s28 =	rddreg [dreg:$0x6];
	[sflag:s22] =	ssyncadd.s32 $0xFFFFFF80  }
0x147: {  	[hbm4b:s28+s0] =	stream.linear.scatter [tilespmem:s29], [sflag:$0x2], $0x80, $0x38;
	[tilespmem:$0x10F80] =	vst v63  }
0x148: {  	s26 =	sadd.s32 $0x1, s26;
	_ =	swait.ge [sflag:s22], $0x80  }
0x149: {  	s30 =	simm.s32 $0x400;
	p0 =	sne.s32 s26, s16;
	[sflag:s22] =	ssyncset.done $0x0  }
.Ltmp3:
0x14a: {  	s31 =	simm.s32 $0x10D80;
	[sflag:s22] =	ssyncadd.s32 $0xFFFFFF80;
	(pc) =	sbr.rel @p0 .LBB2_2-.Ltmp3, $4  }
0x14b: {  	[hbm4b:s15+s17] =	stream.strided.scatter [tilespmem:s31], [sflag:$0x2], $0x200, s30, s17, $0x38;
	[tilespmem:$0x10F80] =	vst v63  }
0x14c: {  	_ =	swait.ge [sflag:s22], $0x200  }
0x14d: {  	[sflag:s22] =	ssyncset.done $0x0  }
0x14e: {  	[sflag:s22] =	ssyncadd.s32 $0xFFFFFE00  }
.LBB2_7:
0x14f: {  	_ =	sfence.sel $0x180000  }
0x150: {  	[bflag:$0x0] =	sbarrier.arrive $0xFFFF  }
0x151: {  	_ =	strace $0x90000047  }
0x152: {  	s0 =	stileid.u32;
	[bflag:$0x2] =	sbarrier.arrive $0xFFFF  }
0x153: {  	p0 =	sne.s32 s0, $0x0;
	s0 =	rddreg [dreg:$0x4]  }
0x154: {  	s0 =	sadd.s32 @!p0 $0x100000, s0  }
0x155: {  	[sflag:s0] =	ssyncadd.tile.s32 @!p0 $0x1;
	_ =	shalt  }
.Lfunc_end2:
_tile_overlayer_lowered:
.L_overlay_start_2:
0x156: {  	(tag) =	ssettag $0x2  }
0x157: {  	s0 =	rddreg [dreg:$0x0];
	s2 =	stileid.u32  }
0x158: {  	s1 =	rddreg [dreg:$0x1];
	p0 =	sne.s32 s2, $0x0  }
0x159: {  	s3 =	rddreg [dreg:$0x2];
	[bflag:$0x3] =	sbarrier.arrive $0xFFFF;
	s2 =	simm.s32 @!p0 $0x1C02  }
0x15a: {  	[timem:s3], [sflag:s2] =	dma.local @!p0 [hbm:s0], s1  }
0x15b: {  	s0 =	simm.s32 @!p0 $0x2  }
0x15c: {  	_ =	swait.ge @!p0 [sflag:s0], s1  }
0x15d: {  	s1 =	ssub.s32 @!p0 $0x0, s1;
	[sflag:s0] =	ssyncset.done @!p0 $0x0  }
0x15e: {  	[sflag:s0] =	ssyncadd.s32 @!p0 s1  }
0x15f: {  	[bflag:$0x3] =	sbarrier.arrive $0xFFFF  }
0x160: {  	_ =	shalt  }

</sc_bundles>
